<compile_context>
chip_gen: v7x
topology: tpu7x:2x2x1
jax: 0.10.2.dev20260603
libtpu: 0.0.44.dev20260713+nightly
codegen_flags: <defaults>
</compile_context>

<pallas_src>
import functools
import jax
import jax.numpy as jnp
from jax import lax
from jax.experimental import pallas as pl
from jax.experimental.pallas import tpu as pltpu
from jax.experimental.pallas import tpu_sc as plsc

N = 10000
E = 320000
D = 128
OUT = 64
G = 64

NW = 32
CHUNK = 128
NCH = 80
EPW = NCH * CHUNK
NACC = 10240
RPS = NACC // 16
CNTR = NACC // 128
GC = 16

_mesh = plsc.VectorSubcoreMesh(core_axis_name="c", subcore_axis_name="s")


def _sc_body(with_counts, refs):
    if with_counts:
        (y_hbm, src_hbm, dst_hbm, zeros_hbm, part_hbm, cnt_hbm,
         src_v, dst_v, rows_v, cnt_v, rowidx_v,
         acc_sh, cnt_sh, sem0, sem1) = refs
    else:
        (y_hbm, src_hbm, dst_hbm, zeros_hbm, part_hbm,
         src_v, dst_v, rows_v,
         acc_sh, sem0, sem1) = refs

    cid = lax.axis_index("c")
    sid = lax.axis_index("s")
    wid = sid * 2 + cid

    pltpu.sync_copy(zeros_hbm, acc_sh.at[pl.ds(sid * RPS, RPS)])
    if with_counts:
        pltpu.sync_copy(zeros_hbm.at[pl.ds(0, CNTR)], cnt_v)

        @pl.when(sid == 0)
        def _():
            pltpu.sync_copy(zeros_hbm.at[pl.ds(0, CNTR)], cnt_sh)

        for t in range(CNTR // 16):
            rowidx_v[pl.ds(t * 16, 16)] = lax.iota(jnp.int32, 16) + t * 16
    plsc.subcore_barrier()

    ones16 = jnp.full((16,), 1.0, jnp.float32)

    def loop_grp(grp, carry):
        pltpu.sync_copy(src_hbm.at[wid, pl.ds(grp * GC, GC)], src_v)
        pltpu.sync_copy(dst_hbm.at[wid, pl.ds(grp * GC, GC)], dst_v)
        pltpu.async_copy(y_hbm.at[src_v.at[0]], rows_v.at[0], sem0)
        pltpu.async_copy(y_hbm.at[src_v.at[1]], rows_v.at[1], sem1)

        def pair_body(i, c):
            for b in range(2):
                j = i * 2 + b
                sem = sem0 if b == 0 else sem1
                pltpu.make_async_copy(
                    y_hbm.at[src_v.at[0]], rows_v.at[b], sem).wait()
                if with_counts:
                    for k in range(8):
                        idx16 = dst_v[j, pl.ds(k * 16, 16)]
                        r16 = lax.shift_right_logical(idx16, 7)
                        c16 = lax.bitwise_and(idx16, 127)
                        plsc.addupdate_scatter(cnt_v, [r16, c16], ones16)
                pltpu.sync_copy(rows_v.at[b], acc_sh.at[dst_v.at[j]], add=True)

                @pl.when(j + 2 < GC)
                def _():
                    pltpu.async_copy(
                        y_hbm.at[src_v.at[j + 2]], rows_v.at[b], sem)
            return c

        lax.fori_loop(0, GC // 2, pair_body, 0)
        return carry

    lax.fori_loop(0, NCH // GC, loop_grp, 0)

    if with_counts:
        pltpu.sync_copy(cnt_v, cnt_sh.at[rowidx_v], add=True)
    plsc.subcore_barrier()

    pltpu.sync_copy(acc_sh.at[pl.ds(sid * RPS, RPS)],
                    part_hbm.at[cid, pl.ds(sid * RPS, RPS)])
    if with_counts:
        @pl.when(sid == 0)
        def _():
            pltpu.sync_copy(cnt_sh, cnt_hbm.at[cid])


def _make_sc_kernel(with_counts):
    out_type = [jax.ShapeDtypeStruct((2, NACC, D), jnp.float32)]
    if with_counts:
        out_type.append(jax.ShapeDtypeStruct((2, CNTR, 128), jnp.float32))
    scratch = [
        pltpu.VMEM((GC, CHUNK), jnp.int32),
        pltpu.VMEM((GC, CHUNK), jnp.int32),
        pltpu.VMEM((2, CHUNK, D), jnp.float32),
    ]
    if with_counts:
        scratch += [
            pltpu.VMEM((CNTR, 128), jnp.float32),
            pltpu.VMEM((CNTR,), jnp.int32),
        ]
    scratch_sh = [pltpu.VMEM_SHARED((NACC, D), jnp.float32)]
    if with_counts:
        scratch_sh.append(pltpu.VMEM_SHARED((CNTR, 128), jnp.float32))
    scratch += scratch_sh + [pltpu.SemaphoreType.DMA, pltpu.SemaphoreType.DMA]

    def wrapped(*refs):
        _sc_body(with_counts, refs)

    return pl.kernel(
        wrapped,
        out_type=tuple(out_type) if with_counts else out_type[0],
        mesh=_mesh,
        scratch_types=scratch,
        compiler_params=pltpu.CompilerParams(needs_layout_passes=False),
    )


_sc_scatter_counts = _make_sc_kernel(True)
_sc_scatter = _make_sc_kernel(False)



BN = 1000


def _tc_in_body(x_ref, wl_ref, wr_ref, y_ref, z_ref):
    x = x_ref[...]
    y_ref[...] = jnp.dot(x, wl_ref[...], preferred_element_type=jnp.float32)
    z_ref[...] = jnp.dot(x, wr_ref[...], preferred_element_type=jnp.float32)


def _tc_in(x, Wl, Wr):
    return pl.pallas_call(
        _tc_in_body,
        grid=(N // BN,),
        in_specs=[
            pl.BlockSpec((BN, D), lambda i: (i, 0)),
            pl.BlockSpec((D, D), lambda i: (0, 0)),
            pl.BlockSpec((D, D), lambda i: (0, 0)),
        ],
        out_specs=[
            pl.BlockSpec((BN, D), lambda i: (i, 0)),
            pl.BlockSpec((BN, D), lambda i: (i, 0)),
        ],
        out_shape=[
            jax.ShapeDtypeStruct((N, D), jnp.float32),
            jax.ShapeDtypeStruct((N, D), jnp.float32),
        ],
    )(x, Wl, Wr)


def _lrelu(v):
    return jnp.where(v >= 0, v, 0.01 * v)


def _tc_mid_body(p_ref, z_ref, inv_ref, b_ref, wl_ref, wr_ref, y_ref, zo_ref):
    s = p_ref[0] + p_ref[1]
    h = _lrelu(s * inv_ref[...] + z_ref[...] + b_ref[...])
    y_ref[...] = jnp.dot(h, wl_ref[...], preferred_element_type=jnp.float32)
    zo_ref[...] = jnp.dot(h, wr_ref[...], preferred_element_type=jnp.float32)


def _tc_mid(parts, z, inv, b, Wl, Wr):
    return pl.pallas_call(
        _tc_mid_body,
        grid=(N // BN,),
        in_specs=[
            pl.BlockSpec((2, BN, D), lambda i: (0, i, 0)),
            pl.BlockSpec((BN, D), lambda i: (i, 0)),
            pl.BlockSpec((BN, 1), lambda i: (i, 0)),
            pl.BlockSpec((1, D), lambda i: (0, 0)),
            pl.BlockSpec((D, D), lambda i: (0, 0)),
            pl.BlockSpec((D, D), lambda i: (0, 0)),
        ],
        out_specs=[
            pl.BlockSpec((BN, D), lambda i: (i, 0)),
            pl.BlockSpec((BN, D), lambda i: (i, 0)),
        ],
        out_shape=[
            jax.ShapeDtypeStruct((N, D), jnp.float32),
            jax.ShapeDtypeStruct((N, D), jnp.float32),
        ],
    )(parts, z, inv, b.reshape(1, D), Wl, Wr)


BP = 400


def _tc_out_body(p_ref, z_ref, inv_ref, b_ref, ids_ref, wfc_ref, bfc_ref,
                 o_ref, pool_ref):
    i = pl.program_id(0)

    @pl.when(i == 0)
    def _():
        pool_ref[...] = jnp.full((G, D), -jnp.inf, jnp.float32)

    s = p_ref[0] + p_ref[1]
    h = _lrelu(s * inv_ref[...] + z_ref[...] + b_ref[...])
    ids = ids_ref[...]
    gids = lax.broadcasted_iota(jnp.int32, (G, 1, 1), 0)
    mask = ids[None, :, :] == gids
    hm = jnp.where(mask, h[None, :, :], -jnp.inf)
    pool_ref[...] = jnp.maximum(pool_ref[...], jnp.max(hm, axis=1))

    @pl.when(i == N // BP - 1)
    def _():
        o_ref[...] = (
            jnp.dot(pool_ref[...], wfc_ref[...],
                    preferred_element_type=jnp.float32) + bfc_ref[...])


def _tc_out(parts, z, inv, b, ids, Wfc, bfc):
    return pl.pallas_call(
        _tc_out_body,
        grid=(N // BP,),
        in_specs=[
            pl.BlockSpec((2, BP, D), lambda i: (0, i, 0)),
            pl.BlockSpec((BP, D), lambda i: (i, 0)),
            pl.BlockSpec((BP, 1), lambda i: (i, 0)),
            pl.BlockSpec((1, D), lambda i: (0, 0)),
            pl.BlockSpec((BP, 1), lambda i: (i, 0)),
            pl.BlockSpec((D, OUT), lambda i: (0, 0)),
            pl.BlockSpec((1, OUT), lambda i: (0, 0)),
        ],
        out_specs=pl.BlockSpec((G, OUT), lambda i: (0, 0)),
        out_shape=jax.ShapeDtypeStruct((G, OUT), jnp.float32),
        scratch_shapes=[pltpu.VMEM((G, D), jnp.float32)],
    )(parts, z, inv, b.reshape(1, D), ids, Wfc, bfc.reshape(1, OUT))


def kernel(x, edge_index, batch, W1l, b1, W1r, W2l, b2, W2r, W3l, b3, W3r,
           Wfc, bfc):
    src = edge_index[0].reshape(NW, E // NW)
    dst = edge_index[1].reshape(NW, E // NW)
    pad = EPW - E // NW
    src_p = jnp.concatenate(
        [src, jnp.zeros((NW, pad), jnp.int32)], axis=1).reshape(NW, NCH, CHUNK)
    dst_p = jnp.concatenate(
        [dst, jnp.full((NW, pad), NACC - 1, jnp.int32)],
        axis=1).reshape(NW, NCH, CHUNK)
    zeros = jnp.zeros((RPS, 128), jnp.float32)
    ids = batch.reshape(N, 1)

    y1, z1 = _tc_in(x, W1l, W1r)
    parts1, cnts = _sc_scatter_counts(y1, src_p, dst_p, zeros)
    cnt = (cnts[0] + cnts[1]).reshape(-1)[:N]
    inv = (1.0 / jnp.clip(cnt, 1.0, None)).reshape(N, 1)

    y2, z2 = _tc_mid(parts1, z1, inv, b1, W2l, W2r)
    parts2 = _sc_scatter(y2, src_p, dst_p, zeros)

    y3, z3 = _tc_mid(parts2, z2, inv, b2, W3l, W3r)
    parts3 = _sc_scatter(y3, src_p, dst_p, zeros)

    return _tc_out(parts3, z3, inv, b3, ids, Wfc, bfc)

# --- scband reference (transcript-rebuilt; emitter-appended) ---
"""Pipeline reference for scband-flow-gnn-31971736551685 (READ-ONLY COPY).

The authoritative reference and input builder live on the scoring server;
editing this copy changes nothing except your own understanding.
"""

import jax, jax.numpy as jnp
import numpy as np

N = 10000
E = 320000
D_IN = 128
H = 128
OUT = 64
G = 64


def _init_linear(key, fan_in, fan_out, bias=True):
    k1, k2 = jax.random.split(key)
    bound = 1.0 / np.sqrt(fan_in)
    W = jax.random.uniform(k1, (fan_in, fan_out), minval=-bound, maxval=bound, dtype=jnp.float32)
    if bias:
        b = jax.random.uniform(k2, (fan_out,), minval=-bound, maxval=bound, dtype=jnp.float32)
        return W, b
    return W, None


def setup_inputs(seed: int = 0) -> dict:
    key = jax.random.key(seed)
    ks = jax.random.split(key, 12)
    x = jax.random.normal(ks[0], (N, D_IN), dtype=jnp.float32)
    edge_index = jax.random.randint(ks[1], (2, E), 0, N, dtype=jnp.int32)
    batch = jnp.sort(jax.random.randint(ks[2], (N,), 0, G, dtype=jnp.int32))
    # SAGEConv params: lin_l (applied to aggregated neighbors, has bias), lin_r (applied to root, no bias)
    W1l, b1 = _init_linear(ks[3], D_IN, H, bias=True)
    W1r, _ = _init_linear(ks[4], D_IN, H, bias=False)
    W2l, b2 = _init_linear(ks[5], H, H, bias=True)
    W2r, _ = _init_linear(ks[6], H, H, bias=False)
    W3l, b3 = _init_linear(ks[7], H, H, bias=True)
    W3r, _ = _init_linear(ks[8], H, H, bias=False)
    Wfc, bfc = _init_linear(ks[9], H, OUT, bias=True)
    return {
        "x": x, "edge_index": edge_index, "batch": batch,
        "W1l": W1l, "b1": b1, "W1r": W1r,
        "W2l": W2l, "b2": b2, "W2r": W2r,
        "W3l": W3l, "b3": b3, "W3r": W3r,
        "Wfc": Wfc, "bfc": bfc,
    }


def _sage_conv(x, edge_index, Wl, bl, Wr):
    # PyG SAGEConv with mean aggregation:
    #   out = lin_l(mean_{j in N(i)} x_j) + lin_r(x_i)
    src = edge_index[0]
    dst = edge_index[1]
    n = x.shape[0]
    msgs = jnp.take(x, src, axis=0)                      # gather (SparseCore)
    summed = jax.ops.segment_sum(msgs, dst, num_segments=n)  # scatter-add
    cnt = jax.ops.segment_sum(jnp.ones((edge_index.shape[1],), x.dtype), dst, num_segments=n)
    agg = summed / jnp.clip(cnt, 1.0, None)[:, None]
    return agg @ Wl + bl + x @ Wr


def reference(x, edge_index, batch, W1l, b1, W1r, W2l, b2, W2r, W3l, b3, W3r, Wfc, bfc):
    h = jax.nn.leaky_relu(_sage_conv(x, edge_index, W1l, b1, W1r), negative_slope=0.01)
    h = jax.nn.leaky_relu(_sage_conv(h, edge_index, W2l, b2, W2r), negative_slope=0.01)
    h = jax.nn.leaky_relu(_sage_conv(h, edge_index, W3l, b3, W3r), negative_slope=0.01)
    pooled = jax.ops.segment_max(h, batch, num_segments=G)  # global_max_pool
    out = pooled @ Wfc + bfc
    return out

if __name__ == "__main__":
    import jax
    _d = setup_inputs()
    print(jax.jit(kernel)(*tuple(_d.values())))

</pallas_src>

<mosaic_0001>
#map = affine_map<(d0, d1) -> (0, 0)>
#map1 = affine_map<(d0, d1) -> (0, 0, 0)>
module attributes {stable_mosaic.version = 14 : i64} {
  func.func @wrapped(%arg0: i32, %arg1: i32, %arg2: memref<10000x128xf32, #tpu.memory_space<hbm>>, %arg3: memref<32x80x128xi32, #tpu.memory_space<hbm>>, %arg4: memref<32x80x128xi32, #tpu.memory_space<hbm>>, %arg5: memref<640x128xf32, #tpu.memory_space<hbm>>, %arg6: memref<2x10240x128xf32, #tpu.memory_space<hbm>>, %arg7: memref<2x80x128xf32, #tpu.memory_space<hbm>>, %arg8: memref<16x128xi32, #tpu.memory_space<vmem>>, %arg9: memref<16x128xi32, #tpu.memory_space<vmem>>, %arg10: memref<2x128x128xf32, #tpu.memory_space<vmem>>, %arg11: memref<80x128xf32, #tpu.memory_space<vmem>>, %arg12: memref<80xi32, #tpu.memory_space<vmem>>, %arg13: memref<10240x128xf32, #tpu.memory_space<vmem_shared>>, %arg14: memref<80x128xf32, #tpu.memory_space<vmem_shared>>, %arg15: memref<!tpu.dma_semaphore, #tpu.memory_space<semaphore_mem>>, %arg16: memref<!tpu.dma_semaphore, #tpu.memory_space<semaphore_mem>>) attributes {dimension_semantics = [#tpu.dimension_semantics<core_parallel>, #tpu.dimension_semantics<subcore_parallel>], iteration_bounds = array<i64: 2, 16>, scalar_prefetch = 0 : i64, scratch_operands = 9 : i64, tpu.core_type = #tpu.core_type<sc_vector_subcore>, window_params = [{transform_indices = #map}, {transform_indices = #map1}, {transform_indices = #map1}, {transform_indices = #map}, {transform_indices = #map1}, {transform_indices = #map1}]} {
    %mul3A = arith.constant 2 : i32
    %mul3A_0 = arith.muli %arg1, %mul3A : i32
    %add3A = arith.addi %mul3A_0, %arg0 : i32
    %mul3A_1 = arith.constant 640 : i32
    %mul3A_2 = arith.muli %arg1, %mul3A_1 : i32
    "tpu.region"() ({
      %run_scoped3A = tpu.sem_alloc : memref<!tpu.dma_semaphore, #tpu.memory_space<semaphore_mem>>
      %dma_start3A = arith.constant 0 : i32
      %dma_start3A_49 = tpu.memref_slice %arg13[%mul3A_2, %dma_start3A] : memref<10240x128xf32, #tpu.memory_space<vmem_shared>> -> memref<640x128xf32, #tpu.memory_space<vmem_shared>>
      tpu.enqueue_dma source(%arg5 : memref<640x128xf32, #tpu.memory_space<hbm>>) target(%dma_start3A_49 : memref<640x128xf32, #tpu.memory_space<vmem_shared>>) target_semaphore(%run_scoped3A : memref<!tpu.dma_semaphore, #tpu.memory_space<semaphore_mem>>)
      %dma_wait3A = arith.constant 0 : i32
      %dma_wait3A_50 = tpu.memref_slice %arg13[%mul3A_2, %dma_wait3A] : memref<10240x128xf32, #tpu.memory_space<vmem_shared>> -> memref<640x128xf32, #tpu.memory_space<vmem_shared>>
      tpu.wait_dma2 semaphore(%run_scoped3A : memref<!tpu.dma_semaphore, #tpu.memory_space<semaphore_mem>>) src(%arg5 : memref<640x128xf32, #tpu.memory_space<hbm>>) dst(%dma_wait3A_50 : memref<640x128xf32, #tpu.memory_space<vmem_shared>>)
      tpu.yield
    }) : () -> ()
    "tpu.region"() ({
      %run_scoped3A = tpu.sem_alloc : memref<!tpu.dma_semaphore, #tpu.memory_space<semaphore_mem>>
      %dma_start3A = arith.constant 0 : i32
      %dma_start3A_49 = arith.constant 0 : i32
      %dma_start3A_50 = tpu.memref_slice %arg5[%dma_start3A, %dma_start3A_49] : memref<640x128xf32, #tpu.memory_space<hbm>> -> memref<80x128xf32, #tpu.memory_space<hbm>>
      %dma_start3A_51 = arith.constant 0 : i32
      %dma_start3A_52 = arith.constant 0 : i32
      %dma_start3A_53 = tpu.memref_slice %arg5[%dma_start3A_51, %dma_start3A_52] : memref<640x128xf32, #tpu.memory_space<hbm>> -> memref<80x128xf32, #tpu.memory_space<hbm>>
      tpu.enqueue_dma source(%dma_start3A_53 : memref<80x128xf32, #tpu.memory_space<hbm>>) target(%arg11 : memref<80x128xf32, #tpu.memory_space<vmem>>) target_semaphore(%run_scoped3A : memref<!tpu.dma_semaphore, #tpu.memory_space<semaphore_mem>>)
      %dma_wait3A = arith.constant 0 : i32
      %dma_wait3A_54 = arith.constant 0 : i32
      %dma_wait3A_55 = tpu.memref_slice %arg5[%dma_wait3A, %dma_wait3A_54] : memref<640x128xf32, #tpu.memory_space<hbm>> -> memref<80x128xf32, #tpu.memory_space<hbm>>
      %dma_wait3A_56 = arith.constant 0 : i32
      %dma_wait3A_57 = arith.constant 0 : i32
      %dma_wait3A_58 = tpu.memref_slice %arg5[%dma_wait3A_56, %dma_wait3A_57] : memref<640x128xf32, #tpu.memory_space<hbm>> -> memref<80x128xf32, #tpu.memory_space<hbm>>
      tpu.wait_dma2 semaphore(%run_scoped3A : memref<!tpu.dma_semaphore, #tpu.memory_space<semaphore_mem>>) src(%dma_wait3A_58 : memref<80x128xf32, #tpu.memory_space<hbm>>) dst(%arg11 : memref<80x128xf32, #tpu.memory_space<vmem>>)
      tpu.yield
    }) : () -> ()
    %eq3A = arith.constant 0 : i32
    %eq3A_3 = arith.cmpi eq, %arg1, %eq3A : i32
    %convert_element_type3A = arith.extui %eq3A_3 : i1 to i32
    %cond3A = arith.constant 0 : i32
    %cond3A_4 = arith.cmpi ne, %convert_element_type3A, %cond3A : i32
    scf.if %cond3A_4 {
      "tpu.region"() ({
        %run_scoped3A = tpu.sem_alloc : memref<!tpu.dma_semaphore, #tpu.memory_space<semaphore_mem>>
        %dma_start3A = arith.constant 0 : i32
        %dma_start3A_49 = arith.constant 0 : i32
        %dma_start3A_50 = tpu.memref_slice %arg5[%dma_start3A, %dma_start3A_49] : memref<640x128xf32, #tpu.memory_space<hbm>> -> memref<80x128xf32, #tpu.memory_space<hbm>>
        tpu.enqueue_dma source(%dma_start3A_50 : memref<80x128xf32, #tpu.memory_space<hbm>>) target(%arg14 : memref<80x128xf32, #tpu.memory_space<vmem_shared>>) target_semaphore(%run_scoped3A : memref<!tpu.dma_semaphore, #tpu.memory_space<semaphore_mem>>)
        %dma_wait3A = arith.constant 0 : i32
        %dma_wait3A_51 = arith.constant 0 : i32
        %dma_wait3A_52 = tpu.memref_slice %arg5[%dma_wait3A, %dma_wait3A_51] : memref<640x128xf32, #tpu.memory_space<hbm>> -> memref<80x128xf32, #tpu.memory_space<hbm>>
        tpu.wait_dma2 semaphore(%run_scoped3A : memref<!tpu.dma_semaphore, #tpu.memory_space<semaphore_mem>>) src(%dma_wait3A_52 : memref<80x128xf32, #tpu.memory_space<hbm>>) dst(%arg14 : memref<80x128xf32, #tpu.memory_space<vmem_shared>>)
        tpu.yield
      }) : () -> ()
    } else {
    }
    %iota3A = tpu.iota {dimensions = array<i32: 0>} : vector<16xi32>
    %add3A_5 = arith.constant 0 : i32
    %add3A_6 = vector.broadcast %add3A_5 : i32 to vector<16xi32>
    %add3A_7 = arith.addi %iota3A, %add3A_6 : vector<16xi32>
    %swap3A = arith.constant 0 : index
    %swap3A_8 = tpu.vector_load %arg12[%swap3A] {strides = array<i32>} : memref<80xi32, #tpu.memory_space<vmem>>, vector<16xi32>,
    tpu.vector_store %arg12[%swap3A], %add3A_7 {strides = array<i32>} : memref<80xi32, #tpu.memory_space<vmem>>, vector<16xi32>,
    %iota3A_9 = tpu.iota {dimensions = array<i32: 0>} : vector<16xi32>
    %add3A_10 = arith.constant 16 : i32
    %add3A_11 = vector.broadcast %add3A_10 : i32 to vector<16xi32>
    %add3A_12 = arith.addi %iota3A_9, %add3A_11 : vector<16xi32>
    %swap3A_13 = arith.constant 16 : index
    %swap3A_14 = tpu.vector_load %arg12[%swap3A_13] {strides = array<i32>} : memref<80xi32, #tpu.memory_space<vmem>>, vector<16xi32>,
    tpu.vector_store %arg12[%swap3A_13], %add3A_12 {strides = array<i32>} : memref<80xi32, #tpu.memory_space<vmem>>, vector<16xi32>,
    %iota3A_15 = tpu.iota {dimensions = array<i32: 0>} : vector<16xi32>
    %add3A_16 = arith.constant 32 : i32
    %add3A_17 = vector.broadcast %add3A_16 : i32 to vector<16xi32>
    %add3A_18 = arith.addi %iota3A_15, %add3A_17 : vector<16xi32>
    %swap3A_19 = arith.constant 32 : index
    %swap3A_20 = tpu.vector_load %arg12[%swap3A_19] {strides = array<i32>} : memref<80xi32, #tpu.memory_space<vmem>>, vector<16xi32>,
    tpu.vector_store %arg12[%swap3A_19], %add3A_18 {strides = array<i32>} : memref<80xi32, #tpu.memory_space<vmem>>, vector<16xi32>,
    %iota3A_21 = tpu.iota {dimensions = array<i32: 0>} : vector<16xi32>
    %add3A_22 = arith.constant 48 : i32
    %add3A_23 = vector.broadcast %add3A_22 : i32 to vector<16xi32>
    %add3A_24 = arith.addi %iota3A_21, %add3A_23 : vector<16xi32>
    %swap3A_25 = arith.constant 48 : index
    %swap3A_26 = tpu.vector_load %arg12[%swap3A_25] {strides = array<i32>} : memref<80xi32, #tpu.memory_space<vmem>>, vector<16xi32>,
    tpu.vector_store %arg12[%swap3A_25], %add3A_24 {strides = array<i32>} : memref<80xi32, #tpu.memory_space<vmem>>, vector<16xi32>,
    %iota3A_27 = tpu.iota {dimensions = array<i32: 0>} : vector<16xi32>
    %add3A_28 = arith.constant 64 : i32
    %add3A_29 = vector.broadcast %add3A_28 : i32 to vector<16xi32>
    %add3A_30 = arith.addi %iota3A_27, %add3A_29 : vector<16xi32>
    %swap3A_31 = arith.constant 64 : index
    %swap3A_32 = tpu.vector_load %arg12[%swap3A_31] {strides = array<i32>} : memref<80xi32, #tpu.memory_space<vmem>>, vector<16xi32>,
    tpu.vector_store %arg12[%swap3A_31], %add3A_30 {strides = array<i32>} : memref<80xi32, #tpu.memory_space<vmem>>, vector<16xi32>,
    %barrier3A = arith.constant 0 : index
    tpu.barrier barrier_id(%barrier3A)
    %broadcast_in_dim3A = arith.constant 1.000000e+00 : f32
    %broadcast_in_dim3A_33 = vector.broadcast %broadcast_in_dim3A : f32 to vector<16xf32>
    %scan3A = arith.constant 0 : i32
    %scan3A_34 = arith.constant 0 : i32
    %scan3A_35 = arith.constant 5 : i32
    %scan3A_36 = arith.addi %scan3A_34, %scan3A_35 : i32
    %scan3A_37 = arith.constant 1 : i32
    scf.for %scan3A_49 = %scan3A_34 to %scan3A_36 step %scan3A_37  : i32 {
      %mul3A_50 = arith.constant 16 : i32
      %mul3A_51 = arith.muli %scan3A_49, %mul3A_50 : i32
      "tpu.region"() ({
        %run_scoped3A = tpu.sem_alloc : memref<!tpu.dma_semaphore, #tpu.memory_space<semaphore_mem>>
        %dma_start3A_83 = arith.constant 0 : i32
        %dma_start3A_84 = tpu.memref_slice %arg3[%add3A, %mul3A_51, %dma_start3A_83] : memref<32x80x128xi32, #tpu.memory_space<hbm>> -> memref<1x16x128xi32, #tpu.memory_space<hbm>>
        %dma_start3A_85 = tpu.memref_squeeze %dma_start3A_84 : memref<1x16x128xi32, #tpu.memory_space<hbm>> -> memref<16x128xi32, #tpu.memory_space<hbm>>
        %dma_start3A_86 = arith.constant 0 : i32
        %dma_start3A_87 = tpu.memref_slice %arg3[%add3A, %mul3A_51, %dma_start3A_86] : memref<32x80x128xi32, #tpu.memory_space<hbm>> -> memref<1x16x128xi32, #tpu.memory_space<hbm>>
        %dma_start3A_88 = tpu.memref_squeeze %dma_start3A_87 : memref<1x16x128xi32, #tpu.memory_space<hbm>> -> memref<16x128xi32, #tpu.memory_space<hbm>>
        tpu.enqueue_dma source(%dma_start3A_88 : memref<16x128xi32, #tpu.memory_space<hbm>>) target(%arg8 : memref<16x128xi32, #tpu.memory_space<vmem>>) target_semaphore(%run_scoped3A : memref<!tpu.dma_semaphore, #tpu.memory_space<semaphore_mem>>)
        %dma_wait3A = arith.constant 0 : i32
        %dma_wait3A_89 = tpu.memref_slice %arg3[%add3A, %mul3A_51, %dma_wait3A] : memref<32x80x128xi32, #tpu.memory_space<hbm>> -> memref<1x16x128xi32, #tpu.memory_space<hbm>>
        %dma_wait3A_90 = tpu.memref_squeeze %dma_wait3A_89 : memref<1x16x128xi32, #tpu.memory_space<hbm>> -> memref<16x128xi32, #tpu.memory_space<hbm>>
        %dma_wait3A_91 = arith.constant 0 : i32
        %dma_wait3A_92 = tpu.memref_slice %arg3[%add3A, %mul3A_51, %dma_wait3A_91] : memref<32x80x128xi32, #tpu.memory_space<hbm>> -> memref<1x16x128xi32, #tpu.memory_space<hbm>>
        %dma_wait3A_93 = tpu.memref_squeeze %dma_wait3A_92 : memref<1x16x128xi32, #tpu.memory_space<hbm>> -> memref<16x128xi32, #tpu.memory_space<hbm>>
        tpu.wait_dma2 semaphore(%run_scoped3A : memref<!tpu.dma_semaphore, #tpu.memory_space<semaphore_mem>>) src(%dma_wait3A_93 : memref<16x128xi32, #tpu.memory_space<hbm>>) dst(%arg8 : memref<16x128xi32, #tpu.memory_space<vmem>>)
        tpu.yield
      }) : () -> ()
      %mul3A_52 = arith.constant 16 : i32
      %mul3A_53 = arith.muli %scan3A_49, %mul3A_52 : i32
      "tpu.region"() ({
        %run_scoped3A = tpu.sem_alloc : memref<!tpu.dma_semaphore, #tpu.memory_space<semaphore_mem>>
        %dma_start3A_83 = arith.constant 0 : i32
        %dma_start3A_84 = tpu.memref_slice %arg4[%add3A, %mul3A_53, %dma_start3A_83] : memref<32x80x128xi32, #tpu.memory_space<hbm>> -> memref<1x16x128xi32, #tpu.memory_space<hbm>>
        %dma_start3A_85 = tpu.memref_squeeze %dma_start3A_84 : memref<1x16x128xi32, #tpu.memory_space<hbm>> -> memref<16x128xi32, #tpu.memory_space<hbm>>
        %dma_start3A_86 = arith.constant 0 : i32
        %dma_start3A_87 = tpu.memref_slice %arg4[%add3A, %mul3A_53, %dma_start3A_86] : memref<32x80x128xi32, #tpu.memory_space<hbm>> -> memref<1x16x128xi32, #tpu.memory_space<hbm>>
        %dma_start3A_88 = tpu.memref_squeeze %dma_start3A_87 : memref<1x16x128xi32, #tpu.memory_space<hbm>> -> memref<16x128xi32, #tpu.memory_space<hbm>>
        tpu.enqueue_dma source(%dma_start3A_88 : memref<16x128xi32, #tpu.memory_space<hbm>>) target(%arg9 : memref<16x128xi32, #tpu.memory_space<vmem>>) target_semaphore(%run_scoped3A : memref<!tpu.dma_semaphore, #tpu.memory_space<semaphore_mem>>)
        %dma_wait3A = arith.constant 0 : i32
        %dma_wait3A_89 = tpu.memref_slice %arg4[%add3A, %mul3A_53, %dma_wait3A] : memref<32x80x128xi32, #tpu.memory_space<hbm>> -> memref<1x16x128xi32, #tpu.memory_space<hbm>>
        %dma_wait3A_90 = tpu.memref_squeeze %dma_wait3A_89 : memref<1x16x128xi32, #tpu.memory_space<hbm>> -> memref<16x128xi32, #tpu.memory_space<hbm>>
        %dma_wait3A_91 = arith.constant 0 : i32
        %dma_wait3A_92 = tpu.memref_slice %arg4[%add3A, %mul3A_53, %dma_wait3A_91] : memref<32x80x128xi32, #tpu.memory_space<hbm>> -> memref<1x16x128xi32, #tpu.memory_space<hbm>>
        %dma_wait3A_93 = tpu.memref_squeeze %dma_wait3A_92 : memref<1x16x128xi32, #tpu.memory_space<hbm>> -> memref<16x128xi32, #tpu.memory_space<hbm>>
        tpu.wait_dma2 semaphore(%run_scoped3A : memref<!tpu.dma_semaphore, #tpu.memory_space<semaphore_mem>>) src(%dma_wait3A_93 : memref<16x128xi32, #tpu.memory_space<hbm>>) dst(%arg9 : memref<16x128xi32, #tpu.memory_space<vmem>>)
        tpu.yield
      }) : () -> ()
      %dma_start3A = arith.constant 0 : i32
      %dma_start3A_54 = arith.constant 0 : i32
      %dma_start3A_55 = arith.constant 0 : i32
      %dma_start3A_56 = arith.constant 0 : i32
      %dma_start3A_57 = tpu.memref_slice %arg10[%dma_start3A_54, %dma_start3A_55, %dma_start3A_56] : memref<2x128x128xf32, #tpu.memory_space<vmem>> -> memref<1x128x128xf32, #tpu.memory_space<vmem>>
      %dma_start3A_58 = tpu.memref_squeeze %dma_start3A_57 : memref<1x128x128xf32, #tpu.memory_space<vmem>> -> memref<128x128xf32, #tpu.memory_space<vmem>>
      %dma_start3A_59 = arith.constant 0 : i32
      %dma_start3A_60 = tpu.memref_slice %arg8[%dma_start3A, %dma_start3A_59] : memref<16x128xi32, #tpu.memory_space<vmem>> -> memref<1x128xi32, #tpu.memory_space<vmem>>
      %dma_start3A_61 = tpu.memref_squeeze %dma_start3A_60 : memref<1x128xi32, #tpu.memory_space<vmem>> -> memref<128xi32, #tpu.memory_space<vmem>>
      %dma_start3A_62 = arith.constant 0 : i32
      %dma_start3A_63 = arith.constant 0 : i32
      %dma_start3A_64 = tpu.memref_slice %arg2[%dma_start3A_62, %dma_start3A_63] : memref<10000x128xf32, #tpu.memory_space<hbm>> -> memref<10000x128xf32, #tpu.memory_space<hbm>>
      tpu.enqueue_indirect_dma source(%dma_start3A_64 : memref<10000x128xf32, #tpu.memory_space<hbm>>) target(%dma_start3A_58 : memref<128x128xf32, #tpu.memory_space<vmem>>) offsets(%dma_start3A_61 : memref<128xi32, #tpu.memory_space<vmem>>) semaphore(%arg15 : memref<!tpu.dma_semaphore, #tpu.memory_space<semaphore_mem>>)
      %dma_start3A_65 = arith.constant 1 : i32
      %dma_start3A_66 = arith.constant 1 : i32
      %dma_start3A_67 = arith.constant 0 : i32
      %dma_start3A_68 = arith.constant 0 : i32
      %dma_start3A_69 = tpu.memref_slice %arg10[%dma_start3A_66, %dma_start3A_67, %dma_start3A_68] : memref<2x128x128xf32, #tpu.memory_space<vmem>> -> memref<1x128x128xf32, #tpu.memory_space<vmem>>
      %dma_start3A_70 = tpu.memref_squeeze %dma_start3A_69 : memref<1x128x128xf32, #tpu.memory_space<vmem>> -> memref<128x128xf32, #tpu.memory_space<vmem>>
      %dma_start3A_71 = arith.constant 0 : i32
      %dma_start3A_72 = tpu.memref_slice %arg8[%dma_start3A_65, %dma_start3A_71] : memref<16x128xi32, #tpu.memory_space<vmem>> -> memref<1x128xi32, #tpu.memory_space<vmem>>
      %dma_start3A_73 = tpu.memref_squeeze %dma_start3A_72 : memref<1x128xi32, #tpu.memory_space<vmem>> -> memref<128xi32, #tpu.memory_space<vmem>>
      %dma_start3A_74 = arith.constant 0 : i32
      %dma_start3A_75 = arith.constant 0 : i32
      %dma_start3A_76 = tpu.memref_slice %arg2[%dma_start3A_74, %dma_start3A_75] : memref<10000x128xf32, #tpu.memory_space<hbm>> -> memref<10000x128xf32, #tpu.memory_space<hbm>>
      tpu.enqueue_indirect_dma source(%dma_start3A_76 : memref<10000x128xf32, #tpu.memory_space<hbm>>) target(%dma_start3A_70 : memref<128x128xf32, #tpu.memory_space<vmem>>) offsets(%dma_start3A_73 : memref<128xi32, #tpu.memory_space<vmem>>) semaphore(%arg16 : memref<!tpu.dma_semaphore, #tpu.memory_space<semaphore_mem>>)
      %scan3A_77 = arith.constant 0 : i32
      %scan3A_78 = arith.constant 0 : i32
      %scan3A_79 = arith.constant 8 : i32
      %scan3A_80 = arith.addi %scan3A_78, %scan3A_79 : i32
      %scan3A_81 = arith.constant 1 : i32
      scf.for %scan3A_83 = %scan3A_78 to %scan3A_80 step %scan3A_81  : i32 {
        %mul3A_84 = arith.constant 2 : i32
        %mul3A_85 = arith.muli %scan3A_83, %mul3A_84 : i32
        %add3A_86 = arith.constant 0 : i32
        %add3A_87 = arith.addi %mul3A_85, %add3A_86 : i32
        %dma_wait3A = arith.constant 0 : i32
        %dma_wait3A_88 = arith.constant 0 : i32
        %dma_wait3A_89 = arith.constant 0 : i32
        %dma_wait3A_90 = arith.constant 0 : i32
        %dma_wait3A_91 = tpu.memref_slice %arg10[%dma_wait3A_88, %dma_wait3A_89, %dma_wait3A_90] : memref<2x128x128xf32, #tpu.memory_space<vmem>> -> memref<1x128x128xf32, #tpu.memory_space<vmem>>
        %dma_wait3A_92 = tpu.memref_squeeze %dma_wait3A_91 : memref<1x128x128xf32, #tpu.memory_space<vmem>> -> memref<128x128xf32, #tpu.memory_space<vmem>>
        %dma_wait3A_93 = arith.constant 0 : i32
        %dma_wait3A_94 = tpu.memref_slice %arg8[%dma_wait3A, %dma_wait3A_93] : memref<16x128xi32, #tpu.memory_space<vmem>> -> memref<1x128xi32, #tpu.memory_space<vmem>>
        %dma_wait3A_95 = tpu.memref_squeeze %dma_wait3A_94 : memref<1x128xi32, #tpu.memory_space<vmem>> -> memref<128xi32, #tpu.memory_space<vmem>>
        %dma_wait3A_96 = arith.constant 0 : i32
        %dma_wait3A_97 = arith.constant 0 : i32
        %dma_wait3A_98 = tpu.memref_slice %arg2[%dma_wait3A_96, %dma_wait3A_97] : memref<10000x128xf32, #tpu.memory_space<hbm>> -> memref<10000x128xf32, #tpu.memory_space<hbm>>
        tpu.wait_indirect_dma semaphore(%arg15 : memref<!tpu.dma_semaphore, #tpu.memory_space<semaphore_mem>>) src(%dma_wait3A_98 : memref<10000x128xf32, #tpu.memory_space<hbm>>) dst(%dma_wait3A_92 : memref<128x128xf32, #tpu.memory_space<vmem>>)
        %get3A = arith.index_cast %add3A_87 : i32 to index
        %get3A_99 = arith.constant 0 : index
        %get3A_100 = tpu.vector_load %arg9[%get3A, %get3A_99] {strides = array<i32>} : memref<16x128xi32, #tpu.memory_space<vmem>>, vector<16xi32>,
        %shift_right_logical3A = arith.constant 7 : i32
        %shift_right_logical3A_101 = vector.broadcast %shift_right_logical3A : i32 to vector<16xi32>
        %shift_right_logical3A_102 = arith.shrui %get3A_100, %shift_right_logical3A_101 : vector<16xi32>
        %and3A = arith.constant 127 : i32
        %and3A_103 = vector.broadcast %and3A : i32 to vector<16xi32>
        %and3A_104 = arith.andi %get3A_100, %and3A_103 : vector<16xi32>
        tpu.vector_store_idx %arg11[%shift_right_logical3A_102, %and3A_104], %broadcast_in_dim3A_33 {add = true} : memref<80x128xf32, #tpu.memory_space<vmem>>[vector<16xi32>, vector<16xi32>], vector<16xf32>,
        %get3A_105 = arith.index_cast %add3A_87 : i32 to index
        %get3A_106 = arith.constant 16 : index
        %get3A_107 = tpu.vector_load %arg9[%get3A_105, %get3A_106] {strides = array<i32>} : memref<16x128xi32, #tpu.memory_space<vmem>>, vector<16xi32>,
        %shift_right_logical3A_108 = arith.constant 7 : i32
        %shift_right_logical3A_109 = vector.broadcast %shift_right_logical3A_108 : i32 to vector<16xi32>
        %shift_right_logical3A_110 = arith.shrui %get3A_107, %shift_right_logical3A_109 : vector<16xi32>
        %and3A_111 = arith.constant 127 : i32
        %and3A_112 = vector.broadcast %and3A_111 : i32 to vector<16xi32>
        %and3A_113 = arith.andi %get3A_107, %and3A_112 : vector<16xi32>
        tpu.vector_store_idx %arg11[%shift_right_logical3A_110, %and3A_113], %broadcast_in_dim3A_33 {add = true} : memref<80x128xf32, #tpu.memory_space<vmem>>[vector<16xi32>, vector<16xi32>], vector<16xf32>,
        %get3A_114 = arith.index_cast %add3A_87 : i32 to index
        %get3A_115 = arith.constant 32 : index
        %get3A_116 = tpu.vector_load %arg9[%get3A_114, %get3A_115] {strides = array<i32>} : memref<16x128xi32, #tpu.memory_space<vmem>>, vector<16xi32>,
        %shift_right_logical3A_117 = arith.constant 7 : i32
        %shift_right_logical3A_118 = vector.broadcast %shift_right_logical3A_117 : i32 to vector<16xi32>
        %shift_right_logical3A_119 = arith.shrui %get3A_116, %shift_right_logical3A_118 : vector<16xi32>
        %and3A_120 = arith.constant 127 : i32
        %and3A_121 = vector.broadcast %and3A_120 : i32 to vector<16xi32>
        %and3A_122 = arith.andi %get3A_116, %and3A_121 : vector<16xi32>
        tpu.vector_store_idx %arg11[%shift_right_logical3A_119, %and3A_122], %broadcast_in_dim3A_33 {add = true} : memref<80x128xf32, #tpu.memory_space<vmem>>[vector<16xi32>, vector<16xi32>], vector<16xf32>,
        %get3A_123 = arith.index_cast %add3A_87 : i32 to index
        %get3A_124 = arith.constant 48 : index
        %get3A_125 = tpu.vector_load %arg9[%get3A_123, %get3A_124] {strides = array<i32>} : memref<16x128xi32, #tpu.memory_space<vmem>>, vector<16xi32>,
        %shift_right_logical3A_126 = arith.constant 7 : i32
        %shift_right_logical3A_127 = vector.broadcast %shift_right_logical3A_126 : i32 to vector<16xi32>
        %shift_right_logical3A_128 = arith.shrui %get3A_125, %shift_right_logical3A_127 : vector<16xi32>
        %and3A_129 = arith.constant 127 : i32
        %and3A_130 = vector.broadcast %and3A_129 : i32 to vector<16xi32>
        %and3A_131 = arith.andi %get3A_125, %and3A_130 : vector<16xi32>
        tpu.vector_store_idx %arg11[%shift_right_logical3A_128, %and3A_131], %broadcast_in_dim3A_33 {add = true} : memref<80x128xf32, #tpu.memory_space<vmem>>[vector<16xi32>, vector<16xi32>], vector<16xf32>,
        %get3A_132 = arith.index_cast %add3A_87 : i32 to index
        %get3A_133 = arith.constant 64 : index
        %get3A_134 = tpu.vector_load %arg9[%get3A_132, %get3A_133] {strides = array<i32>} : memref<16x128xi32, #tpu.memory_space<vmem>>, vector<16xi32>,
        %shift_right_logical3A_135 = arith.constant 7 : i32
        %shift_right_logical3A_136 = vector.broadcast %shift_right_logical3A_135 : i32 to vector<16xi32>
        %shift_right_logical3A_137 = arith.shrui %get3A_134, %shift_right_logical3A_136 : vector<16xi32>
        %and3A_138 = arith.constant 127 : i32
        %and3A_139 = vector.broadcast %and3A_138 : i32 to vector<16xi32>
        %and3A_140 = arith.andi %get3A_134, %and3A_139 : vector<16xi32>
        tpu.vector_store_idx %arg11[%shift_right_logical3A_137, %and3A_140], %broadcast_in_dim3A_33 {add = true} : memref<80x128xf32, #tpu.memory_space<vmem>>[vector<16xi32>, vector<16xi32>], vector<16xf32>,
        %get3A_141 = arith.index_cast %add3A_87 : i32 to index
        %get3A_142 = arith.constant 80 : index
        %get3A_143 = tpu.vector_load %arg9[%get3A_141, %get3A_142] {strides = array<i32>} : memref<16x128xi32, #tpu.memory_space<vmem>>, vector<16xi32>,
        %shift_right_logical3A_144 = arith.constant 7 : i32
        %shift_right_logical3A_145 = vector.broadcast %shift_right_logical3A_144 : i32 to vector<16xi32>
        %shift_right_logical3A_146 = arith.shrui %get3A_143, %shift_right_logical3A_145 : vector<16xi32>
        %and3A_147 = arith.constant 127 : i32
        %and3A_148 = vector.broadcast %and3A_147 : i32 to vector<16xi32>
        %and3A_149 = arith.andi %get3A_143, %and3A_148 : vector<16xi32>
        tpu.vector_store_idx %arg11[%shift_right_logical3A_146, %and3A_149], %broadcast_in_dim3A_33 {add = true} : memref<80x128xf32, #tpu.memory_space<vmem>>[vector<16xi32>, vector<16xi32>], vector<16xf32>,
        %get3A_150 = arith.index_cast %add3A_87 : i32 to index
        %get3A_151 = arith.constant 96 : index
        %get3A_152 = tpu.vector_load %arg9[%get3A_150, %get3A_151] {strides = array<i32>} : memref<16x128xi32, #tpu.memory_space<vmem>>, vector<16xi32>,
        %shift_right_logical3A_153 = arith.constant 7 : i32
        %shift_right_logical3A_154 = vector.broadcast %shift_right_logical3A_153 : i32 to vector<16xi32>
        %shift_right_logical3A_155 = arith.shrui %get3A_152, %shift_right_logical3A_154 : vector<16xi32>
        %and3A_156 = arith.constant 127 : i32
        %and3A_157 = vector.broadcast %and3A_156 : i32 to vector<16xi32>
        %and3A_158 = arith.andi %get3A_152, %and3A_157 : vector<16xi32>
        tpu.vector_store_idx %arg11[%shift_right_logical3A_155, %and3A_158], %broadcast_in_dim3A_33 {add = true} : memref<80x128xf32, #tpu.memory_space<vmem>>[vector<16xi32>, vector<16xi32>], vector<16xf32>,
        %get3A_159 = arith.index_cast %add3A_87 : i32 to index
        %get3A_160 = arith.constant 112 : index
        %get3A_161 = tpu.vector_load %arg9[%get3A_159, %get3A_160] {strides = array<i32>} : memref<16x128xi32, #tpu.memory_space<vmem>>, vector<16xi32>,
        %shift_right_logical3A_162 = arith.constant 7 : i32
        %shift_right_logical3A_163 = vector.broadcast %shift_right_logical3A_162 : i32 to vector<16xi32>
        %shift_right_logical3A_164 = arith.shrui %get3A_161, %shift_right_logical3A_163 : vector<16xi32>
        %and3A_165 = arith.constant 127 : i32
        %and3A_166 = vector.broadcast %and3A_165 : i32 to vector<16xi32>
        %and3A_167 = arith.andi %get3A_161, %and3A_166 : vector<16xi32>
        tpu.vector_store_idx %arg11[%shift_right_logical3A_164, %and3A_167], %broadcast_in_dim3A_33 {add = true} : memref<80x128xf32, #tpu.memory_space<vmem>>[vector<16xi32>, vector<16xi32>], vector<16xf32>,
        %run_scoped3A = arith.constant 0 : i32
        "tpu.region"() ({
          %run_scoped3A_270 = tpu.sem_alloc : memref<!tpu.dma_semaphore, #tpu.memory_space<semaphore_mem>>
          %dma_start3A_271 = arith.constant 0 : i32
          %dma_start3A_272 = arith.constant 0 : i32
          %dma_start3A_273 = tpu.memref_slice %arg10[%run_scoped3A, %dma_start3A_271, %dma_start3A_272] : memref<2x128x128xf32, #tpu.memory_space<vmem>> -> memref<1x128x128xf32, #tpu.memory_space<vmem>>
          %dma_start3A_274 = tpu.memref_squeeze %dma_start3A_273 : memref<1x128x128xf32, #tpu.memory_space<vmem>> -> memref<128x128xf32, #tpu.memory_space<vmem>>
          %dma_start3A_275 = arith.constant 0 : i32
          %dma_start3A_276 = tpu.memref_slice %arg9[%add3A_87, %dma_start3A_275] : memref<16x128xi32, #tpu.memory_space<vmem>> -> memref<1x128xi32, #tpu.memory_space<vmem>>
          %dma_start3A_277 = tpu.memref_squeeze %dma_start3A_276 : memref<1x128xi32, #tpu.memory_space<vmem>> -> memref<128xi32, #tpu.memory_space<vmem>>
          %dma_start3A_278 = arith.constant 0 : i32
          %dma_start3A_279 = arith.constant 0 : i32
          %dma_start3A_280 = tpu.memref_slice %arg13[%dma_start3A_278, %dma_start3A_279] : memref<10240x128xf32, #tpu.memory_space<vmem_shared>> -> memref<10240x128xf32, #tpu.memory_space<vmem_shared>>
          tpu.enqueue_indirect_dma source(%dma_start3A_274 : memref<128x128xf32, #tpu.memory_space<vmem>>) target(%dma_start3A_280 : memref<10240x128xf32, #tpu.memory_space<vmem_shared>>) offsets(%dma_start3A_277 : memref<128xi32, #tpu.memory_space<vmem>>) semaphore(%run_scoped3A_270 : memref<!tpu.dma_semaphore, #tpu.memory_space<semaphore_mem>>) {add = true}
          %dma_wait3A_281 = arith.constant 0 : i32
          %dma_wait3A_282 = arith.constant 0 : i32
          %dma_wait3A_283 = tpu.memref_slice %arg10[%run_scoped3A, %dma_wait3A_281, %dma_wait3A_282] : memref<2x128x128xf32, #tpu.memory_space<vmem>> -> memref<1x128x128xf32, #tpu.memory_space<vmem>>
          %dma_wait3A_284 = tpu.memref_squeeze %dma_wait3A_283 : memref<1x128x128xf32, #tpu.memory_space<vmem>> -> memref<128x128xf32, #tpu.memory_space<vmem>>
          %dma_wait3A_285 = arith.constant 0 : i32
          %dma_wait3A_286 = tpu.memref_slice %arg9[%add3A_87, %dma_wait3A_285] : memref<16x128xi32, #tpu.memory_space<vmem>> -> memref<1x128xi32, #tpu.memory_space<vmem>>
          %dma_wait3A_287 = tpu.memref_squeeze %dma_wait3A_286 : memref<1x128xi32, #tpu.memory_space<vmem>> -> memref<128xi32, #tpu.memory_space<vmem>>
          %dma_wait3A_288 = arith.constant 0 : i32
          %dma_wait3A_289 = arith.constant 0 : i32
          %dma_wait3A_290 = tpu.memref_slice %arg13[%dma_wait3A_288, %dma_wait3A_289] : memref<10240x128xf32, #tpu.memory_space<vmem_shared>> -> memref<10240x128xf32, #tpu.memory_space<vmem_shared>>
          tpu.wait_indirect_dma semaphore(%run_scoped3A_270 : memref<!tpu.dma_semaphore, #tpu.memory_space<semaphore_mem>>) src(%dma_wait3A_284 : memref<128x128xf32, #tpu.memory_space<vmem>>) dst(%dma_wait3A_290 : memref<10240x128xf32, #tpu.memory_space<vmem_shared>>)
          tpu.yield
        }) : () -> ()
        %add3A_168 = arith.constant 2 : i32
        %add3A_169 = arith.addi %add3A_87, %add3A_168 : i32
        %lt3A = arith.constant 16 : i32
        %lt3A_170 = arith.cmpi slt, %add3A_169, %lt3A : i32
        %convert_element_type3A_171 = arith.extui %lt3A_170 : i1 to i32
        %cond3A_172 = arith.constant 0 : i32
        %cond3A_173 = arith.cmpi ne, %convert_element_type3A_171, %cond3A_172 : i32
        scf.if %cond3A_173 {
          %add3A_270 = arith.constant 2 : i32
          %add3A_271 = arith.addi %add3A_87, %add3A_270 : i32
          %dma_start3A_272 = arith.constant 0 : i32
          %dma_start3A_273 = arith.constant 0 : i32
          %dma_start3A_274 = arith.constant 0 : i32
          %dma_start3A_275 = tpu.memref_slice %arg10[%dma_start3A_272, %dma_start3A_273, %dma_start3A_274] : memref<2x128x128xf32, #tpu.memory_space<vmem>> -> memref<1x128x128xf32, #tpu.memory_space<vmem>>
          %dma_start3A_276 = tpu.memref_squeeze %dma_start3A_275 : memref<1x128x128xf32, #tpu.memory_space<vmem>> -> memref<128x128xf32, #tpu.memory_space<vmem>>
          %dma_start3A_277 = arith.constant 0 : i32
          %dma_start3A_278 = tpu.memref_slice %arg8[%add3A_271, %dma_start3A_277] : memref<16x128xi32, #tpu.memory_space<vmem>> -> memref<1x128xi32, #tpu.memory_space<vmem>>
          %dma_start3A_279 = tpu.memref_squeeze %dma_start3A_278 : memref<1x128xi32, #tpu.memory_space<vmem>> -> memref<128xi32, #tpu.memory_space<vmem>>
          %dma_start3A_280 = arith.constant 0 : i32
          %dma_start3A_281 = arith.constant 0 : i32
          %dma_start3A_282 = tpu.memref_slice %arg2[%dma_start3A_280, %dma_start3A_281] : memref<10000x128xf32, #tpu.memory_space<hbm>> -> memref<10000x128xf32, #tpu.memory_space<hbm>>
          tpu.enqueue_indirect_dma source(%dma_start3A_282 : memref<10000x128xf32, #tpu.memory_space<hbm>>) target(%dma_start3A_276 : memref<128x128xf32, #tpu.memory_space<vmem>>) offsets(%dma_start3A_279 : memref<128xi32, #tpu.memory_space<vmem>>) semaphore(%arg15 : memref<!tpu.dma_semaphore, #tpu.memory_space<semaphore_mem>>)
        } else {
        }
        %mul3A_174 = arith.constant 2 : i32
        %mul3A_175 = arith.muli %scan3A_83, %mul3A_174 : i32
        %add3A_176 = arith.constant 1 : i32
        %add3A_177 = arith.addi %mul3A_175, %add3A_176 : i32
        %dma_wait3A_178 = arith.constant 0 : i32
        %dma_wait3A_179 = arith.constant 1 : i32
        %dma_wait3A_180 = arith.constant 0 : i32
        %dma_wait3A_181 = arith.constant 0 : i32
        %dma_wait3A_182 = tpu.memref_slice %arg10[%dma_wait3A_179, %dma_wait3A_180, %dma_wait3A_181] : memref<2x128x128xf32, #tpu.memory_space<vmem>> -> memref<1x128x128xf32, #tpu.memory_space<vmem>>
        %dma_wait3A_183 = tpu.memref_squeeze %dma_wait3A_182 : memref<1x128x128xf32, #tpu.memory_space<vmem>> -> memref<128x128xf32, #tpu.memory_space<vmem>>
        %dma_wait3A_184 = arith.constant 0 : i32
        %dma_wait3A_185 = tpu.memref_slice %arg8[%dma_wait3A_178, %dma_wait3A_184] : memref<16x128xi32, #tpu.memory_space<vmem>> -> memref<1x128xi32, #tpu.memory_space<vmem>>
        %dma_wait3A_186 = tpu.memref_squeeze %dma_wait3A_185 : memref<1x128xi32, #tpu.memory_space<vmem>> -> memref<128xi32, #tpu.memory_space<vmem>>
        %dma_wait3A_187 = arith.constant 0 : i32
        %dma_wait3A_188 = arith.constant 0 : i32
        %dma_wait3A_189 = tpu.memref_slice %arg2[%dma_wait3A_187, %dma_wait3A_188] : memref<10000x128xf32, #tpu.memory_space<hbm>> -> memref<10000x128xf32, #tpu.memory_space<hbm>>
        tpu.wait_indirect_dma semaphore(%arg16 : memref<!tpu.dma_semaphore, #tpu.memory_space<semaphore_mem>>) src(%dma_wait3A_189 : memref<10000x128xf32, #tpu.memory_space<hbm>>) dst(%dma_wait3A_183 : memref<128x128xf32, #tpu.memory_space<vmem>>)
        %get3A_190 = arith.index_cast %add3A_177 : i32 to index
        %get3A_191 = arith.constant 0 : index
        %get3A_192 = tpu.vector_load %arg9[%get3A_190, %get3A_191] {strides = array<i32>} : memref<16x128xi32, #tpu.memory_space<vmem>>, vector<16xi32>,
        %shift_right_logical3A_193 = arith.constant 7 : i32
        %shift_right_logical3A_194 = vector.broadcast %shift_right_logical3A_193 : i32 to vector<16xi32>
        %shift_right_logical3A_195 = arith.shrui %get3A_192, %shift_right_logical3A_194 : vector<16xi32>
        %and3A_196 = arith.constant 127 : i32
        %and3A_197 = vector.broadcast %and3A_196 : i32 to vector<16xi32>
        %and3A_198 = arith.andi %get3A_192, %and3A_197 : vector<16xi32>
        tpu.vector_store_idx %arg11[%shift_right_logical3A_195, %and3A_198], %broadcast_in_dim3A_33 {add = true} : memref<80x128xf32, #tpu.memory_space<vmem>>[vector<16xi32>, vector<16xi32>], vector<16xf32>,
        %get3A_199 = arith.index_cast %add3A_177 : i32 to index
        %get3A_200 = arith.constant 16 : index
        %get3A_201 = tpu.vector_load %arg9[%get3A_199, %get3A_200] {strides = array<i32>} : memref<16x128xi32, #tpu.memory_space<vmem>>, vector<16xi32>,
        %shift_right_logical3A_202 = arith.constant 7 : i32
        %shift_right_logical3A_203 = vector.broadcast %shift_right_logical3A_202 : i32 to vector<16xi32>
        %shift_right_logical3A_204 = arith.shrui %get3A_201, %shift_right_logical3A_203 : vector<16xi32>
        %and3A_205 = arith.constant 127 : i32
        %and3A_206 = vector.broadcast %and3A_205 : i32 to vector<16xi32>
        %and3A_207 = arith.andi %get3A_201, %and3A_206 : vector<16xi32>
        tpu.vector_store_idx %arg11[%shift_right_logical3A_204, %and3A_207], %broadcast_in_dim3A_33 {add = true} : memref<80x128xf32, #tpu.memory_space<vmem>>[vector<16xi32>, vector<16xi32>], vector<16xf32>,
        %get3A_208 = arith.index_cast %add3A_177 : i32 to index
        %get3A_209 = arith.constant 32 : index
        %get3A_210 = tpu.vector_load %arg9[%get3A_208, %get3A_209] {strides = array<i32>} : memref<16x128xi32, #tpu.memory_space<vmem>>, vector<16xi32>,
        %shift_right_logical3A_211 = arith.constant 7 : i32
        %shift_right_logical3A_212 = vector.broadcast %shift_right_logical3A_211 : i32 to vector<16xi32>
        %shift_right_logical3A_213 = arith.shrui %get3A_210, %shift_right_logical3A_212 : vector<16xi32>
        %and3A_214 = arith.constant 127 : i32
        %and3A_215 = vector.broadcast %and3A_214 : i32 to vector<16xi32>
        %and3A_216 = arith.andi %get3A_210, %and3A_215 : vector<16xi32>
        tpu.vector_store_idx %arg11[%shift_right_logical3A_213, %and3A_216], %broadcast_in_dim3A_33 {add = true} : memref<80x128xf32, #tpu.memory_space<vmem>>[vector<16xi32>, vector<16xi32>], vector<16xf32>,
        %get3A_217 = arith.index_cast %add3A_177 : i32 to index
        %get3A_218 = arith.constant 48 : index
        %get3A_219 = tpu.vector_load %arg9[%get3A_217, %get3A_218] {strides = array<i32>} : memref<16x128xi32, #tpu.memory_space<vmem>>, vector<16xi32>,
        %shift_right_logical3A_220 = arith.constant 7 : i32
        %shift_right_logical3A_221 = vector.broadcast %shift_right_logical3A_220 : i32 to vector<16xi32>
        %shift_right_logical3A_222 = arith.shrui %get3A_219, %shift_right_logical3A_221 : vector<16xi32>
        %and3A_223 = arith.constant 127 : i32
        %and3A_224 = vector.broadcast %and3A_223 : i32 to vector<16xi32>
        %and3A_225 = arith.andi %get3A_219, %and3A_224 : vector<16xi32>
        tpu.vector_store_idx %arg11[%shift_right_logical3A_222, %and3A_225], %broadcast_in_dim3A_33 {add = true} : memref<80x128xf32, #tpu.memory_space<vmem>>[vector<16xi32>, vector<16xi32>], vector<16xf32>,
        %get3A_226 = arith.index_cast %add3A_177 : i32 to index
        %get3A_227 = arith.constant 64 : index
        %get3A_228 = tpu.vector_load %arg9[%get3A_226, %get3A_227] {strides = array<i32>} : memref<16x128xi32, #tpu.memory_space<vmem>>, vector<16xi32>,
        %shift_right_logical3A_229 = arith.constant 7 : i32
        %shift_right_logical3A_230 = vector.broadcast %shift_right_logical3A_229 : i32 to vector<16xi32>
        %shift_right_logical3A_231 = arith.shrui %get3A_228, %shift_right_logical3A_230 : vector<16xi32>
        %and3A_232 = arith.constant 127 : i32
        %and3A_233 = vector.broadcast %and3A_232 : i32 to vector<16xi32>
        %and3A_234 = arith.andi %get3A_228, %and3A_233 : vector<16xi32>
        tpu.vector_store_idx %arg11[%shift_right_logical3A_231, %and3A_234], %broadcast_in_dim3A_33 {add = true} : memref<80x128xf32, #tpu.memory_space<vmem>>[vector<16xi32>, vector<16xi32>], vector<16xf32>,
        %get3A_235 = arith.index_cast %add3A_177 : i32 to index
        %get3A_236 = arith.constant 80 : index
        %get3A_237 = tpu.vector_load %arg9[%get3A_235, %get3A_236] {strides = array<i32>} : memref<16x128xi32, #tpu.memory_space<vmem>>, vector<16xi32>,
        %shift_right_logical3A_238 = arith.constant 7 : i32
        %shift_right_logical3A_239 = vector.broadcast %shift_right_logical3A_238 : i32 to vector<16xi32>
        %shift_right_logical3A_240 = arith.shrui %get3A_237, %shift_right_logical3A_239 : vector<16xi32>
        %and3A_241 = arith.constant 127 : i32
        %and3A_242 = vector.broadcast %and3A_241 : i32 to vector<16xi32>
        %and3A_243 = arith.andi %get3A_237, %and3A_242 : vector<16xi32>
        tpu.vector_store_idx %arg11[%shift_right_logical3A_240, %and3A_243], %broadcast_in_dim3A_33 {add = true} : memref<80x128xf32, #tpu.memory_space<vmem>>[vector<16xi32>, vector<16xi32>], vector<16xf32>,
        %get3A_244 = arith.index_cast %add3A_177 : i32 to index
        %get3A_245 = arith.constant 96 : index
        %get3A_246 = tpu.vector_load %arg9[%get3A_244, %get3A_245] {strides = array<i32>} : memref<16x128xi32, #tpu.memory_space<vmem>>, vector<16xi32>,
        %shift_right_logical3A_247 = arith.constant 7 : i32
        %shift_right_logical3A_248 = vector.broadcast %shift_right_logical3A_247 : i32 to vector<16xi32>
        %shift_right_logical3A_249 = arith.shrui %get3A_246, %shift_right_logical3A_248 : vector<16xi32>
        %and3A_250 = arith.constant 127 : i32
        %and3A_251 = vector.broadcast %and3A_250 : i32 to vector<16xi32>
        %and3A_252 = arith.andi %get3A_246, %and3A_251 : vector<16xi32>
        tpu.vector_store_idx %arg11[%shift_right_logical3A_249, %and3A_252], %broadcast_in_dim3A_33 {add = true} : memref<80x128xf32, #tpu.memory_space<vmem>>[vector<16xi32>, vector<16xi32>], vector<16xf32>,
        %get3A_253 = arith.index_cast %add3A_177 : i32 to index
        %get3A_254 = arith.constant 112 : index
        %get3A_255 = tpu.vector_load %arg9[%get3A_253, %get3A_254] {strides = array<i32>} : memref<16x128xi32, #tpu.memory_space<vmem>>, vector<16xi32>,
        %shift_right_logical3A_256 = arith.constant 7 : i32
        %shift_right_logical3A_257 = vector.broadcast %shift_right_logical3A_256 : i32 to vector<16xi32>
        %shift_right_logical3A_258 = arith.shrui %get3A_255, %shift_right_logical3A_257 : vector<16xi32>
        %and3A_259 = arith.constant 127 : i32
        %and3A_260 = vector.broadcast %and3A_259 : i32 to vector<16xi32>
        %and3A_261 = arith.andi %get3A_255, %and3A_260 : vector<16xi32>
        tpu.vector_store_idx %arg11[%shift_right_logical3A_258, %and3A_261], %broadcast_in_dim3A_33 {add = true} : memref<80x128xf32, #tpu.memory_space<vmem>>[vector<16xi32>, vector<16xi32>], vector<16xf32>,
        %run_scoped3A_262 = arith.constant 1 : i32
        "tpu.region"() ({
          %run_scoped3A_270 = tpu.sem_alloc : memref<!tpu.dma_semaphore, #tpu.memory_space<semaphore_mem>>
          %dma_start3A_271 = arith.constant 0 : i32
          %dma_start3A_272 = arith.constant 0 : i32
          %dma_start3A_273 = tpu.memref_slice %arg10[%run_scoped3A_262, %dma_start3A_271, %dma_start3A_272] : memref<2x128x128xf32, #tpu.memory_space<vmem>> -> memref<1x128x128xf32, #tpu.memory_space<vmem>>
          %dma_start3A_274 = tpu.memref_squeeze %dma_start3A_273 : memref<1x128x128xf32, #tpu.memory_space<vmem>> -> memref<128x128xf32, #tpu.memory_space<vmem>>
          %dma_start3A_275 = arith.constant 0 : i32
          %dma_start3A_276 = tpu.memref_slice %arg9[%add3A_177, %dma_start3A_275] : memref<16x128xi32, #tpu.memory_space<vmem>> -> memref<1x128xi32, #tpu.memory_space<vmem>>
          %dma_start3A_277 = tpu.memref_squeeze %dma_start3A_276 : memref<1x128xi32, #tpu.memory_space<vmem>> -> memref<128xi32, #tpu.memory_space<vmem>>
          %dma_start3A_278 = arith.constant 0 : i32
          %dma_start3A_279 = arith.constant 0 : i32
          %dma_start3A_280 = tpu.memref_slice %arg13[%dma_start3A_278, %dma_start3A_279] : memref<10240x128xf32, #tpu.memory_space<vmem_shared>> -> memref<10240x128xf32, #tpu.memory_space<vmem_shared>>
          tpu.enqueue_indirect_dma source(%dma_start3A_274 : memref<128x128xf32, #tpu.memory_space<vmem>>) target(%dma_start3A_280 : memref<10240x128xf32, #tpu.memory_space<vmem_shared>>) offsets(%dma_start3A_277 : memref<128xi32, #tpu.memory_space<vmem>>) semaphore(%run_scoped3A_270 : memref<!tpu.dma_semaphore, #tpu.memory_space<semaphore_mem>>) {add = true}
          %dma_wait3A_281 = arith.constant 0 : i32
          %dma_wait3A_282 = arith.constant 0 : i32
          %dma_wait3A_283 = tpu.memref_slice %arg10[%run_scoped3A_262, %dma_wait3A_281, %dma_wait3A_282] : memref<2x128x128xf32, #tpu.memory_space<vmem>> -> memref<1x128x128xf32, #tpu.memory_space<vmem>>
          %dma_wait3A_284 = tpu.memref_squeeze %dma_wait3A_283 : memref<1x128x128xf32, #tpu.memory_space<vmem>> -> memref<128x128xf32, #tpu.memory_space<vmem>>
          %dma_wait3A_285 = arith.constant 0 : i32
          %dma_wait3A_286 = tpu.memref_slice %arg9[%add3A_177, %dma_wait3A_285] : memref<16x128xi32, #tpu.memory_space<vmem>> -> memref<1x128xi32, #tpu.memory_space<vmem>>
          %dma_wait3A_287 = tpu.memref_squeeze %dma_wait3A_286 : memref<1x128xi32, #tpu.memory_space<vmem>> -> memref<128xi32, #tpu.memory_space<vmem>>
          %dma_wait3A_288 = arith.constant 0 : i32
          %dma_wait3A_289 = arith.constant 0 : i32
          %dma_wait3A_290 = tpu.memref_slice %arg13[%dma_wait3A_288, %dma_wait3A_289] : memref<10240x128xf32, #tpu.memory_space<vmem_shared>> -> memref<10240x128xf32, #tpu.memory_space<vmem_shared>>
          tpu.wait_indirect_dma semaphore(%run_scoped3A_270 : memref<!tpu.dma_semaphore, #tpu.memory_space<semaphore_mem>>) src(%dma_wait3A_284 : memref<128x128xf32, #tpu.memory_space<vmem>>) dst(%dma_wait3A_290 : memref<10240x128xf32, #tpu.memory_space<vmem_shared>>)
          tpu.yield
        }) : () -> ()
        %add3A_263 = arith.constant 2 : i32
        %add3A_264 = arith.addi %add3A_177, %add3A_263 : i32
        %lt3A_265 = arith.constant 16 : i32
        %lt3A_266 = arith.cmpi slt, %add3A_264, %lt3A_265 : i32
        %convert_element_type3A_267 = arith.extui %lt3A_266 : i1 to i32
        %cond3A_268 = arith.constant 0 : i32
        %cond3A_269 = arith.cmpi ne, %convert_element_type3A_267, %cond3A_268 : i32
        scf.if %cond3A_269 {
          %add3A_270 = arith.constant 2 : i32
          %add3A_271 = arith.addi %add3A_177, %add3A_270 : i32
          %dma_start3A_272 = arith.constant 1 : i32
          %dma_start3A_273 = arith.constant 0 : i32
          %dma_start3A_274 = arith.constant 0 : i32
          %dma_start3A_275 = tpu.memref_slice %arg10[%dma_start3A_272, %dma_start3A_273, %dma_start3A_274] : memref<2x128x128xf32, #tpu.memory_space<vmem>> -> memref<1x128x128xf32, #tpu.memory_space<vmem>>
          %dma_start3A_276 = tpu.memref_squeeze %dma_start3A_275 : memref<1x128x128xf32, #tpu.memory_space<vmem>> -> memref<128x128xf32, #tpu.memory_space<vmem>>
          %dma_start3A_277 = arith.constant 0 : i32
          %dma_start3A_278 = tpu.memref_slice %arg8[%add3A_271, %dma_start3A_277] : memref<16x128xi32, #tpu.memory_space<vmem>> -> memref<1x128xi32, #tpu.memory_space<vmem>>
          %dma_start3A_279 = tpu.memref_squeeze %dma_start3A_278 : memref<1x128xi32, #tpu.memory_space<vmem>> -> memref<128xi32, #tpu.memory_space<vmem>>
          %dma_start3A_280 = arith.constant 0 : i32
          %dma_start3A_281 = arith.constant 0 : i32
          %dma_start3A_282 = tpu.memref_slice %arg2[%dma_start3A_280, %dma_start3A_281] : memref<10000x128xf32, #tpu.memory_space<hbm>> -> memref<10000x128xf32, #tpu.memory_space<hbm>>
          tpu.enqueue_indirect_dma source(%dma_start3A_282 : memref<10000x128xf32, #tpu.memory_space<hbm>>) target(%dma_start3A_276 : memref<128x128xf32, #tpu.memory_space<vmem>>) offsets(%dma_start3A_279 : memref<128xi32, #tpu.memory_space<vmem>>) semaphore(%arg16 : memref<!tpu.dma_semaphore, #tpu.memory_space<semaphore_mem>>)
        } else {
        }
      }
      %scan3A_82 = arith.constant 8 : i32
    }
    %scan3A_38 = arith.constant 5 : i32
    "tpu.region"() ({
      %run_scoped3A = tpu.sem_alloc : memref<!tpu.dma_semaphore, #tpu.memory_space<semaphore_mem>>
      %dma_start3A = arith.constant 0 : i32
      %dma_start3A_49 = arith.constant 0 : i32
      %dma_start3A_50 = tpu.memref_slice %arg14[%dma_start3A, %dma_start3A_49] : memref<80x128xf32, #tpu.memory_space<vmem_shared>> -> memref<80x128xf32, #tpu.memory_space<vmem_shared>>
      tpu.enqueue_indirect_dma source(%arg11 : memref<80x128xf32, #tpu.memory_space<vmem>>) target(%dma_start3A_50 : memref<80x128xf32, #tpu.memory_space<vmem_shared>>) offsets(%arg12 : memref<80xi32, #tpu.memory_space<vmem>>) semaphore(%run_scoped3A : memref<!tpu.dma_semaphore, #tpu.memory_space<semaphore_mem>>) {add = true}
      %dma_wait3A = arith.constant 0 : i32
      %dma_wait3A_51 = arith.constant 0 : i32
      %dma_wait3A_52 = tpu.memref_slice %arg14[%dma_wait3A, %dma_wait3A_51] : memref<80x128xf32, #tpu.memory_space<vmem_shared>> -> memref<80x128xf32, #tpu.memory_space<vmem_shared>>
      tpu.wait_indirect_dma semaphore(%run_scoped3A : memref<!tpu.dma_semaphore, #tpu.memory_space<semaphore_mem>>) src(%arg11 : memref<80x128xf32, #tpu.memory_space<vmem>>) dst(%dma_wait3A_52 : memref<80x128xf32, #tpu.memory_space<vmem_shared>>)
      tpu.yield
    }) : () -> ()
    %barrier3A_39 = arith.constant 0 : index
    tpu.barrier barrier_id(%barrier3A_39)
    %mul3A_40 = arith.constant 640 : i32
    %mul3A_41 = arith.muli %arg1, %mul3A_40 : i32
    %mul3A_42 = arith.constant 640 : i32
    %mul3A_43 = arith.muli %arg1, %mul3A_42 : i32
    "tpu.region"() ({
      %run_scoped3A = tpu.sem_alloc : memref<!tpu.dma_semaphore, #tpu.memory_space<semaphore_mem>>
      %dma_start3A = arith.constant 0 : i32
      %dma_start3A_49 = tpu.memref_slice %arg6[%arg0, %mul3A_43, %dma_start3A] : memref<2x10240x128xf32, #tpu.memory_space<hbm>> -> memref<1x640x128xf32, #tpu.memory_space<hbm>>
      %dma_start3A_50 = tpu.memref_squeeze %dma_start3A_49 : memref<1x640x128xf32, #tpu.memory_space<hbm>> -> memref<640x128xf32, #tpu.memory_space<hbm>>
      %dma_start3A_51 = arith.constant 0 : i32
      %dma_start3A_52 = tpu.memref_slice %arg13[%mul3A_41, %dma_start3A_51] : memref<10240x128xf32, #tpu.memory_space<vmem_shared>> -> memref<640x128xf32, #tpu.memory_space<vmem_shared>>
      tpu.enqueue_dma source(%dma_start3A_52 : memref<640x128xf32, #tpu.memory_space<vmem_shared>>) target(%dma_start3A_50 : memref<640x128xf32, #tpu.memory_space<hbm>>) target_semaphore(%run_scoped3A : memref<!tpu.dma_semaphore, #tpu.memory_space<semaphore_mem>>)
      %dma_wait3A = arith.constant 0 : i32
      %dma_wait3A_53 = tpu.memref_slice %arg6[%arg0, %mul3A_43, %dma_wait3A] : memref<2x10240x128xf32, #tpu.memory_space<hbm>> -> memref<1x640x128xf32, #tpu.memory_space<hbm>>
      %dma_wait3A_54 = tpu.memref_squeeze %dma_wait3A_53 : memref<1x640x128xf32, #tpu.memory_space<hbm>> -> memref<640x128xf32, #tpu.memory_space<hbm>>
      %dma_wait3A_55 = arith.constant 0 : i32
      %dma_wait3A_56 = tpu.memref_slice %arg13[%mul3A_41, %dma_wait3A_55] : memref<10240x128xf32, #tpu.memory_space<vmem_shared>> -> memref<640x128xf32, #tpu.memory_space<vmem_shared>>
      tpu.wait_dma2 semaphore(%run_scoped3A : memref<!tpu.dma_semaphore, #tpu.memory_space<semaphore_mem>>) src(%dma_wait3A_56 : memref<640x128xf32, #tpu.memory_space<vmem_shared>>) dst(%dma_wait3A_54 : memref<640x128xf32, #tpu.memory_space<hbm>>)
      tpu.yield
    }) : () -> ()
    %eq3A_44 = arith.constant 0 : i32
    %eq3A_45 = arith.cmpi eq, %arg1, %eq3A_44 : i32
    %convert_element_type3A_46 = arith.extui %eq3A_45 : i1 to i32
    %cond3A_47 = arith.constant 0 : i32
    %cond3A_48 = arith.cmpi ne, %convert_element_type3A_46, %cond3A_47 : i32
    scf.if %cond3A_48 {
      "tpu.region"() ({
        %run_scoped3A = tpu.sem_alloc : memref<!tpu.dma_semaphore, #tpu.memory_space<semaphore_mem>>
        %dma_start3A = arith.constant 0 : i32
        %dma_start3A_49 = arith.constant 0 : i32
        %dma_start3A_50 = tpu.memref_slice %arg7[%arg0, %dma_start3A, %dma_start3A_49] : memref<2x80x128xf32, #tpu.memory_space<hbm>> -> memref<1x80x128xf32, #tpu.memory_space<hbm>>
        %dma_start3A_51 = tpu.memref_squeeze %dma_start3A_50 : memref<1x80x128xf32, #tpu.memory_space<hbm>> -> memref<80x128xf32, #tpu.memory_space<hbm>>
        tpu.enqueue_dma source(%arg14 : memref<80x128xf32, #tpu.memory_space<vmem_shared>>) target(%dma_start3A_51 : memref<80x128xf32, #tpu.memory_space<hbm>>) target_semaphore(%run_scoped3A : memref<!tpu.dma_semaphore, #tpu.memory_space<semaphore_mem>>)
        %dma_wait3A = arith.constant 0 : i32
        %dma_wait3A_52 = arith.constant 0 : i32
        %dma_wait3A_53 = tpu.memref_slice %arg7[%arg0, %dma_wait3A, %dma_wait3A_52] : memref<2x80x128xf32, #tpu.memory_space<hbm>> -> memref<1x80x128xf32, #tpu.memory_space<hbm>>
        %dma_wait3A_54 = tpu.memref_squeeze %dma_wait3A_53 : memref<1x80x128xf32, #tpu.memory_space<hbm>> -> memref<80x128xf32, #tpu.memory_space<hbm>>
        tpu.wait_dma2 semaphore(%run_scoped3A : memref<!tpu.dma_semaphore, #tpu.memory_space<semaphore_mem>>) src(%arg14 : memref<80x128xf32, #tpu.memory_space<vmem_shared>>) dst(%dma_wait3A_54 : memref<80x128xf32, #tpu.memory_space<hbm>>)
        tpu.yield
      }) : () -> ()
    } else {
    }
    return
  }
}

#map = affine_map<(d0, d1) -> (0, 0)>
#map1 = affine_map<(d0, d1) -> (0, 0, 0)>
module attributes {stable_mosaic.version = 14 : i64} {
  func.func @wrapped(%arg0: i32, %arg1: i32, %arg2: memref<10000x128xf32, #tpu.memory_space<hbm>>, %arg3: memref<32x80x128xi32, #tpu.memory_space<hbm>>, %arg4: memref<32x80x128xi32, #tpu.memory_space<hbm>>, %arg5: memref<640x128xf32, #tpu.memory_space<hbm>>, %arg6: memref<2x10240x128xf32, #tpu.memory_space<hbm>>, %arg7: memref<16x128xi32, #tpu.memory_space<vmem>>, %arg8: memref<16x128xi32, #tpu.memory_space<vmem>>, %arg9: memref<2x128x128xf32, #tpu.memory_space<vmem>>, %arg10: memref<10240x128xf32, #tpu.memory_space<vmem_shared>>, %arg11: memref<!tpu.dma_semaphore, #tpu.memory_space<semaphore_mem>>, %arg12: memref<!tpu.dma_semaphore, #tpu.memory_space<semaphore_mem>>) attributes {dimension_semantics = [#tpu.dimension_semantics<core_parallel>, #tpu.dimension_semantics<subcore_parallel>], iteration_bounds = array<i64: 2, 16>, scalar_prefetch = 0 : i64, scratch_operands = 6 : i64, tpu.core_type = #tpu.core_type<sc_vector_subcore>, window_params = [{transform_indices = #map}, {transform_indices = #map1}, {transform_indices = #map1}, {transform_indices = #map}, {transform_indices = #map1}]} {
    %mul3A = arith.constant 2 : i32
    %mul3A_0 = arith.muli %arg1, %mul3A : i32
    %add3A = arith.addi %mul3A_0, %arg0 : i32
    %mul3A_1 = arith.constant 640 : i32
    %mul3A_2 = arith.muli %arg1, %mul3A_1 : i32
    "tpu.region"() ({
      %run_scoped3A = tpu.sem_alloc : memref<!tpu.dma_semaphore, #tpu.memory_space<semaphore_mem>>
      %dma_start3A = arith.constant 0 : i32
      %dma_start3A_14 = tpu.memref_slice %arg10[%mul3A_2, %dma_start3A] : memref<10240x128xf32, #tpu.memory_space<vmem_shared>> -> memref<640x128xf32, #tpu.memory_space<vmem_shared>>
      tpu.enqueue_dma source(%arg5 : memref<640x128xf32, #tpu.memory_space<hbm>>) target(%dma_start3A_14 : memref<640x128xf32, #tpu.memory_space<vmem_shared>>) target_semaphore(%run_scoped3A : memref<!tpu.dma_semaphore, #tpu.memory_space<semaphore_mem>>)
      %dma_wait3A = arith.constant 0 : i32
      %dma_wait3A_15 = tpu.memref_slice %arg10[%mul3A_2, %dma_wait3A] : memref<10240x128xf32, #tpu.memory_space<vmem_shared>> -> memref<640x128xf32, #tpu.memory_space<vmem_shared>>
      tpu.wait_dma2 semaphore(%run_scoped3A : memref<!tpu.dma_semaphore, #tpu.memory_space<semaphore_mem>>) src(%arg5 : memref<640x128xf32, #tpu.memory_space<hbm>>) dst(%dma_wait3A_15 : memref<640x128xf32, #tpu.memory_space<vmem_shared>>)
      tpu.yield
    }) : () -> ()
    %barrier3A = arith.constant 0 : index
    tpu.barrier barrier_id(%barrier3A)
    %broadcast_in_dim3A = arith.constant 1.000000e+00 : f32
    %broadcast_in_dim3A_3 = vector.broadcast %broadcast_in_dim3A : f32 to vector<16xf32>
    %scan3A = arith.constant 0 : i32
    %scan3A_4 = arith.constant 0 : i32
    %scan3A_5 = arith.constant 5 : i32
    %scan3A_6 = arith.addi %scan3A_4, %scan3A_5 : i32
    %scan3A_7 = arith.constant 1 : i32
    scf.for %scan3A_14 = %scan3A_4 to %scan3A_6 step %scan3A_7  : i32 {
      %mul3A_15 = arith.constant 16 : i32
      %mul3A_16 = arith.muli %scan3A_14, %mul3A_15 : i32
      "tpu.region"() ({
        %run_scoped3A = tpu.sem_alloc : memref<!tpu.dma_semaphore, #tpu.memory_space<semaphore_mem>>
        %dma_start3A_48 = arith.constant 0 : i32
        %dma_start3A_49 = tpu.memref_slice %arg3[%add3A, %mul3A_16, %dma_start3A_48] : memref<32x80x128xi32, #tpu.memory_space<hbm>> -> memref<1x16x128xi32, #tpu.memory_space<hbm>>
        %dma_start3A_50 = tpu.memref_squeeze %dma_start3A_49 : memref<1x16x128xi32, #tpu.memory_space<hbm>> -> memref<16x128xi32, #tpu.memory_space<hbm>>
        %dma_start3A_51 = arith.constant 0 : i32
        %dma_start3A_52 = tpu.memref_slice %arg3[%add3A, %mul3A_16, %dma_start3A_51] : memref<32x80x128xi32, #tpu.memory_space<hbm>> -> memref<1x16x128xi32, #tpu.memory_space<hbm>>
        %dma_start3A_53 = tpu.memref_squeeze %dma_start3A_52 : memref<1x16x128xi32, #tpu.memory_space<hbm>> -> memref<16x128xi32, #tpu.memory_space<hbm>>
        tpu.enqueue_dma source(%dma_start3A_53 : memref<16x128xi32, #tpu.memory_space<hbm>>) target(%arg7 : memref<16x128xi32, #tpu.memory_space<vmem>>) target_semaphore(%run_scoped3A : memref<!tpu.dma_semaphore, #tpu.memory_space<semaphore_mem>>)
        %dma_wait3A = arith.constant 0 : i32
        %dma_wait3A_54 = tpu.memref_slice %arg3[%add3A, %mul3A_16, %dma_wait3A] : memref<32x80x128xi32, #tpu.memory_space<hbm>> -> memref<1x16x128xi32, #tpu.memory_space<hbm>>
        %dma_wait3A_55 = tpu.memref_squeeze %dma_wait3A_54 : memref<1x16x128xi32, #tpu.memory_space<hbm>> -> memref<16x128xi32, #tpu.memory_space<hbm>>
        %dma_wait3A_56 = arith.constant 0 : i32
        %dma_wait3A_57 = tpu.memref_slice %arg3[%add3A, %mul3A_16, %dma_wait3A_56] : memref<32x80x128xi32, #tpu.memory_space<hbm>> -> memref<1x16x128xi32, #tpu.memory_space<hbm>>
        %dma_wait3A_58 = tpu.memref_squeeze %dma_wait3A_57 : memref<1x16x128xi32, #tpu.memory_space<hbm>> -> memref<16x128xi32, #tpu.memory_space<hbm>>
        tpu.wait_dma2 semaphore(%run_scoped3A : memref<!tpu.dma_semaphore, #tpu.memory_space<semaphore_mem>>) src(%dma_wait3A_58 : memref<16x128xi32, #tpu.memory_space<hbm>>) dst(%arg7 : memref<16x128xi32, #tpu.memory_space<vmem>>)
        tpu.yield
      }) : () -> ()
      %mul3A_17 = arith.constant 16 : i32
      %mul3A_18 = arith.muli %scan3A_14, %mul3A_17 : i32
      "tpu.region"() ({
        %run_scoped3A = tpu.sem_alloc : memref<!tpu.dma_semaphore, #tpu.memory_space<semaphore_mem>>
        %dma_start3A_48 = arith.constant 0 : i32
        %dma_start3A_49 = tpu.memref_slice %arg4[%add3A, %mul3A_18, %dma_start3A_48] : memref<32x80x128xi32, #tpu.memory_space<hbm>> -> memref<1x16x128xi32, #tpu.memory_space<hbm>>
        %dma_start3A_50 = tpu.memref_squeeze %dma_start3A_49 : memref<1x16x128xi32, #tpu.memory_space<hbm>> -> memref<16x128xi32, #tpu.memory_space<hbm>>
        %dma_start3A_51 = arith.constant 0 : i32
        %dma_start3A_52 = tpu.memref_slice %arg4[%add3A, %mul3A_18, %dma_start3A_51] : memref<32x80x128xi32, #tpu.memory_space<hbm>> -> memref<1x16x128xi32, #tpu.memory_space<hbm>>
        %dma_start3A_53 = tpu.memref_squeeze %dma_start3A_52 : memref<1x16x128xi32, #tpu.memory_space<hbm>> -> memref<16x128xi32, #tpu.memory_space<hbm>>
        tpu.enqueue_dma source(%dma_start3A_53 : memref<16x128xi32, #tpu.memory_space<hbm>>) target(%arg8 : memref<16x128xi32, #tpu.memory_space<vmem>>) target_semaphore(%run_scoped3A : memref<!tpu.dma_semaphore, #tpu.memory_space<semaphore_mem>>)
        %dma_wait3A = arith.constant 0 : i32
        %dma_wait3A_54 = tpu.memref_slice %arg4[%add3A, %mul3A_18, %dma_wait3A] : memref<32x80x128xi32, #tpu.memory_space<hbm>> -> memref<1x16x128xi32, #tpu.memory_space<hbm>>
        %dma_wait3A_55 = tpu.memref_squeeze %dma_wait3A_54 : memref<1x16x128xi32, #tpu.memory_space<hbm>> -> memref<16x128xi32, #tpu.memory_space<hbm>>
        %dma_wait3A_56 = arith.constant 0 : i32
        %dma_wait3A_57 = tpu.memref_slice %arg4[%add3A, %mul3A_18, %dma_wait3A_56] : memref<32x80x128xi32, #tpu.memory_space<hbm>> -> memref<1x16x128xi32, #tpu.memory_space<hbm>>
        %dma_wait3A_58 = tpu.memref_squeeze %dma_wait3A_57 : memref<1x16x128xi32, #tpu.memory_space<hbm>> -> memref<16x128xi32, #tpu.memory_space<hbm>>
        tpu.wait_dma2 semaphore(%run_scoped3A : memref<!tpu.dma_semaphore, #tpu.memory_space<semaphore_mem>>) src(%dma_wait3A_58 : memref<16x128xi32, #tpu.memory_space<hbm>>) dst(%arg8 : memref<16x128xi32, #tpu.memory_space<vmem>>)
        tpu.yield
      }) : () -> ()
      %dma_start3A = arith.constant 0 : i32
      %dma_start3A_19 = arith.constant 0 : i32
      %dma_start3A_20 = arith.constant 0 : i32
      %dma_start3A_21 = arith.constant 0 : i32
      %dma_start3A_22 = tpu.memref_slice %arg9[%dma_start3A_19, %dma_start3A_20, %dma_start3A_21] : memref<2x128x128xf32, #tpu.memory_space<vmem>> -> memref<1x128x128xf32, #tpu.memory_space<vmem>>
      %dma_start3A_23 = tpu.memref_squeeze %dma_start3A_22 : memref<1x128x128xf32, #tpu.memory_space<vmem>> -> memref<128x128xf32, #tpu.memory_space<vmem>>
      %dma_start3A_24 = arith.constant 0 : i32
      %dma_start3A_25 = tpu.memref_slice %arg7[%dma_start3A, %dma_start3A_24] : memref<16x128xi32, #tpu.memory_space<vmem>> -> memref<1x128xi32, #tpu.memory_space<vmem>>
      %dma_start3A_26 = tpu.memref_squeeze %dma_start3A_25 : memref<1x128xi32, #tpu.memory_space<vmem>> -> memref<128xi32, #tpu.memory_space<vmem>>
      %dma_start3A_27 = arith.constant 0 : i32
      %dma_start3A_28 = arith.constant 0 : i32
      %dma_start3A_29 = tpu.memref_slice %arg2[%dma_start3A_27, %dma_start3A_28] : memref<10000x128xf32, #tpu.memory_space<hbm>> -> memref<10000x128xf32, #tpu.memory_space<hbm>>
      tpu.enqueue_indirect_dma source(%dma_start3A_29 : memref<10000x128xf32, #tpu.memory_space<hbm>>) target(%dma_start3A_23 : memref<128x128xf32, #tpu.memory_space<vmem>>) offsets(%dma_start3A_26 : memref<128xi32, #tpu.memory_space<vmem>>) semaphore(%arg11 : memref<!tpu.dma_semaphore, #tpu.memory_space<semaphore_mem>>)
      %dma_start3A_30 = arith.constant 1 : i32
      %dma_start3A_31 = arith.constant 1 : i32
      %dma_start3A_32 = arith.constant 0 : i32
      %dma_start3A_33 = arith.constant 0 : i32
      %dma_start3A_34 = tpu.memref_slice %arg9[%dma_start3A_31, %dma_start3A_32, %dma_start3A_33] : memref<2x128x128xf32, #tpu.memory_space<vmem>> -> memref<1x128x128xf32, #tpu.memory_space<vmem>>
      %dma_start3A_35 = tpu.memref_squeeze %dma_start3A_34 : memref<1x128x128xf32, #tpu.memory_space<vmem>> -> memref<128x128xf32, #tpu.memory_space<vmem>>
      %dma_start3A_36 = arith.constant 0 : i32
      %dma_start3A_37 = tpu.memref_slice %arg7[%dma_start3A_30, %dma_start3A_36] : memref<16x128xi32, #tpu.memory_space<vmem>> -> memref<1x128xi32, #tpu.memory_space<vmem>>
      %dma_start3A_38 = tpu.memref_squeeze %dma_start3A_37 : memref<1x128xi32, #tpu.memory_space<vmem>> -> memref<128xi32, #tpu.memory_space<vmem>>
      %dma_start3A_39 = arith.constant 0 : i32
      %dma_start3A_40 = arith.constant 0 : i32
      %dma_start3A_41 = tpu.memref_slice %arg2[%dma_start3A_39, %dma_start3A_40] : memref<10000x128xf32, #tpu.memory_space<hbm>> -> memref<10000x128xf32, #tpu.memory_space<hbm>>
      tpu.enqueue_indirect_dma source(%dma_start3A_41 : memref<10000x128xf32, #tpu.memory_space<hbm>>) target(%dma_start3A_35 : memref<128x128xf32, #tpu.memory_space<vmem>>) offsets(%dma_start3A_38 : memref<128xi32, #tpu.memory_space<vmem>>) semaphore(%arg12 : memref<!tpu.dma_semaphore, #tpu.memory_space<semaphore_mem>>)
      %scan3A_42 = arith.constant 0 : i32
      %scan3A_43 = arith.constant 0 : i32
      %scan3A_44 = arith.constant 8 : i32
      %scan3A_45 = arith.addi %scan3A_43, %scan3A_44 : i32
      %scan3A_46 = arith.constant 1 : i32
      scf.for %scan3A_48 = %scan3A_43 to %scan3A_45 step %scan3A_46  : i32 {
        %mul3A_49 = arith.constant 2 : i32
        %mul3A_50 = arith.muli %scan3A_48, %mul3A_49 : i32
        %add3A_51 = arith.constant 0 : i32
        %add3A_52 = arith.addi %mul3A_50, %add3A_51 : i32
        %dma_wait3A = arith.constant 0 : i32
        %dma_wait3A_53 = arith.constant 0 : i32
        %dma_wait3A_54 = arith.constant 0 : i32
        %dma_wait3A_55 = arith.constant 0 : i32
        %dma_wait3A_56 = tpu.memref_slice %arg9[%dma_wait3A_53, %dma_wait3A_54, %dma_wait3A_55] : memref<2x128x128xf32, #tpu.memory_space<vmem>> -> memref<1x128x128xf32, #tpu.memory_space<vmem>>
        %dma_wait3A_57 = tpu.memref_squeeze %dma_wait3A_56 : memref<1x128x128xf32, #tpu.memory_space<vmem>> -> memref<128x128xf32, #tpu.memory_space<vmem>>
        %dma_wait3A_58 = arith.constant 0 : i32
        %dma_wait3A_59 = tpu.memref_slice %arg7[%dma_wait3A, %dma_wait3A_58] : memref<16x128xi32, #tpu.memory_space<vmem>> -> memref<1x128xi32, #tpu.memory_space<vmem>>
        %dma_wait3A_60 = tpu.memref_squeeze %dma_wait3A_59 : memref<1x128xi32, #tpu.memory_space<vmem>> -> memref<128xi32, #tpu.memory_space<vmem>>
        %dma_wait3A_61 = arith.constant 0 : i32
        %dma_wait3A_62 = arith.constant 0 : i32
        %dma_wait3A_63 = tpu.memref_slice %arg2[%dma_wait3A_61, %dma_wait3A_62] : memref<10000x128xf32, #tpu.memory_space<hbm>> -> memref<10000x128xf32, #tpu.memory_space<hbm>>
        tpu.wait_indirect_dma semaphore(%arg11 : memref<!tpu.dma_semaphore, #tpu.memory_space<semaphore_mem>>) src(%dma_wait3A_63 : memref<10000x128xf32, #tpu.memory_space<hbm>>) dst(%dma_wait3A_57 : memref<128x128xf32, #tpu.memory_space<vmem>>)
        %run_scoped3A = arith.constant 0 : i32
        "tpu.region"() ({
          %run_scoped3A_92 = tpu.sem_alloc : memref<!tpu.dma_semaphore, #tpu.memory_space<semaphore_mem>>
          %dma_start3A_93 = arith.constant 0 : i32
          %dma_start3A_94 = arith.constant 0 : i32
          %dma_start3A_95 = tpu.memref_slice %arg9[%run_scoped3A, %dma_start3A_93, %dma_start3A_94] : memref<2x128x128xf32, #tpu.memory_space<vmem>> -> memref<1x128x128xf32, #tpu.memory_space<vmem>>
          %dma_start3A_96 = tpu.memref_squeeze %dma_start3A_95 : memref<1x128x128xf32, #tpu.memory_space<vmem>> -> memref<128x128xf32, #tpu.memory_space<vmem>>
          %dma_start3A_97 = arith.constant 0 : i32
          %dma_start3A_98 = tpu.memref_slice %arg8[%add3A_52, %dma_start3A_97] : memref<16x128xi32, #tpu.memory_space<vmem>> -> memref<1x128xi32, #tpu.memory_space<vmem>>
          %dma_start3A_99 = tpu.memref_squeeze %dma_start3A_98 : memref<1x128xi32, #tpu.memory_space<vmem>> -> memref<128xi32, #tpu.memory_space<vmem>>
          %dma_start3A_100 = arith.constant 0 : i32
          %dma_start3A_101 = arith.constant 0 : i32
          %dma_start3A_102 = tpu.memref_slice %arg10[%dma_start3A_100, %dma_start3A_101] : memref<10240x128xf32, #tpu.memory_space<vmem_shared>> -> memref<10240x128xf32, #tpu.memory_space<vmem_shared>>
          tpu.enqueue_indirect_dma source(%dma_start3A_96 : memref<128x128xf32, #tpu.memory_space<vmem>>) target(%dma_start3A_102 : memref<10240x128xf32, #tpu.memory_space<vmem_shared>>) offsets(%dma_start3A_99 : memref<128xi32, #tpu.memory_space<vmem>>) semaphore(%run_scoped3A_92 : memref<!tpu.dma_semaphore, #tpu.memory_space<semaphore_mem>>) {add = true}
          %dma_wait3A_103 = arith.constant 0 : i32
          %dma_wait3A_104 = arith.constant 0 : i32
          %dma_wait3A_105 = tpu.memref_slice %arg9[%run_scoped3A, %dma_wait3A_103, %dma_wait3A_104] : memref<2x128x128xf32, #tpu.memory_space<vmem>> -> memref<1x128x128xf32, #tpu.memory_space<vmem>>
          %dma_wait3A_106 = tpu.memref_squeeze %dma_wait3A_105 : memref<1x128x128xf32, #tpu.memory_space<vmem>> -> memref<128x128xf32, #tpu.memory_space<vmem>>
          %dma_wait3A_107 = arith.constant 0 : i32
          %dma_wait3A_108 = tpu.memref_slice %arg8[%add3A_52, %dma_wait3A_107] : memref<16x128xi32, #tpu.memory_space<vmem>> -> memref<1x128xi32, #tpu.memory_space<vmem>>
          %dma_wait3A_109 = tpu.memref_squeeze %dma_wait3A_108 : memref<1x128xi32, #tpu.memory_space<vmem>> -> memref<128xi32, #tpu.memory_space<vmem>>
          %dma_wait3A_110 = arith.constant 0 : i32
          %dma_wait3A_111 = arith.constant 0 : i32
          %dma_wait3A_112 = tpu.memref_slice %arg10[%dma_wait3A_110, %dma_wait3A_111] : memref<10240x128xf32, #tpu.memory_space<vmem_shared>> -> memref<10240x128xf32, #tpu.memory_space<vmem_shared>>
          tpu.wait_indirect_dma semaphore(%run_scoped3A_92 : memref<!tpu.dma_semaphore, #tpu.memory_space<semaphore_mem>>) src(%dma_wait3A_106 : memref<128x128xf32, #tpu.memory_space<vmem>>) dst(%dma_wait3A_112 : memref<10240x128xf32, #tpu.memory_space<vmem_shared>>)
          tpu.yield
        }) : () -> ()
        %add3A_64 = arith.constant 2 : i32
        %add3A_65 = arith.addi %add3A_52, %add3A_64 : i32
        %lt3A = arith.constant 16 : i32
        %lt3A_66 = arith.cmpi slt, %add3A_65, %lt3A : i32
        %convert_element_type3A = arith.extui %lt3A_66 : i1 to i32
        %cond3A = arith.constant 0 : i32
        %cond3A_67 = arith.cmpi ne, %convert_element_type3A, %cond3A : i32
        scf.if %cond3A_67 {
          %add3A_92 = arith.constant 2 : i32
          %add3A_93 = arith.addi %add3A_52, %add3A_92 : i32
          %dma_start3A_94 = arith.constant 0 : i32
          %dma_start3A_95 = arith.constant 0 : i32
          %dma_start3A_96 = arith.constant 0 : i32
          %dma_start3A_97 = tpu.memref_slice %arg9[%dma_start3A_94, %dma_start3A_95, %dma_start3A_96] : memref<2x128x128xf32, #tpu.memory_space<vmem>> -> memref<1x128x128xf32, #tpu.memory_space<vmem>>
          %dma_start3A_98 = tpu.memref_squeeze %dma_start3A_97 : memref<1x128x128xf32, #tpu.memory_space<vmem>> -> memref<128x128xf32, #tpu.memory_space<vmem>>
          %dma_start3A_99 = arith.constant 0 : i32
          %dma_start3A_100 = tpu.memref_slice %arg7[%add3A_93, %dma_start3A_99] : memref<16x128xi32, #tpu.memory_space<vmem>> -> memref<1x128xi32, #tpu.memory_space<vmem>>
          %dma_start3A_101 = tpu.memref_squeeze %dma_start3A_100 : memref<1x128xi32, #tpu.memory_space<vmem>> -> memref<128xi32, #tpu.memory_space<vmem>>
          %dma_start3A_102 = arith.constant 0 : i32
          %dma_start3A_103 = arith.constant 0 : i32
          %dma_start3A_104 = tpu.memref_slice %arg2[%dma_start3A_102, %dma_start3A_103] : memref<10000x128xf32, #tpu.memory_space<hbm>> -> memref<10000x128xf32, #tpu.memory_space<hbm>>
          tpu.enqueue_indirect_dma source(%dma_start3A_104 : memref<10000x128xf32, #tpu.memory_space<hbm>>) target(%dma_start3A_98 : memref<128x128xf32, #tpu.memory_space<vmem>>) offsets(%dma_start3A_101 : memref<128xi32, #tpu.memory_space<vmem>>) semaphore(%arg11 : memref<!tpu.dma_semaphore, #tpu.memory_space<semaphore_mem>>)
        } else {
        }
        %mul3A_68 = arith.constant 2 : i32
        %mul3A_69 = arith.muli %scan3A_48, %mul3A_68 : i32
        %add3A_70 = arith.constant 1 : i32
        %add3A_71 = arith.addi %mul3A_69, %add3A_70 : i32
        %dma_wait3A_72 = arith.constant 0 : i32
        %dma_wait3A_73 = arith.constant 1 : i32
        %dma_wait3A_74 = arith.constant 0 : i32
        %dma_wait3A_75 = arith.constant 0 : i32
        %dma_wait3A_76 = tpu.memref_slice %arg9[%dma_wait3A_73, %dma_wait3A_74, %dma_wait3A_75] : memref<2x128x128xf32, #tpu.memory_space<vmem>> -> memref<1x128x128xf32, #tpu.memory_space<vmem>>
        %dma_wait3A_77 = tpu.memref_squeeze %dma_wait3A_76 : memref<1x128x128xf32, #tpu.memory_space<vmem>> -> memref<128x128xf32, #tpu.memory_space<vmem>>
        %dma_wait3A_78 = arith.constant 0 : i32
        %dma_wait3A_79 = tpu.memref_slice %arg7[%dma_wait3A_72, %dma_wait3A_78] : memref<16x128xi32, #tpu.memory_space<vmem>> -> memref<1x128xi32, #tpu.memory_space<vmem>>
        %dma_wait3A_80 = tpu.memref_squeeze %dma_wait3A_79 : memref<1x128xi32, #tpu.memory_space<vmem>> -> memref<128xi32, #tpu.memory_space<vmem>>
        %dma_wait3A_81 = arith.constant 0 : i32
        %dma_wait3A_82 = arith.constant 0 : i32
        %dma_wait3A_83 = tpu.memref_slice %arg2[%dma_wait3A_81, %dma_wait3A_82] : memref<10000x128xf32, #tpu.memory_space<hbm>> -> memref<10000x128xf32, #tpu.memory_space<hbm>>
        tpu.wait_indirect_dma semaphore(%arg12 : memref<!tpu.dma_semaphore, #tpu.memory_space<semaphore_mem>>) src(%dma_wait3A_83 : memref<10000x128xf32, #tpu.memory_space<hbm>>) dst(%dma_wait3A_77 : memref<128x128xf32, #tpu.memory_space<vmem>>)
        %run_scoped3A_84 = arith.constant 1 : i32
        "tpu.region"() ({
          %run_scoped3A_92 = tpu.sem_alloc : memref<!tpu.dma_semaphore, #tpu.memory_space<semaphore_mem>>
          %dma_start3A_93 = arith.constant 0 : i32
          %dma_start3A_94 = arith.constant 0 : i32
          %dma_start3A_95 = tpu.memref_slice %arg9[%run_scoped3A_84, %dma_start3A_93, %dma_start3A_94] : memref<2x128x128xf32, #tpu.memory_space<vmem>> -> memref<1x128x128xf32, #tpu.memory_space<vmem>>
          %dma_start3A_96 = tpu.memref_squeeze %dma_start3A_95 : memref<1x128x128xf32, #tpu.memory_space<vmem>> -> memref<128x128xf32, #tpu.memory_space<vmem>>
          %dma_start3A_97 = arith.constant 0 : i32
          %dma_start3A_98 = tpu.memref_slice %arg8[%add3A_71, %dma_start3A_97] : memref<16x128xi32, #tpu.memory_space<vmem>> -> memref<1x128xi32, #tpu.memory_space<vmem>>
          %dma_start3A_99 = tpu.memref_squeeze %dma_start3A_98 : memref<1x128xi32, #tpu.memory_space<vmem>> -> memref<128xi32, #tpu.memory_space<vmem>>
          %dma_start3A_100 = arith.constant 0 : i32
          %dma_start3A_101 = arith.constant 0 : i32
          %dma_start3A_102 = tpu.memref_slice %arg10[%dma_start3A_100, %dma_start3A_101] : memref<10240x128xf32, #tpu.memory_space<vmem_shared>> -> memref<10240x128xf32, #tpu.memory_space<vmem_shared>>
          tpu.enqueue_indirect_dma source(%dma_start3A_96 : memref<128x128xf32, #tpu.memory_space<vmem>>) target(%dma_start3A_102 : memref<10240x128xf32, #tpu.memory_space<vmem_shared>>) offsets(%dma_start3A_99 : memref<128xi32, #tpu.memory_space<vmem>>) semaphore(%run_scoped3A_92 : memref<!tpu.dma_semaphore, #tpu.memory_space<semaphore_mem>>) {add = true}
          %dma_wait3A_103 = arith.constant 0 : i32
          %dma_wait3A_104 = arith.constant 0 : i32
          %dma_wait3A_105 = tpu.memref_slice %arg9[%run_scoped3A_84, %dma_wait3A_103, %dma_wait3A_104] : memref<2x128x128xf32, #tpu.memory_space<vmem>> -> memref<1x128x128xf32, #tpu.memory_space<vmem>>
          %dma_wait3A_106 = tpu.memref_squeeze %dma_wait3A_105 : memref<1x128x128xf32, #tpu.memory_space<vmem>> -> memref<128x128xf32, #tpu.memory_space<vmem>>
          %dma_wait3A_107 = arith.constant 0 : i32
          %dma_wait3A_108 = tpu.memref_slice %arg8[%add3A_71, %dma_wait3A_107] : memref<16x128xi32, #tpu.memory_space<vmem>> -> memref<1x128xi32, #tpu.memory_space<vmem>>
          %dma_wait3A_109 = tpu.memref_squeeze %dma_wait3A_108 : memref<1x128xi32, #tpu.memory_space<vmem>> -> memref<128xi32, #tpu.memory_space<vmem>>
          %dma_wait3A_110 = arith.constant 0 : i32
          %dma_wait3A_111 = arith.constant 0 : i32
          %dma_wait3A_112 = tpu.memref_slice %arg10[%dma_wait3A_110, %dma_wait3A_111] : memref<10240x128xf32, #tpu.memory_space<vmem_shared>> -> memref<10240x128xf32, #tpu.memory_space<vmem_shared>>
          tpu.wait_indirect_dma semaphore(%run_scoped3A_92 : memref<!tpu.dma_semaphore, #tpu.memory_space<semaphore_mem>>) src(%dma_wait3A_106 : memref<128x128xf32, #tpu.memory_space<vmem>>) dst(%dma_wait3A_112 : memref<10240x128xf32, #tpu.memory_space<vmem_shared>>)
          tpu.yield
        }) : () -> ()
        %add3A_85 = arith.constant 2 : i32
        %add3A_86 = arith.addi %add3A_71, %add3A_85 : i32
        %lt3A_87 = arith.constant 16 : i32
        %lt3A_88 = arith.cmpi slt, %add3A_86, %lt3A_87 : i32
        %convert_element_type3A_89 = arith.extui %lt3A_88 : i1 to i32
        %cond3A_90 = arith.constant 0 : i32
        %cond3A_91 = arith.cmpi ne, %convert_element_type3A_89, %cond3A_90 : i32
        scf.if %cond3A_91 {
          %add3A_92 = arith.constant 2 : i32
          %add3A_93 = arith.addi %add3A_71, %add3A_92 : i32
          %dma_start3A_94 = arith.constant 1 : i32
          %dma_start3A_95 = arith.constant 0 : i32
          %dma_start3A_96 = arith.constant 0 : i32
          %dma_start3A_97 = tpu.memref_slice %arg9[%dma_start3A_94, %dma_start3A_95, %dma_start3A_96] : memref<2x128x128xf32, #tpu.memory_space<vmem>> -> memref<1x128x128xf32, #tpu.memory_space<vmem>>
          %dma_start3A_98 = tpu.memref_squeeze %dma_start3A_97 : memref<1x128x128xf32, #tpu.memory_space<vmem>> -> memref<128x128xf32, #tpu.memory_space<vmem>>
          %dma_start3A_99 = arith.constant 0 : i32
          %dma_start3A_100 = tpu.memref_slice %arg7[%add3A_93, %dma_start3A_99] : memref<16x128xi32, #tpu.memory_space<vmem>> -> memref<1x128xi32, #tpu.memory_space<vmem>>
          %dma_start3A_101 = tpu.memref_squeeze %dma_start3A_100 : memref<1x128xi32, #tpu.memory_space<vmem>> -> memref<128xi32, #tpu.memory_space<vmem>>
          %dma_start3A_102 = arith.constant 0 : i32
          %dma_start3A_103 = arith.constant 0 : i32
          %dma_start3A_104 = tpu.memref_slice %arg2[%dma_start3A_102, %dma_start3A_103] : memref<10000x128xf32, #tpu.memory_space<hbm>> -> memref<10000x128xf32, #tpu.memory_space<hbm>>
          tpu.enqueue_indirect_dma source(%dma_start3A_104 : memref<10000x128xf32, #tpu.memory_space<hbm>>) target(%dma_start3A_98 : memref<128x128xf32, #tpu.memory_space<vmem>>) offsets(%dma_start3A_101 : memref<128xi32, #tpu.memory_space<vmem>>) semaphore(%arg12 : memref<!tpu.dma_semaphore, #tpu.memory_space<semaphore_mem>>)
        } else {
        }
      }
      %scan3A_47 = arith.constant 8 : i32
    }
    %scan3A_8 = arith.constant 5 : i32
    %barrier3A_9 = arith.constant 0 : index
    tpu.barrier barrier_id(%barrier3A_9)
    %mul3A_10 = arith.constant 640 : i32
    %mul3A_11 = arith.muli %arg1, %mul3A_10 : i32
    %mul3A_12 = arith.constant 640 : i32
    %mul3A_13 = arith.muli %arg1, %mul3A_12 : i32
    "tpu.region"() ({
      %run_scoped3A = tpu.sem_alloc : memref<!tpu.dma_semaphore, #tpu.memory_space<semaphore_mem>>
      %dma_start3A = arith.constant 0 : i32
      %dma_start3A_14 = tpu.memref_slice %arg6[%arg0, %mul3A_13, %dma_start3A] : memref<2x10240x128xf32, #tpu.memory_space<hbm>> -> memref<1x640x128xf32, #tpu.memory_space<hbm>>
      %dma_start3A_15 = tpu.memref_squeeze %dma_start3A_14 : memref<1x640x128xf32, #tpu.memory_space<hbm>> -> memref<640x128xf32, #tpu.memory_space<hbm>>
      %dma_start3A_16 = arith.constant 0 : i32
      %dma_start3A_17 = tpu.memref_slice %arg10[%mul3A_11, %dma_start3A_16] : memref<10240x128xf32, #tpu.memory_space<vmem_shared>> -> memref<640x128xf32, #tpu.memory_space<vmem_shared>>
      tpu.enqueue_dma source(%dma_start3A_17 : memref<640x128xf32, #tpu.memory_space<vmem_shared>>) target(%dma_start3A_15 : memref<640x128xf32, #tpu.memory_space<hbm>>) target_semaphore(%run_scoped3A : memref<!tpu.dma_semaphore, #tpu.memory_space<semaphore_mem>>)
      %dma_wait3A = arith.constant 0 : i32
      %dma_wait3A_18 = tpu.memref_slice %arg6[%arg0, %mul3A_13, %dma_wait3A] : memref<2x10240x128xf32, #tpu.memory_space<hbm>> -> memref<1x640x128xf32, #tpu.memory_space<hbm>>
      %dma_wait3A_19 = tpu.memref_squeeze %dma_wait3A_18 : memref<1x640x128xf32, #tpu.memory_space<hbm>> -> memref<640x128xf32, #tpu.memory_space<hbm>>
      %dma_wait3A_20 = arith.constant 0 : i32
      %dma_wait3A_21 = tpu.memref_slice %arg10[%mul3A_11, %dma_wait3A_20] : memref<10240x128xf32, #tpu.memory_space<vmem_shared>> -> memref<640x128xf32, #tpu.memory_space<vmem_shared>>
      tpu.wait_dma2 semaphore(%run_scoped3A : memref<!tpu.dma_semaphore, #tpu.memory_space<semaphore_mem>>) src(%dma_wait3A_21 : memref<640x128xf32, #tpu.memory_space<vmem_shared>>) dst(%dma_wait3A_19 : memref<640x128xf32, #tpu.memory_space<hbm>>)
      tpu.yield
    }) : () -> ()
    return
  }
}

#map = affine_map<(d0, d1) -> (0, 0)>
#map1 = affine_map<(d0, d1) -> (0, 0, 0)>
module attributes {stable_mosaic.version = 14 : i64} {
  func.func @wrapped(%arg0: i32, %arg1: i32, %arg2: memref<10000x128xf32, #tpu.memory_space<hbm>>, %arg3: memref<32x80x128xi32, #tpu.memory_space<hbm>>, %arg4: memref<32x80x128xi32, #tpu.memory_space<hbm>>, %arg5: memref<640x128xf32, #tpu.memory_space<hbm>>, %arg6: memref<2x10240x128xf32, #tpu.memory_space<hbm>>, %arg7: memref<16x128xi32, #tpu.memory_space<vmem>>, %arg8: memref<16x128xi32, #tpu.memory_space<vmem>>, %arg9: memref<2x128x128xf32, #tpu.memory_space<vmem>>, %arg10: memref<10240x128xf32, #tpu.memory_space<vmem_shared>>, %arg11: memref<!tpu.dma_semaphore, #tpu.memory_space<semaphore_mem>>, %arg12: memref<!tpu.dma_semaphore, #tpu.memory_space<semaphore_mem>>) attributes {dimension_semantics = [#tpu.dimension_semantics<core_parallel>, #tpu.dimension_semantics<subcore_parallel>], iteration_bounds = array<i64: 2, 16>, scalar_prefetch = 0 : i64, scratch_operands = 6 : i64, tpu.core_type = #tpu.core_type<sc_vector_subcore>, window_params = [{transform_indices = #map}, {transform_indices = #map1}, {transform_indices = #map1}, {transform_indices = #map}, {transform_indices = #map1}]} {
    %mul3A = arith.constant 2 : i32
    %mul3A_0 = arith.muli %arg1, %mul3A : i32
    %add3A = arith.addi %mul3A_0, %arg0 : i32
    %mul3A_1 = arith.constant 640 : i32
    %mul3A_2 = arith.muli %arg1, %mul3A_1 : i32
    "tpu.region"() ({
      %run_scoped3A = tpu.sem_alloc : memref<!tpu.dma_semaphore, #tpu.memory_space<semaphore_mem>>
      %dma_start3A = arith.constant 0 : i32
      %dma_start3A_14 = tpu.memref_slice %arg10[%mul3A_2, %dma_start3A] : memref<10240x128xf32, #tpu.memory_space<vmem_shared>> -> memref<640x128xf32, #tpu.memory_space<vmem_shared>>
      tpu.enqueue_dma source(%arg5 : memref<640x128xf32, #tpu.memory_space<hbm>>) target(%dma_start3A_14 : memref<640x128xf32, #tpu.memory_space<vmem_shared>>) target_semaphore(%run_scoped3A : memref<!tpu.dma_semaphore, #tpu.memory_space<semaphore_mem>>)
      %dma_wait3A = arith.constant 0 : i32
      %dma_wait3A_15 = tpu.memref_slice %arg10[%mul3A_2, %dma_wait3A] : memref<10240x128xf32, #tpu.memory_space<vmem_shared>> -> memref<640x128xf32, #tpu.memory_space<vmem_shared>>
      tpu.wait_dma2 semaphore(%run_scoped3A : memref<!tpu.dma_semaphore, #tpu.memory_space<semaphore_mem>>) src(%arg5 : memref<640x128xf32, #tpu.memory_space<hbm>>) dst(%dma_wait3A_15 : memref<640x128xf32, #tpu.memory_space<vmem_shared>>)
      tpu.yield
    }) : () -> ()
    %barrier3A = arith.constant 0 : index
    tpu.barrier barrier_id(%barrier3A)
    %broadcast_in_dim3A = arith.constant 1.000000e+00 : f32
    %broadcast_in_dim3A_3 = vector.broadcast %broadcast_in_dim3A : f32 to vector<16xf32>
    %scan3A = arith.constant 0 : i32
    %scan3A_4 = arith.constant 0 : i32
    %scan3A_5 = arith.constant 5 : i32
    %scan3A_6 = arith.addi %scan3A_4, %scan3A_5 : i32
    %scan3A_7 = arith.constant 1 : i32
    scf.for %scan3A_14 = %scan3A_4 to %scan3A_6 step %scan3A_7  : i32 {
      %mul3A_15 = arith.constant 16 : i32
      %mul3A_16 = arith.muli %scan3A_14, %mul3A_15 : i32
      "tpu.region"() ({
        %run_scoped3A = tpu.sem_alloc : memref<!tpu.dma_semaphore, #tpu.memory_space<semaphore_mem>>
        %dma_start3A_48 = arith.constant 0 : i32
        %dma_start3A_49 = tpu.memref_slice %arg3[%add3A, %mul3A_16, %dma_start3A_48] : memref<32x80x128xi32, #tpu.memory_space<hbm>> -> memref<1x16x128xi32, #tpu.memory_space<hbm>>
        %dma_start3A_50 = tpu.memref_squeeze %dma_start3A_49 : memref<1x16x128xi32, #tpu.memory_space<hbm>> -> memref<16x128xi32, #tpu.memory_space<hbm>>
        %dma_start3A_51 = arith.constant 0 : i32
        %dma_start3A_52 = tpu.memref_slice %arg3[%add3A, %mul3A_16, %dma_start3A_51] : memref<32x80x128xi32, #tpu.memory_space<hbm>> -> memref<1x16x128xi32, #tpu.memory_space<hbm>>
        %dma_start3A_53 = tpu.memref_squeeze %dma_start3A_52 : memref<1x16x128xi32, #tpu.memory_space<hbm>> -> memref<16x128xi32, #tpu.memory_space<hbm>>
        tpu.enqueue_dma source(%dma_start3A_53 : memref<16x128xi32, #tpu.memory_space<hbm>>) target(%arg7 : memref<16x128xi32, #tpu.memory_space<vmem>>) target_semaphore(%run_scoped3A : memref<!tpu.dma_semaphore, #tpu.memory_space<semaphore_mem>>)
        %dma_wait3A = arith.constant 0 : i32
        %dma_wait3A_54 = tpu.memref_slice %arg3[%add3A, %mul3A_16, %dma_wait3A] : memref<32x80x128xi32, #tpu.memory_space<hbm>> -> memref<1x16x128xi32, #tpu.memory_space<hbm>>
        %dma_wait3A_55 = tpu.memref_squeeze %dma_wait3A_54 : memref<1x16x128xi32, #tpu.memory_space<hbm>> -> memref<16x128xi32, #tpu.memory_space<hbm>>
        %dma_wait3A_56 = arith.constant 0 : i32
        %dma_wait3A_57 = tpu.memref_slice %arg3[%add3A, %mul3A_16, %dma_wait3A_56] : memref<32x80x128xi32, #tpu.memory_space<hbm>> -> memref<1x16x128xi32, #tpu.memory_space<hbm>>
        %dma_wait3A_58 = tpu.memref_squeeze %dma_wait3A_57 : memref<1x16x128xi32, #tpu.memory_space<hbm>> -> memref<16x128xi32, #tpu.memory_space<hbm>>
        tpu.wait_dma2 semaphore(%run_scoped3A : memref<!tpu.dma_semaphore, #tpu.memory_space<semaphore_mem>>) src(%dma_wait3A_58 : memref<16x128xi32, #tpu.memory_space<hbm>>) dst(%arg7 : memref<16x128xi32, #tpu.memory_space<vmem>>)
        tpu.yield
      }) : () -> ()
      %mul3A_17 = arith.constant 16 : i32
      %mul3A_18 = arith.muli %scan3A_14, %mul3A_17 : i32
      "tpu.region"() ({
        %run_scoped3A = tpu.sem_alloc : memref<!tpu.dma_semaphore, #tpu.memory_space<semaphore_mem>>
        %dma_start3A_48 = arith.constant 0 : i32
        %dma_start3A_49 = tpu.memref_slice %arg4[%add3A, %mul3A_18, %dma_start3A_48] : memref<32x80x128xi32, #tpu.memory_space<hbm>> -> memref<1x16x128xi32, #tpu.memory_space<hbm>>
        %dma_start3A_50 = tpu.memref_squeeze %dma_start3A_49 : memref<1x16x128xi32, #tpu.memory_space<hbm>> -> memref<16x128xi32, #tpu.memory_space<hbm>>
        %dma_start3A_51 = arith.constant 0 : i32
        %dma_start3A_52 = tpu.memref_slice %arg4[%add3A, %mul3A_18, %dma_start3A_51] : memref<32x80x128xi32, #tpu.memory_space<hbm>> -> memref<1x16x128xi32, #tpu.memory_space<hbm>>
        %dma_start3A_53 = tpu.memref_squeeze %dma_start3A_52 : memref<1x16x128xi32, #tpu.memory_space<hbm>> -> memref<16x128xi32, #tpu.memory_space<hbm>>
        tpu.enqueue_dma source(%dma_start3A_53 : memref<16x128xi32, #tpu.memory_space<hbm>>) target(%arg8 : memref<16x128xi32, #tpu.memory_space<vmem>>) target_semaphore(%run_scoped3A : memref<!tpu.dma_semaphore, #tpu.memory_space<semaphore_mem>>)
        %dma_wait3A = arith.constant 0 : i32
        %dma_wait3A_54 = tpu.memref_slice %arg4[%add3A, %mul3A_18, %dma_wait3A] : memref<32x80x128xi32, #tpu.memory_space<hbm>> -> memref<1x16x128xi32, #tpu.memory_space<hbm>>
        %dma_wait3A_55 = tpu.memref_squeeze %dma_wait3A_54 : memref<1x16x128xi32, #tpu.memory_space<hbm>> -> memref<16x128xi32, #tpu.memory_space<hbm>>
        %dma_wait3A_56 = arith.constant 0 : i32
        %dma_wait3A_57 = tpu.memref_slice %arg4[%add3A, %mul3A_18, %dma_wait3A_56] : memref<32x80x128xi32, #tpu.memory_space<hbm>> -> memref<1x16x128xi32, #tpu.memory_space<hbm>>
        %dma_wait3A_58 = tpu.memref_squeeze %dma_wait3A_57 : memref<1x16x128xi32, #tpu.memory_space<hbm>> -> memref<16x128xi32, #tpu.memory_space<hbm>>
        tpu.wait_dma2 semaphore(%run_scoped3A : memref<!tpu.dma_semaphore, #tpu.memory_space<semaphore_mem>>) src(%dma_wait3A_58 : memref<16x128xi32, #tpu.memory_space<hbm>>) dst(%arg8 : memref<16x128xi32, #tpu.memory_space<vmem>>)
        tpu.yield
      }) : () -> ()
      %dma_start3A = arith.constant 0 : i32
      %dma_start3A_19 = arith.constant 0 : i32
      %dma_start3A_20 = arith.constant 0 : i32
      %dma_start3A_21 = arith.constant 0 : i32
      %dma_start3A_22 = tpu.memref_slice %arg9[%dma_start3A_19, %dma_start3A_20, %dma_start3A_21] : memref<2x128x128xf32, #tpu.memory_space<vmem>> -> memref<1x128x128xf32, #tpu.memory_space<vmem>>
      %dma_start3A_23 = tpu.memref_squeeze %dma_start3A_22 : memref<1x128x128xf32, #tpu.memory_space<vmem>> -> memref<128x128xf32, #tpu.memory_space<vmem>>
      %dma_start3A_24 = arith.constant 0 : i32
      %dma_start3A_25 = tpu.memref_slice %arg7[%dma_start3A, %dma_start3A_24] : memref<16x128xi32, #tpu.memory_space<vmem>> -> memref<1x128xi32, #tpu.memory_space<vmem>>
      %dma_start3A_26 = tpu.memref_squeeze %dma_start3A_25 : memref<1x128xi32, #tpu.memory_space<vmem>> -> memref<128xi32, #tpu.memory_space<vmem>>
      %dma_start3A_27 = arith.constant 0 : i32
      %dma_start3A_28 = arith.constant 0 : i32
      %dma_start3A_29 = tpu.memref_slice %arg2[%dma_start3A_27, %dma_start3A_28] : memref<10000x128xf32, #tpu.memory_space<hbm>> -> memref<10000x128xf32, #tpu.memory_space<hbm>>
      tpu.enqueue_indirect_dma source(%dma_start3A_29 : memref<10000x128xf32, #tpu.memory_space<hbm>>) target(%dma_start3A_23 : memref<128x128xf32, #tpu.memory_space<vmem>>) offsets(%dma_start3A_26 : memref<128xi32, #tpu.memory_space<vmem>>) semaphore(%arg11 : memref<!tpu.dma_semaphore, #tpu.memory_space<semaphore_mem>>)
      %dma_start3A_30 = arith.constant 1 : i32
      %dma_start3A_31 = arith.constant 1 : i32
      %dma_start3A_32 = arith.constant 0 : i32
      %dma_start3A_33 = arith.constant 0 : i32
      %dma_start3A_34 = tpu.memref_slice %arg9[%dma_start3A_31, %dma_start3A_32, %dma_start3A_33] : memref<2x128x128xf32, #tpu.memory_space<vmem>> -> memref<1x128x128xf32, #tpu.memory_space<vmem>>
      %dma_start3A_35 = tpu.memref_squeeze %dma_start3A_34 : memref<1x128x128xf32, #tpu.memory_space<vmem>> -> memref<128x128xf32, #tpu.memory_space<vmem>>
      %dma_start3A_36 = arith.constant 0 : i32
      %dma_start3A_37 = tpu.memref_slice %arg7[%dma_start3A_30, %dma_start3A_36] : memref<16x128xi32, #tpu.memory_space<vmem>> -> memref<1x128xi32, #tpu.memory_space<vmem>>
      %dma_start3A_38 = tpu.memref_squeeze %dma_start3A_37 : memref<1x128xi32, #tpu.memory_space<vmem>> -> memref<128xi32, #tpu.memory_space<vmem>>
      %dma_start3A_39 = arith.constant 0 : i32
      %dma_start3A_40 = arith.constant 0 : i32
      %dma_start3A_41 = tpu.memref_slice %arg2[%dma_start3A_39, %dma_start3A_40] : memref<10000x128xf32, #tpu.memory_space<hbm>> -> memref<10000x128xf32, #tpu.memory_space<hbm>>
      tpu.enqueue_indirect_dma source(%dma_start3A_41 : memref<10000x128xf32, #tpu.memory_space<hbm>>) target(%dma_start3A_35 : memref<128x128xf32, #tpu.memory_space<vmem>>) offsets(%dma_start3A_38 : memref<128xi32, #tpu.memory_space<vmem>>) semaphore(%arg12 : memref<!tpu.dma_semaphore, #tpu.memory_space<semaphore_mem>>)
      %scan3A_42 = arith.constant 0 : i32
      %scan3A_43 = arith.constant 0 : i32
      %scan3A_44 = arith.constant 8 : i32
      %scan3A_45 = arith.addi %scan3A_43, %scan3A_44 : i32
      %scan3A_46 = arith.constant 1 : i32
      scf.for %scan3A_48 = %scan3A_43 to %scan3A_45 step %scan3A_46  : i32 {
        %mul3A_49 = arith.constant 2 : i32
        %mul3A_50 = arith.muli %scan3A_48, %mul3A_49 : i32
        %add3A_51 = arith.constant 0 : i32
        %add3A_52 = arith.addi %mul3A_50, %add3A_51 : i32
        %dma_wait3A = arith.constant 0 : i32
        %dma_wait3A_53 = arith.constant 0 : i32
        %dma_wait3A_54 = arith.constant 0 : i32
        %dma_wait3A_55 = arith.constant 0 : i32
        %dma_wait3A_56 = tpu.memref_slice %arg9[%dma_wait3A_53, %dma_wait3A_54, %dma_wait3A_55] : memref<2x128x128xf32, #tpu.memory_space<vmem>> -> memref<1x128x128xf32, #tpu.memory_space<vmem>>
        %dma_wait3A_57 = tpu.memref_squeeze %dma_wait3A_56 : memref<1x128x128xf32, #tpu.memory_space<vmem>> -> memref<128x128xf32, #tpu.memory_space<vmem>>
        %dma_wait3A_58 = arith.constant 0 : i32
        %dma_wait3A_59 = tpu.memref_slice %arg7[%dma_wait3A, %dma_wait3A_58] : memref<16x128xi32, #tpu.memory_space<vmem>> -> memref<1x128xi32, #tpu.memory_space<vmem>>
        %dma_wait3A_60 = tpu.memref_squeeze %dma_wait3A_59 : memref<1x128xi32, #tpu.memory_space<vmem>> -> memref<128xi32, #tpu.memory_space<vmem>>
        %dma_wait3A_61 = arith.constant 0 : i32
        %dma_wait3A_62 = arith.constant 0 : i32
        %dma_wait3A_63 = tpu.memref_slice %arg2[%dma_wait3A_61, %dma_wait3A_62] : memref<10000x128xf32, #tpu.memory_space<hbm>> -> memref<10000x128xf32, #tpu.memory_space<hbm>>
        tpu.wait_indirect_dma semaphore(%arg11 : memref<!tpu.dma_semaphore, #tpu.memory_space<semaphore_mem>>) src(%dma_wait3A_63 : memref<10000x128xf32, #tpu.memory_space<hbm>>) dst(%dma_wait3A_57 : memref<128x128xf32, #tpu.memory_space<vmem>>)
        %run_scoped3A = arith.constant 0 : i32
        "tpu.region"() ({
          %run_scoped3A_92 = tpu.sem_alloc : memref<!tpu.dma_semaphore, #tpu.memory_space<semaphore_mem>>
          %dma_start3A_93 = arith.constant 0 : i32
          %dma_start3A_94 = arith.constant 0 : i32
          %dma_start3A_95 = tpu.memref_slice %arg9[%run_scoped3A, %dma_start3A_93, %dma_start3A_94] : memref<2x128x128xf32, #tpu.memory_space<vmem>> -> memref<1x128x128xf32, #tpu.memory_space<vmem>>
          %dma_start3A_96 = tpu.memref_squeeze %dma_start3A_95 : memref<1x128x128xf32, #tpu.memory_space<vmem>> -> memref<128x128xf32, #tpu.memory_space<vmem>>
          %dma_start3A_97 = arith.constant 0 : i32
          %dma_start3A_98 = tpu.memref_slice %arg8[%add3A_52, %dma_start3A_97] : memref<16x128xi32, #tpu.memory_space<vmem>> -> memref<1x128xi32, #tpu.memory_space<vmem>>
          %dma_start3A_99 = tpu.memref_squeeze %dma_start3A_98 : memref<1x128xi32, #tpu.memory_space<vmem>> -> memref<128xi32, #tpu.memory_space<vmem>>
          %dma_start3A_100 = arith.constant 0 : i32
          %dma_start3A_101 = arith.constant 0 : i32
          %dma_start3A_102 = tpu.memref_slice %arg10[%dma_start3A_100, %dma_start3A_101] : memref<10240x128xf32, #tpu.memory_space<vmem_shared>> -> memref<10240x128xf32, #tpu.memory_space<vmem_shared>>
          tpu.enqueue_indirect_dma source(%dma_start3A_96 : memref<128x128xf32, #tpu.memory_space<vmem>>) target(%dma_start3A_102 : memref<10240x128xf32, #tpu.memory_space<vmem_shared>>) offsets(%dma_start3A_99 : memref<128xi32, #tpu.memory_space<vmem>>) semaphore(%run_scoped3A_92 : memref<!tpu.dma_semaphore, #tpu.memory_space<semaphore_mem>>) {add = true}
          %dma_wait3A_103 = arith.constant 0 : i32
          %dma_wait3A_104 = arith.constant 0 : i32
          %dma_wait3A_105 = tpu.memref_slice %arg9[%run_scoped3A, %dma_wait3A_103, %dma_wait3A_104] : memref<2x128x128xf32, #tpu.memory_space<vmem>> -> memref<1x128x128xf32, #tpu.memory_space<vmem>>
          %dma_wait3A_106 = tpu.memref_squeeze %dma_wait3A_105 : memref<1x128x128xf32, #tpu.memory_space<vmem>> -> memref<128x128xf32, #tpu.memory_space<vmem>>
          %dma_wait3A_107 = arith.constant 0 : i32
          %dma_wait3A_108 = tpu.memref_slice %arg8[%add3A_52, %dma_wait3A_107] : memref<16x128xi32, #tpu.memory_space<vmem>> -> memref<1x128xi32, #tpu.memory_space<vmem>>
          %dma_wait3A_109 = tpu.memref_squeeze %dma_wait3A_108 : memref<1x128xi32, #tpu.memory_space<vmem>> -> memref<128xi32, #tpu.memory_space<vmem>>
          %dma_wait3A_110 = arith.constant 0 : i32
          %dma_wait3A_111 = arith.constant 0 : i32
          %dma_wait3A_112 = tpu.memref_slice %arg10[%dma_wait3A_110, %dma_wait3A_111] : memref<10240x128xf32, #tpu.memory_space<vmem_shared>> -> memref<10240x128xf32, #tpu.memory_space<vmem_shared>>
          tpu.wait_indirect_dma semaphore(%run_scoped3A_92 : memref<!tpu.dma_semaphore, #tpu.memory_space<semaphore_mem>>) src(%dma_wait3A_106 : memref<128x128xf32, #tpu.memory_space<vmem>>) dst(%dma_wait3A_112 : memref<10240x128xf32, #tpu.memory_space<vmem_shared>>)
          tpu.yield
        }) : () -> ()
        %add3A_64 = arith.constant 2 : i32
        %add3A_65 = arith.addi %add3A_52, %add3A_64 : i32
        %lt3A = arith.constant 16 : i32
        %lt3A_66 = arith.cmpi slt, %add3A_65, %lt3A : i32
        %convert_element_type3A = arith.extui %lt3A_66 : i1 to i32
        %cond3A = arith.constant 0 : i32
        %cond3A_67 = arith.cmpi ne, %convert_element_type3A, %cond3A : i32
        scf.if %cond3A_67 {
          %add3A_92 = arith.constant 2 : i32
          %add3A_93 = arith.addi %add3A_52, %add3A_92 : i32
          %dma_start3A_94 = arith.constant 0 : i32
          %dma_start3A_95 = arith.constant 0 : i32
          %dma_start3A_96 = arith.constant 0 : i32
          %dma_start3A_97 = tpu.memref_slice %arg9[%dma_start3A_94, %dma_start3A_95, %dma_start3A_96] : memref<2x128x128xf32, #tpu.memory_space<vmem>> -> memref<1x128x128xf32, #tpu.memory_space<vmem>>
          %dma_start3A_98 = tpu.memref_squeeze %dma_start3A_97 : memref<1x128x128xf32, #tpu.memory_space<vmem>> -> memref<128x128xf32, #tpu.memory_space<vmem>>
          %dma_start3A_99 = arith.constant 0 : i32
          %dma_start3A_100 = tpu.memref_slice %arg7[%add3A_93, %dma_start3A_99] : memref<16x128xi32, #tpu.memory_space<vmem>> -> memref<1x128xi32, #tpu.memory_space<vmem>>
          %dma_start3A_101 = tpu.memref_squeeze %dma_start3A_100 : memref<1x128xi32, #tpu.memory_space<vmem>> -> memref<128xi32, #tpu.memory_space<vmem>>
          %dma_start3A_102 = arith.constant 0 : i32
          %dma_start3A_103 = arith.constant 0 : i32
          %dma_start3A_104 = tpu.memref_slice %arg2[%dma_start3A_102, %dma_start3A_103] : memref<10000x128xf32, #tpu.memory_space<hbm>> -> memref<10000x128xf32, #tpu.memory_space<hbm>>
          tpu.enqueue_indirect_dma source(%dma_start3A_104 : memref<10000x128xf32, #tpu.memory_space<hbm>>) target(%dma_start3A_98 : memref<128x128xf32, #tpu.memory_space<vmem>>) offsets(%dma_start3A_101 : memref<128xi32, #tpu.memory_space<vmem>>) semaphore(%arg11 : memref<!tpu.dma_semaphore, #tpu.memory_space<semaphore_mem>>)
        } else {
        }
        %mul3A_68 = arith.constant 2 : i32
        %mul3A_69 = arith.muli %scan3A_48, %mul3A_68 : i32
        %add3A_70 = arith.constant 1 : i32
        %add3A_71 = arith.addi %mul3A_69, %add3A_70 : i32
        %dma_wait3A_72 = arith.constant 0 : i32
        %dma_wait3A_73 = arith.constant 1 : i32
        %dma_wait3A_74 = arith.constant 0 : i32
        %dma_wait3A_75 = arith.constant 0 : i32
        %dma_wait3A_76 = tpu.memref_slice %arg9[%dma_wait3A_73, %dma_wait3A_74, %dma_wait3A_75] : memref<2x128x128xf32, #tpu.memory_space<vmem>> -> memref<1x128x128xf32, #tpu.memory_space<vmem>>
        %dma_wait3A_77 = tpu.memref_squeeze %dma_wait3A_76 : memref<1x128x128xf32, #tpu.memory_space<vmem>> -> memref<128x128xf32, #tpu.memory_space<vmem>>
        %dma_wait3A_78 = arith.constant 0 : i32
        %dma_wait3A_79 = tpu.memref_slice %arg7[%dma_wait3A_72, %dma_wait3A_78] : memref<16x128xi32, #tpu.memory_space<vmem>> -> memref<1x128xi32, #tpu.memory_space<vmem>>
        %dma_wait3A_80 = tpu.memref_squeeze %dma_wait3A_79 : memref<1x128xi32, #tpu.memory_space<vmem>> -> memref<128xi32, #tpu.memory_space<vmem>>
        %dma_wait3A_81 = arith.constant 0 : i32
        %dma_wait3A_82 = arith.constant 0 : i32
        %dma_wait3A_83 = tpu.memref_slice %arg2[%dma_wait3A_81, %dma_wait3A_82] : memref<10000x128xf32, #tpu.memory_space<hbm>> -> memref<10000x128xf32, #tpu.memory_space<hbm>>
        tpu.wait_indirect_dma semaphore(%arg12 : memref<!tpu.dma_semaphore, #tpu.memory_space<semaphore_mem>>) src(%dma_wait3A_83 : memref<10000x128xf32, #tpu.memory_space<hbm>>) dst(%dma_wait3A_77 : memref<128x128xf32, #tpu.memory_space<vmem>>)
        %run_scoped3A_84 = arith.constant 1 : i32
        "tpu.region"() ({
          %run_scoped3A_92 = tpu.sem_alloc : memref<!tpu.dma_semaphore, #tpu.memory_space<semaphore_mem>>
          %dma_start3A_93 = arith.constant 0 : i32
          %dma_start3A_94 = arith.constant 0 : i32
          %dma_start3A_95 = tpu.memref_slice %arg9[%run_scoped3A_84, %dma_start3A_93, %dma_start3A_94] : memref<2x128x128xf32, #tpu.memory_space<vmem>> -> memref<1x128x128xf32, #tpu.memory_space<vmem>>
          %dma_start3A_96 = tpu.memref_squeeze %dma_start3A_95 : memref<1x128x128xf32, #tpu.memory_space<vmem>> -> memref<128x128xf32, #tpu.memory_space<vmem>>
          %dma_start3A_97 = arith.constant 0 : i32
          %dma_start3A_98 = tpu.memref_slice %arg8[%add3A_71, %dma_start3A_97] : memref<16x128xi32, #tpu.memory_space<vmem>> -> memref<1x128xi32, #tpu.memory_space<vmem>>
          %dma_start3A_99 = tpu.memref_squeeze %dma_start3A_98 : memref<1x128xi32, #tpu.memory_space<vmem>> -> memref<128xi32, #tpu.memory_space<vmem>>
          %dma_start3A_100 = arith.constant 0 : i32
          %dma_start3A_101 = arith.constant 0 : i32
          %dma_start3A_102 = tpu.memref_slice %arg10[%dma_start3A_100, %dma_start3A_101] : memref<10240x128xf32, #tpu.memory_space<vmem_shared>> -> memref<10240x128xf32, #tpu.memory_space<vmem_shared>>
          tpu.enqueue_indirect_dma source(%dma_start3A_96 : memref<128x128xf32, #tpu.memory_space<vmem>>) target(%dma_start3A_102 : memref<10240x128xf32, #tpu.memory_space<vmem_shared>>) offsets(%dma_start3A_99 : memref<128xi32, #tpu.memory_space<vmem>>) semaphore(%run_scoped3A_92 : memref<!tpu.dma_semaphore, #tpu.memory_space<semaphore_mem>>) {add = true}
          %dma_wait3A_103 = arith.constant 0 : i32
          %dma_wait3A_104 = arith.constant 0 : i32
          %dma_wait3A_105 = tpu.memref_slice %arg9[%run_scoped3A_84, %dma_wait3A_103, %dma_wait3A_104] : memref<2x128x128xf32, #tpu.memory_space<vmem>> -> memref<1x128x128xf32, #tpu.memory_space<vmem>>
          %dma_wait3A_106 = tpu.memref_squeeze %dma_wait3A_105 : memref<1x128x128xf32, #tpu.memory_space<vmem>> -> memref<128x128xf32, #tpu.memory_space<vmem>>
          %dma_wait3A_107 = arith.constant 0 : i32
          %dma_wait3A_108 = tpu.memref_slice %arg8[%add3A_71, %dma_wait3A_107] : memref<16x128xi32, #tpu.memory_space<vmem>> -> memref<1x128xi32, #tpu.memory_space<vmem>>
          %dma_wait3A_109 = tpu.memref_squeeze %dma_wait3A_108 : memref<1x128xi32, #tpu.memory_space<vmem>> -> memref<128xi32, #tpu.memory_space<vmem>>
          %dma_wait3A_110 = arith.constant 0 : i32
          %dma_wait3A_111 = arith.constant 0 : i32
          %dma_wait3A_112 = tpu.memref_slice %arg10[%dma_wait3A_110, %dma_wait3A_111] : memref<10240x128xf32, #tpu.memory_space<vmem_shared>> -> memref<10240x128xf32, #tpu.memory_space<vmem_shared>>
          tpu.wait_indirect_dma semaphore(%run_scoped3A_92 : memref<!tpu.dma_semaphore, #tpu.memory_space<semaphore_mem>>) src(%dma_wait3A_106 : memref<128x128xf32, #tpu.memory_space<vmem>>) dst(%dma_wait3A_112 : memref<10240x128xf32, #tpu.memory_space<vmem_shared>>)
          tpu.yield
        }) : () -> ()
        %add3A_85 = arith.constant 2 : i32
        %add3A_86 = arith.addi %add3A_71, %add3A_85 : i32
        %lt3A_87 = arith.constant 16 : i32
        %lt3A_88 = arith.cmpi slt, %add3A_86, %lt3A_87 : i32
        %convert_element_type3A_89 = arith.extui %lt3A_88 : i1 to i32
        %cond3A_90 = arith.constant 0 : i32
        %cond3A_91 = arith.cmpi ne, %convert_element_type3A_89, %cond3A_90 : i32
        scf.if %cond3A_91 {
          %add3A_92 = arith.constant 2 : i32
          %add3A_93 = arith.addi %add3A_71, %add3A_92 : i32
          %dma_start3A_94 = arith.constant 1 : i32
          %dma_start3A_95 = arith.constant 0 : i32
          %dma_start3A_96 = arith.constant 0 : i32
          %dma_start3A_97 = tpu.memref_slice %arg9[%dma_start3A_94, %dma_start3A_95, %dma_start3A_96] : memref<2x128x128xf32, #tpu.memory_space<vmem>> -> memref<1x128x128xf32, #tpu.memory_space<vmem>>
          %dma_start3A_98 = tpu.memref_squeeze %dma_start3A_97 : memref<1x128x128xf32, #tpu.memory_space<vmem>> -> memref<128x128xf32, #tpu.memory_space<vmem>>
          %dma_start3A_99 = arith.constant 0 : i32
          %dma_start3A_100 = tpu.memref_slice %arg7[%add3A_93, %dma_start3A_99] : memref<16x128xi32, #tpu.memory_space<vmem>> -> memref<1x128xi32, #tpu.memory_space<vmem>>
          %dma_start3A_101 = tpu.memref_squeeze %dma_start3A_100 : memref<1x128xi32, #tpu.memory_space<vmem>> -> memref<128xi32, #tpu.memory_space<vmem>>
          %dma_start3A_102 = arith.constant 0 : i32
          %dma_start3A_103 = arith.constant 0 : i32
          %dma_start3A_104 = tpu.memref_slice %arg2[%dma_start3A_102, %dma_start3A_103] : memref<10000x128xf32, #tpu.memory_space<hbm>> -> memref<10000x128xf32, #tpu.memory_space<hbm>>
          tpu.enqueue_indirect_dma source(%dma_start3A_104 : memref<10000x128xf32, #tpu.memory_space<hbm>>) target(%dma_start3A_98 : memref<128x128xf32, #tpu.memory_space<vmem>>) offsets(%dma_start3A_101 : memref<128xi32, #tpu.memory_space<vmem>>) semaphore(%arg12 : memref<!tpu.dma_semaphore, #tpu.memory_space<semaphore_mem>>)
        } else {
        }
      }
      %scan3A_47 = arith.constant 8 : i32
    }
    %scan3A_8 = arith.constant 5 : i32
    %barrier3A_9 = arith.constant 0 : index
    tpu.barrier barrier_id(%barrier3A_9)
    %mul3A_10 = arith.constant 640 : i32
    %mul3A_11 = arith.muli %arg1, %mul3A_10 : i32
    %mul3A_12 = arith.constant 640 : i32
    %mul3A_13 = arith.muli %arg1, %mul3A_12 : i32
    "tpu.region"() ({
      %run_scoped3A = tpu.sem_alloc : memref<!tpu.dma_semaphore, #tpu.memory_space<semaphore_mem>>
      %dma_start3A = arith.constant 0 : i32
      %dma_start3A_14 = tpu.memref_slice %arg6[%arg0, %mul3A_13, %dma_start3A] : memref<2x10240x128xf32, #tpu.memory_space<hbm>> -> memref<1x640x128xf32, #tpu.memory_space<hbm>>
      %dma_start3A_15 = tpu.memref_squeeze %dma_start3A_14 : memref<1x640x128xf32, #tpu.memory_space<hbm>> -> memref<640x128xf32, #tpu.memory_space<hbm>>
      %dma_start3A_16 = arith.constant 0 : i32
      %dma_start3A_17 = tpu.memref_slice %arg10[%mul3A_11, %dma_start3A_16] : memref<10240x128xf32, #tpu.memory_space<vmem_shared>> -> memref<640x128xf32, #tpu.memory_space<vmem_shared>>
      tpu.enqueue_dma source(%dma_start3A_17 : memref<640x128xf32, #tpu.memory_space<vmem_shared>>) target(%dma_start3A_15 : memref<640x128xf32, #tpu.memory_space<hbm>>) target_semaphore(%run_scoped3A : memref<!tpu.dma_semaphore, #tpu.memory_space<semaphore_mem>>)
      %dma_wait3A = arith.constant 0 : i32
      %dma_wait3A_18 = tpu.memref_slice %arg6[%arg0, %mul3A_13, %dma_wait3A] : memref<2x10240x128xf32, #tpu.memory_space<hbm>> -> memref<1x640x128xf32, #tpu.memory_space<hbm>>
      %dma_wait3A_19 = tpu.memref_squeeze %dma_wait3A_18 : memref<1x640x128xf32, #tpu.memory_space<hbm>> -> memref<640x128xf32, #tpu.memory_space<hbm>>
      %dma_wait3A_20 = arith.constant 0 : i32
      %dma_wait3A_21 = tpu.memref_slice %arg10[%mul3A_11, %dma_wait3A_20] : memref<10240x128xf32, #tpu.memory_space<vmem_shared>> -> memref<640x128xf32, #tpu.memory_space<vmem_shared>>
      tpu.wait_dma2 semaphore(%run_scoped3A : memref<!tpu.dma_semaphore, #tpu.memory_space<semaphore_mem>>) src(%dma_wait3A_21 : memref<640x128xf32, #tpu.memory_space<vmem_shared>>) dst(%dma_wait3A_19 : memref<640x128xf32, #tpu.memory_space<hbm>>)
      tpu.yield
    }) : () -> ()
    return
  }
}

module attributes {stable_mosaic.version = 14 : i64} {
  func.func @_tc_in_body(%arg0: i32, %arg1: memref<1000x128xf32, #tpu.memory_space<vmem>>, %arg2: memref<128x128xf32, #tpu.memory_space<vmem>>, %arg3: memref<128x128xf32, #tpu.memory_space<vmem>>, %arg4: memref<1000x128xf32, #tpu.memory_space<vmem>>, %arg5: memref<1000x128xf32, #tpu.memory_space<vmem>>) attributes {dimension_semantics = [#tpu.dimension_semantics<arbitrary>], iteration_bounds = array<i64: 10>, scalar_prefetch = 0 : i64, scratch_operands = 0 : i64, tpu.core_type = #tpu.core_type<tc>, window_params = [{transform_indices = @transform_0, window_bounds = array<i64: 1000, 128>}, {pipeline_mode = #tpu.pipeline_mode<synchronous>, transform_indices = @transform_1, window_bounds = array<i64: 128, 128>}, {pipeline_mode = #tpu.pipeline_mode<synchronous>, transform_indices = @transform_2, window_bounds = array<i64: 128, 128>}, {transform_indices = @transform_3, window_bounds = array<i64: 1000, 128>}, {transform_indices = @transform_4, window_bounds = array<i64: 1000, 128>}]} {
    %get3A = arith.constant 0 : index
    %get3A_0 = arith.constant 0 : index
    %get3A_1 = vector.load %arg1[%get3A, %get3A_0] : memref<1000x128xf32, #tpu.memory_space<vmem>>, vector<1000x128xf32>
    %get3A_2 = arith.constant 0 : index
    %get3A_3 = arith.constant 0 : index
    %get3A_4 = vector.load %arg2[%get3A_2, %get3A_3] : memref<128x128xf32, #tpu.memory_space<vmem>>, vector<128x128xf32>
    %dot_general3A = arith.constant dense<0.000000e+00> : vector<1000x128xf32>
    %dot_general3A_5 = tpu.matmul %get3A_1, %get3A_4, %dot_general3A {dimension_numbers = #tpu.dot_dimension_numbers<[1], [0], [0], [1], [0, 0, 1, 1], [], []>, transpose_lhs_hint = false} : vector<1000x128xf32>, vector<128x128xf32>, vector<1000x128xf32> -> vector<1000x128xf32>
    %swap3A = arith.constant 0 : index
    %swap3A_6 = arith.constant 0 : index
    %swap3A_7 = vector.load %arg4[%swap3A, %swap3A_6] : memref<1000x128xf32, #tpu.memory_space<vmem>>, vector<1000x128xf32>
    tpu.vector_store %arg4[%swap3A, %swap3A_6], %dot_general3A_5 {strides = array<i32>} : memref<1000x128xf32, #tpu.memory_space<vmem>>, vector<1000x128xf32>,
    %get3A_8 = arith.constant 0 : index
    %get3A_9 = arith.constant 0 : index
    %get3A_10 = vector.load %arg3[%get3A_8, %get3A_9] : memref<128x128xf32, #tpu.memory_space<vmem>>, vector<128x128xf32>
    %dot_general3A_11 = arith.constant dense<0.000000e+00> : vector<1000x128xf32>
    %dot_general3A_12 = tpu.matmul %get3A_1, %get3A_10, %dot_general3A_11 {dimension_numbers = #tpu.dot_dimension_numbers<[1], [0], [0], [1], [0, 0, 1, 1], [], []>, transpose_lhs_hint = false} : vector<1000x128xf32>, vector<128x128xf32>, vector<1000x128xf32> -> vector<1000x128xf32>
    %swap3A_13 = arith.constant 0 : index
    %swap3A_14 = arith.constant 0 : index
    %swap3A_15 = vector.load %arg5[%swap3A_13, %swap3A_14] : memref<1000x128xf32, #tpu.memory_space<vmem>>, vector<1000x128xf32>
    tpu.vector_store %arg5[%swap3A_13, %swap3A_14], %dot_general3A_12 {strides = array<i32>} : memref<1000x128xf32, #tpu.memory_space<vmem>>, vector<1000x128xf32>,
    return
  }
  func.func @transform_0(%arg0: i32) -> (i32, i32) {
    %c0_i32 = arith.constant 0 : i32
    %c0_i32_0 = arith.constant 0 : i32
    return %arg0, %c0_i32 : i32, i32
  }
  func.func @transform_1(%arg0: i32) -> (i32, i32) {
    %c0_i32 = arith.constant 0 : i32
    %c0_i32_0 = arith.constant 0 : i32
    %c0_i32_1 = arith.constant 0 : i32
    return %c0_i32, %c0_i32_0 : i32, i32
  }
  func.func @transform_2(%arg0: i32) -> (i32, i32) {
    %c0_i32 = arith.constant 0 : i32
    %c0_i32_0 = arith.constant 0 : i32
    %c0_i32_1 = arith.constant 0 : i32
    return %c0_i32, %c0_i32_0 : i32, i32
  }
  func.func @transform_3(%arg0: i32) -> (i32, i32) {
    %c0_i32 = arith.constant 0 : i32
    %c0_i32_0 = arith.constant 0 : i32
    return %arg0, %c0_i32 : i32, i32
  }
  func.func @transform_4(%arg0: i32) -> (i32, i32) {
    %c0_i32 = arith.constant 0 : i32
    %c0_i32_0 = arith.constant 0 : i32
    return %arg0, %c0_i32 : i32, i32
  }
}

module attributes {stable_mosaic.version = 14 : i64} {
  func.func @_tc_mid_body(%arg0: i32, %arg1: memref<2x1000x128xf32, #tpu.memory_space<vmem>>, %arg2: memref<1000x128xf32, #tpu.memory_space<vmem>>, %arg3: memref<1000x1xf32, #tpu.memory_space<vmem>>, %arg4: memref<1x128xf32, #tpu.memory_space<vmem>>, %arg5: memref<128x128xf32, #tpu.memory_space<vmem>>, %arg6: memref<128x128xf32, #tpu.memory_space<vmem>>, %arg7: memref<1000x128xf32, #tpu.memory_space<vmem>>, %arg8: memref<1000x128xf32, #tpu.memory_space<vmem>>) attributes {dimension_semantics = [#tpu.dimension_semantics<arbitrary>], iteration_bounds = array<i64: 10>, scalar_prefetch = 0 : i64, scratch_operands = 0 : i64, tpu.core_type = #tpu.core_type<tc>, window_params = [{transform_indices = @transform_0, window_bounds = array<i64: 2, 1000, 128>}, {transform_indices = @transform_1, window_bounds = array<i64: 1000, 128>}, {transform_indices = @transform_2, window_bounds = array<i64: 1000, 1>}, {pipeline_mode = #tpu.pipeline_mode<synchronous>, transform_indices = @transform_3, window_bounds = array<i64: 1, 128>}, {pipeline_mode = #tpu.pipeline_mode<synchronous>, transform_indices = @transform_4, window_bounds = array<i64: 128, 128>}, {pipeline_mode = #tpu.pipeline_mode<synchronous>, transform_indices = @transform_5, window_bounds = array<i64: 128, 128>}, {transform_indices = @transform_6, window_bounds = array<i64: 1000, 128>}, {transform_indices = @transform_7, window_bounds = array<i64: 1000, 128>}]} {
    %get3A = arith.constant 0 : index
    %get3A_0 = arith.constant 0 : index
    %get3A_1 = arith.constant 0 : index
    %get3A_2 = vector.load %arg1[%get3A, %get3A_0, %get3A_1] : memref<2x1000x128xf32, #tpu.memory_space<vmem>>, vector<1x1000x128xf32>
    %get3A_3 = vector.shape_cast %get3A_2 : vector<1x1000x128xf32> to vector<1000x128xf32>
    %get3A_4 = arith.constant 1 : index
    %get3A_5 = arith.constant 0 : index
    %get3A_6 = arith.constant 0 : index
    %get3A_7 = vector.load %arg1[%get3A_4, %get3A_5, %get3A_6] : memref<2x1000x128xf32, #tpu.memory_space<vmem>>, vector<1x1000x128xf32>
    %get3A_8 = vector.shape_cast %get3A_7 : vector<1x1000x128xf32> to vector<1000x128xf32>
    %add3A = arith.addf %get3A_3, %get3A_8 : vector<1000x128xf32>
    %get3A_9 = arith.constant 0 : index
    %get3A_10 = arith.constant 0 : index
    %get3A_11 = vector.load %arg3[%get3A_9, %get3A_10] : memref<1000x1xf32, #tpu.memory_space<vmem>>, vector<1000x1xf32>
    %mul3A = vector.broadcast %get3A_11 : vector<1000x1xf32> to vector<1000x128xf32>
    %mul3A_12 = arith.mulf %add3A, %mul3A : vector<1000x128xf32>
    %get3A_13 = arith.constant 0 : index
    %get3A_14 = arith.constant 0 : index
    %get3A_15 = vector.load %arg2[%get3A_13, %get3A_14] : memref<1000x128xf32, #tpu.memory_space<vmem>>, vector<1000x128xf32>
    %add3A_16 = arith.addf %mul3A_12, %get3A_15 : vector<1000x128xf32>
    %get3A_17 = arith.constant 0 : index
    %get3A_18 = arith.constant 0 : index
    %get3A_19 = vector.load %arg4[%get3A_17, %get3A_18] : memref<1x128xf32, #tpu.memory_space<vmem>>, vector<1x128xf32>
    %add3A_20 = vector.broadcast %get3A_19 : vector<1x128xf32> to vector<1000x128xf32>
    %add3A_21 = arith.addf %add3A_16, %add3A_20 : vector<1000x128xf32>
    %ge3A = arith.constant 0.000000e+00 : f32
    %ge3A_22 = vector.broadcast %ge3A : f32 to vector<1000x128xf32>
    %ge3A_23 = arith.cmpf oge, %add3A_21, %ge3A_22 : vector<1000x128xf32>
    %mul3A_24 = arith.constant 0.00999999977 : f32
    %mul3A_25 = vector.broadcast %mul3A_24 : f32 to vector<1000x128xf32>
    %mul3A_26 = arith.mulf %mul3A_25, %add3A_21 : vector<1000x128xf32>
    %select_n3A = arith.select %ge3A_23, %add3A_21, %mul3A_26 : vector<1000x128xi1>, vector<1000x128xf32>
    %get3A_27 = arith.constant 0 : index
    %get3A_28 = arith.constant 0 : index
    %get3A_29 = vector.load %arg5[%get3A_27, %get3A_28] : memref<128x128xf32, #tpu.memory_space<vmem>>, vector<128x128xf32>
    %dot_general3A = arith.constant dense<0.000000e+00> : vector<1000x128xf32>
    %dot_general3A_30 = tpu.matmul %select_n3A, %get3A_29, %dot_general3A {dimension_numbers = #tpu.dot_dimension_numbers<[1], [0], [0], [1], [0, 0, 1, 1], [], []>, transpose_lhs_hint = false} : vector<1000x128xf32>, vector<128x128xf32>, vector<1000x128xf32> -> vector<1000x128xf32>
    %swap3A = arith.constant 0 : index
    %swap3A_31 = arith.constant 0 : index
    %swap3A_32 = vector.load %arg7[%swap3A, %swap3A_31] : memref<1000x128xf32, #tpu.memory_space<vmem>>, vector<1000x128xf32>
    tpu.vector_store %arg7[%swap3A, %swap3A_31], %dot_general3A_30 {strides = array<i32>} : memref<1000x128xf32, #tpu.memory_space<vmem>>, vector<1000x128xf32>,
    %get3A_33 = arith.constant 0 : index
    %get3A_34 = arith.constant 0 : index
    %get3A_35 = vector.load %arg6[%get3A_33, %get3A_34] : memref<128x128xf32, #tpu.memory_space<vmem>>, vector<128x128xf32>
    %dot_general3A_36 = arith.constant dense<0.000000e+00> : vector<1000x128xf32>
    %dot_general3A_37 = tpu.matmul %select_n3A, %get3A_35, %dot_general3A_36 {dimension_numbers = #tpu.dot_dimension_numbers<[1], [0], [0], [1], [0, 0, 1, 1], [], []>, transpose_lhs_hint = false} : vector<1000x128xf32>, vector<128x128xf32>, vector<1000x128xf32> -> vector<1000x128xf32>
    %swap3A_38 = arith.constant 0 : index
    %swap3A_39 = arith.constant 0 : index
    %swap3A_40 = vector.load %arg8[%swap3A_38, %swap3A_39] : memref<1000x128xf32, #tpu.memory_space<vmem>>, vector<1000x128xf32>
    tpu.vector_store %arg8[%swap3A_38, %swap3A_39], %dot_general3A_37 {strides = array<i32>} : memref<1000x128xf32, #tpu.memory_space<vmem>>, vector<1000x128xf32>,
    return
  }
  func.func @transform_0(%arg0: i32) -> (i32, i32, i32) {
    %c0_i32 = arith.constant 0 : i32
    %c0_i32_0 = arith.constant 0 : i32
    %c0_i32_1 = arith.constant 0 : i32
    return %c0_i32, %arg0, %c0_i32_0 : i32, i32, i32
  }
  func.func @transform_1(%arg0: i32) -> (i32, i32) {
    %c0_i32 = arith.constant 0 : i32
    %c0_i32_0 = arith.constant 0 : i32
    return %arg0, %c0_i32 : i32, i32
  }
  func.func @transform_2(%arg0: i32) -> (i32, i32) {
    %c0_i32 = arith.constant 0 : i32
    %c0_i32_0 = arith.constant 0 : i32
    return %arg0, %c0_i32 : i32, i32
  }
  func.func @transform_3(%arg0: i32) -> (i32, i32) {
    %c0_i32 = arith.constant 0 : i32
    %c0_i32_0 = arith.constant 0 : i32
    %c0_i32_1 = arith.constant 0 : i32
    return %c0_i32, %c0_i32_0 : i32, i32
  }
  func.func @transform_4(%arg0: i32) -> (i32, i32) {
    %c0_i32 = arith.constant 0 : i32
    %c0_i32_0 = arith.constant 0 : i32
    %c0_i32_1 = arith.constant 0 : i32
    return %c0_i32, %c0_i32_0 : i32, i32
  }
  func.func @transform_5(%arg0: i32) -> (i32, i32) {
    %c0_i32 = arith.constant 0 : i32
    %c0_i32_0 = arith.constant 0 : i32
    %c0_i32_1 = arith.constant 0 : i32
    return %c0_i32, %c0_i32_0 : i32, i32
  }
  func.func @transform_6(%arg0: i32) -> (i32, i32) {
    %c0_i32 = arith.constant 0 : i32
    %c0_i32_0 = arith.constant 0 : i32
    return %arg0, %c0_i32 : i32, i32
  }
  func.func @transform_7(%arg0: i32) -> (i32, i32) {
    %c0_i32 = arith.constant 0 : i32
    %c0_i32_0 = arith.constant 0 : i32
    return %arg0, %c0_i32 : i32, i32
  }
}

module attributes {stable_mosaic.version = 14 : i64} {
  func.func @_tc_out_body(%arg0: i32, %arg1: memref<2x400x128xf32, #tpu.memory_space<vmem>>, %arg2: memref<400x128xf32, #tpu.memory_space<vmem>>, %arg3: memref<400x1xf32, #tpu.memory_space<vmem>>, %arg4: memref<1x128xf32, #tpu.memory_space<vmem>>, %arg5: memref<400x1xi32, #tpu.memory_space<vmem>>, %arg6: memref<128x64xf32, #tpu.memory_space<vmem>>, %arg7: memref<1x64xf32, #tpu.memory_space<vmem>>, %arg8: memref<64x64xf32, #tpu.memory_space<vmem>>, %arg9: memref<64x128xf32, #tpu.memory_space<vmem>>) attributes {dimension_semantics = [#tpu.dimension_semantics<arbitrary>], iteration_bounds = array<i64: 25>, scalar_prefetch = 0 : i64, scratch_operands = 1 : i64, tpu.core_type = #tpu.core_type<tc>, window_params = [{transform_indices = @transform_0, window_bounds = array<i64: 2, 400, 128>}, {transform_indices = @transform_1, window_bounds = array<i64: 400, 128>}, {transform_indices = @transform_2, window_bounds = array<i64: 400, 1>}, {pipeline_mode = #tpu.pipeline_mode<synchronous>, transform_indices = @transform_3, window_bounds = array<i64: 1, 128>}, {transform_indices = @transform_4, window_bounds = array<i64: 400, 1>}, {pipeline_mode = #tpu.pipeline_mode<synchronous>, transform_indices = @transform_5, window_bounds = array<i64: 128, 64>}, {pipeline_mode = #tpu.pipeline_mode<synchronous>, transform_indices = @transform_6, window_bounds = array<i64: 1, 64>}, {pipeline_mode = #tpu.pipeline_mode<synchronous>, transform_indices = @transform_7, window_bounds = array<i64: 64, 64>}]} {
    %eq3A = arith.constant 0 : i32
    %eq3A_0 = arith.cmpi eq, %arg0, %eq3A : i32
    %convert_element_type3A = arith.extui %eq3A_0 : i1 to i32
    %cond3A = arith.constant 0 : i32
    %cond3A_1 = arith.cmpi ne, %convert_element_type3A, %cond3A : i32
    scf.if %cond3A_1 {
      %broadcast_in_dim3A_53 = arith.constant 0xFF800000 : f32
      %broadcast_in_dim3A_54 = vector.broadcast %broadcast_in_dim3A_53 : f32 to vector<64x128xf32>
      %swap3A_55 = arith.constant 0 : index
      %swap3A_56 = arith.constant 0 : index
      %swap3A_57 = vector.load %arg9[%swap3A_55, %swap3A_56] : memref<64x128xf32, #tpu.memory_space<vmem>>, vector<64x128xf32>
      tpu.vector_store %arg9[%swap3A_55, %swap3A_56], %broadcast_in_dim3A_54 {strides = array<i32>} : memref<64x128xf32, #tpu.memory_space<vmem>>, vector<64x128xf32>,
    } else {
    }
    %get3A = arith.constant 0 : index
    %get3A_2 = arith.constant 0 : index
    %get3A_3 = arith.constant 0 : index
    %get3A_4 = vector.load %arg1[%get3A, %get3A_2, %get3A_3] : memref<2x400x128xf32, #tpu.memory_space<vmem>>, vector<1x400x128xf32>
    %get3A_5 = vector.shape_cast %get3A_4 : vector<1x400x128xf32> to vector<400x128xf32>
    %get3A_6 = arith.constant 1 : index
    %get3A_7 = arith.constant 0 : index
    %get3A_8 = arith.constant 0 : index
    %get3A_9 = vector.load %arg1[%get3A_6, %get3A_7, %get3A_8] : memref<2x400x128xf32, #tpu.memory_space<vmem>>, vector<1x400x128xf32>
    %get3A_10 = vector.shape_cast %get3A_9 : vector<1x400x128xf32> to vector<400x128xf32>
    %add3A = arith.addf %get3A_5, %get3A_10 : vector<400x128xf32>
    %get3A_11 = arith.constant 0 : index
    %get3A_12 = arith.constant 0 : index
    %get3A_13 = vector.load %arg3[%get3A_11, %get3A_12] : memref<400x1xf32, #tpu.memory_space<vmem>>, vector<400x1xf32>
    %mul3A = vector.broadcast %get3A_13 : vector<400x1xf32> to vector<400x128xf32>
    %mul3A_14 = arith.mulf %add3A, %mul3A : vector<400x128xf32>
    %get3A_15 = arith.constant 0 : index
    %get3A_16 = arith.constant 0 : index
    %get3A_17 = vector.load %arg2[%get3A_15, %get3A_16] : memref<400x128xf32, #tpu.memory_space<vmem>>, vector<400x128xf32>
    %add3A_18 = arith.addf %mul3A_14, %get3A_17 : vector<400x128xf32>
    %get3A_19 = arith.constant 0 : index
    %get3A_20 = arith.constant 0 : index
    %get3A_21 = vector.load %arg4[%get3A_19, %get3A_20] : memref<1x128xf32, #tpu.memory_space<vmem>>, vector<1x128xf32>
    %add3A_22 = vector.broadcast %get3A_21 : vector<1x128xf32> to vector<400x128xf32>
    %add3A_23 = arith.addf %add3A_18, %add3A_22 : vector<400x128xf32>
    %ge3A = arith.constant 0.000000e+00 : f32
    %ge3A_24 = vector.broadcast %ge3A : f32 to vector<400x128xf32>
    %ge3A_25 = arith.cmpf oge, %add3A_23, %ge3A_24 : vector<400x128xf32>
    %mul3A_26 = arith.constant 0.00999999977 : f32
    %mul3A_27 = vector.broadcast %mul3A_26 : f32 to vector<400x128xf32>
    %mul3A_28 = arith.mulf %mul3A_27, %add3A_23 : vector<400x128xf32>
    %select_n3A = arith.select %ge3A_25, %add3A_23, %mul3A_28 : vector<400x128xi1>, vector<400x128xf32>
    %get3A_29 = arith.constant 0 : index
    %get3A_30 = arith.constant 0 : index
    %get3A_31 = vector.load %arg5[%get3A_29, %get3A_30] : memref<400x1xi32, #tpu.memory_space<vmem>>, vector<400x1xi32>
    %iota3A = tpu.iota {dimensions = array<i32: 0>} : vector<64x1x1xi32>
    %broadcast_in_dim3A = vector.shape_cast %get3A_31 : vector<400x1xi32> to vector<1x400x1xi32>
    %eq3A_32 = vector.broadcast %broadcast_in_dim3A : vector<1x400x1xi32> to vector<64x400x1xi32>
    %eq3A_33 = vector.broadcast %iota3A : vector<64x1x1xi32> to vector<64x400x1xi32>
    %eq3A_34 = arith.cmpi eq, %eq3A_32, %eq3A_33 : vector<64x400x1xi32>
    %broadcast_in_dim3A_35 = vector.shape_cast %select_n3A : vector<400x128xf32> to vector<1x400x128xf32>
    %jit3A = arith.constant 0xFF800000 : f32
    %broadcast_in_dim3A_36 = vector.shape_cast %eq3A_34 : vector<64x400x1xi1> to vector<64x400x1xi1>
    %broadcast_in_dim3A_37 = vector.broadcast %broadcast_in_dim3A_36 : vector<64x400x1xi1> to vector<64x400x128xi1>
    %broadcast_in_dim3A_38 = vector.shape_cast %broadcast_in_dim3A_35 : vector<1x400x128xf32> to vector<1x400x128xf32>
    %broadcast_in_dim3A_39 = vector.broadcast %broadcast_in_dim3A_38 : vector<1x400x128xf32> to vector<64x400x128xf32>
    %broadcast_in_dim3A_40 = vector.broadcast %jit3A : f32 to vector<64x400x128xf32>
    %select_n3A_41 = arith.select %broadcast_in_dim3A_37, %broadcast_in_dim3A_39, %broadcast_in_dim3A_40 : vector<64x400x128xi1>, vector<64x400x128xf32>
    %get3A_42 = arith.constant 0 : index
    %get3A_43 = arith.constant 0 : index
    %get3A_44 = vector.load %arg9[%get3A_42, %get3A_43] : memref<64x128xf32, #tpu.memory_space<vmem>>, vector<64x128xf32>
    %reduce_max3A = arith.constant dense<0xFF800000> : vector<64x128xf32>
    %reduce_max3A_45 = vector.multi_reduction <maximumf>, %select_n3A_41, %reduce_max3A [1] : vector<64x400x128xf32> to vector<64x128xf32>
    %max3A = arith.maximumf %get3A_44, %reduce_max3A_45 : vector<64x128xf32>
    %swap3A = arith.constant 0 : index
    %swap3A_46 = arith.constant 0 : index
    %swap3A_47 = vector.load %arg9[%swap3A, %swap3A_46] : memref<64x128xf32, #tpu.memory_space<vmem>>, vector<64x128xf32>
    tpu.vector_store %arg9[%swap3A, %swap3A_46], %max3A {strides = array<i32>} : memref<64x128xf32, #tpu.memory_space<vmem>>, vector<64x128xf32>,
    %eq3A_48 = arith.constant 24 : i32
    %eq3A_49 = arith.cmpi eq, %arg0, %eq3A_48 : i32
    %convert_element_type3A_50 = arith.extui %eq3A_49 : i1 to i32
    %cond3A_51 = arith.constant 0 : i32
    %cond3A_52 = arith.cmpi ne, %convert_element_type3A_50, %cond3A_51 : i32
    scf.if %cond3A_52 {
      %get3A_53 = arith.constant 0 : index
      %get3A_54 = arith.constant 0 : index
      %get3A_55 = vector.load %arg9[%get3A_53, %get3A_54] : memref<64x128xf32, #tpu.memory_space<vmem>>, vector<64x128xf32>
      %get3A_56 = arith.constant 0 : index
      %get3A_57 = arith.constant 0 : index
      %get3A_58 = vector.load %arg6[%get3A_56, %get3A_57] : memref<128x64xf32, #tpu.memory_space<vmem>>, vector<128x64xf32>
      %dot_general3A = arith.constant dense<0.000000e+00> : vector<64x64xf32>
      %dot_general3A_59 = tpu.matmul %get3A_55, %get3A_58, %dot_general3A {dimension_numbers = #tpu.dot_dimension_numbers<[1], [0], [0], [1], [0, 0, 1, 1], [], []>, transpose_lhs_hint = false} : vector<64x128xf32>, vector<128x64xf32>, vector<64x64xf32> -> vector<64x64xf32>
      %get3A_60 = arith.constant 0 : index
      %get3A_61 = arith.constant 0 : index
      %get3A_62 = vector.load %arg7[%get3A_60, %get3A_61] : memref<1x64xf32, #tpu.memory_space<vmem>>, vector<1x64xf32>
      %add3A_63 = vector.broadcast %get3A_62 : vector<1x64xf32> to vector<64x64xf32>
      %add3A_64 = arith.addf %dot_general3A_59, %add3A_63 : vector<64x64xf32>
      %swap3A_65 = arith.constant 0 : index
      %swap3A_66 = arith.constant 0 : index
      %swap3A_67 = vector.load %arg8[%swap3A_65, %swap3A_66] : memref<64x64xf32, #tpu.memory_space<vmem>>, vector<64x64xf32>
      tpu.vector_store %arg8[%swap3A_65, %swap3A_66], %add3A_64 {strides = array<i32>} : memref<64x64xf32, #tpu.memory_space<vmem>>, vector<64x64xf32>,
    } else {
    }
    return
  }
  func.func @transform_0(%arg0: i32) -> (i32, i32, i32) {
    %c0_i32 = arith.constant 0 : i32
    %c0_i32_0 = arith.constant 0 : i32
    %c0_i32_1 = arith.constant 0 : i32
    return %c0_i32, %arg0, %c0_i32_0 : i32, i32, i32
  }
  func.func @transform_1(%arg0: i32) -> (i32, i32) {
    %c0_i32 = arith.constant 0 : i32
    %c0_i32_0 = arith.constant 0 : i32
    return %arg0, %c0_i32 : i32, i32
  }
  func.func @transform_2(%arg0: i32) -> (i32, i32) {
    %c0_i32 = arith.constant 0 : i32
    %c0_i32_0 = arith.constant 0 : i32
    return %arg0, %c0_i32 : i32, i32
  }
  func.func @transform_3(%arg0: i32) -> (i32, i32) {
    %c0_i32 = arith.constant 0 : i32
    %c0_i32_0 = arith.constant 0 : i32
    %c0_i32_1 = arith.constant 0 : i32
    return %c0_i32, %c0_i32_0 : i32, i32
  }
  func.func @transform_4(%arg0: i32) -> (i32, i32) {
    %c0_i32 = arith.constant 0 : i32
    %c0_i32_0 = arith.constant 0 : i32
    return %arg0, %c0_i32 : i32, i32
  }
  func.func @transform_5(%arg0: i32) -> (i32, i32) {
    %c0_i32 = arith.constant 0 : i32
    %c0_i32_0 = arith.constant 0 : i32
    %c0_i32_1 = arith.constant 0 : i32
    return %c0_i32, %c0_i32_0 : i32, i32
  }
  func.func @transform_6(%arg0: i32) -> (i32, i32) {
    %c0_i32 = arith.constant 0 : i32
    %c0_i32_0 = arith.constant 0 : i32
    %c0_i32_1 = arith.constant 0 : i32
    return %c0_i32, %c0_i32_0 : i32, i32
  }
  func.func @transform_7(%arg0: i32) -> (i32, i32) {
    %c0_i32 = arith.constant 0 : i32
    %c0_i32_0 = arith.constant 0 : i32
    %c0_i32_1 = arith.constant 0 : i32
    return %c0_i32, %c0_i32_0 : i32, i32
  }
}

</mosaic_0001>

<sc_bundles>
// kernel: kernel.12.cloned.1.call-start
scs
__scs_entry_jumppad:
0x0: {  	(pc) =	sbr.rel $0x88, $3  }
0x1: {  	(tag) =	ssettag $0x0;
	lr =	simm.s32 $0x1  }
0x2: {  	[smem:$0x3F93] =	sst lr;
	_ =	strace $0xD0000000  }
0x3: {  	_ = 	snop  }
0x4: {  	_ = 	snop  }
0x5: {  	_ = 	snop  }
0x6: {  	_ = 	snop  }
0x7: {  	_ = 	snop  }
__scs_overlays_trampoline_lowered:
0x8: {  	[smem:$0x3FA2] =	sst s0  }
0x9: {  	[smem:$0x3FA3] =	sst s1  }
0xa: {  	[smem:$0x3FA4] =	sst s2  }
0xb: {  	[smem:$0x3FA5] =	sst s3  }
0xc: {  	[smem:$0x3FA6] =	sst s4  }
0xd: {  	[smem:$0x3FA7] =	sst s5  }
0xe: {  	[smem:$0x3FA8] =	sst s6  }
0xf: {  	[smem:$0x3FA9] =	sst s7  }
0x10: {  	[smem:$0x3FAA] =	sst s8  }
0x11: {  	[smem:$0x3FAB] =	sst s9;
	s0 =	simm.s32 @!p0 $0x0  }
0x12: {  	s1 =	sld [smem:$0x3F91];
	s0 =	simm.s32 @p0 $0x1  }
0x13: {  	[smem:$0x3FAC] =	sst s0;
	s0 =	simm.s32 @!p1 $0x0  }
0x14: {  	s2 =	sld [smem:$0x3F90];
	s0 =	simm.s32 @p1 $0x1  }
0x15: {  	[smem:$0x3FAD] =	sst s0;
	s0 =	simm.s32 @!p2 $0x0  }
0x16: {  	s3 =	sld [smem:$0x3FDB];
	s0 =	simm.s32 @p2 $0x1  }
0x17: {  	s4 =	simm.s32 $0x1BF5;
	[smem:$0x3FAF] =	sst s0  }
0x18: {  	s0 =	sld [smem:$0x3F92];
	_ =	swait.ge [sflag:s4], $0x0  }
0x19: {  	s7 =	sld [smem:$0x3F93]  }
0x1a: {  	s8 =	sadd.s32 $0xFFFFE003, lr  }
0x1b: {  	s9 =	sadd.s32 $0xFFFFFEF7, lr;
	s5 =	simm.s32 $0xFFFFFFFF;
	p2 =	slt.u32 s8, $0xFFFFF086  }
0x1c: {  	p1 =	slt.u32 s9, $0xF7A;
	s5 =	simm.s32 @!p2 $0x0  }
0x1d: {  	s5 =	simm.s32 @p1 $0x1;
	p0 =	seq.s32 s7, s2  }
0x1e: {  	s7 =	smul.u32 @!p0 $0xF7A, s2;
	p2 =	seq.s32 @!p0 s5, $0x0  }
0x1f: {  	s9 =	smul.u32 $0xF7A, s1;
	s8 =	simm.s32 @!p0 $0x1BF5;
	p2 =	por !p2, p0  }
0x20: {  	[sflag:s8] =	ssyncset.s32 @!p0 $0xFFFFF086;
	s6 =	sadd.s32 @!p0 s3, s7;
	s7 =	simm.s32 @!p0 $0x108  }
0x21: {  	s3 =	sadd.s32 s3, s9;
	s6 =	sadd.s32 @!p0 $0x88, s6;
	s7 =	simm.s32 @p2 $0x1082  }
0x22: {  	[simem:s7], [sflag:s8] =	dma.local @!p0 [hbm:s6], $0xF7A  }
0x23: {  	s9 =	sor.u32 $0xD0000000, s2;
	s6 =	simm.s32 $0x108;
	_ =	swait.ge @!p0 [sflag:s8], $0x0  }
0x24: {  	s3 =	sadd.s32 $0x88, s3;
	s6 =	simm.s32 @!p1 $0x1082;
	[sflag:s4] =	ssyncset.s32 $0xFFFFF086  }
0x25: {  	[simem:s6], [sflag:s4] =	dma.local [hbm:s3], $0xF7A  }
0x26: {  	[smem:$0x3F93] =	sst s1;
	(tag) =	ssettag s2;
	_ =	strace s9  }
0x27: {  	s1 =	sld [smem:$0x3FA3]  }
0x28: {  	s2 =	sld [smem:$0x3FA4]  }
0x29: {  	s4 =	sld [smem:$0x3FA6]  }
0x2a: {  	p0 =	seq.s32 s5, $0x0;
	s5 =	sld [smem:$0x3FA7]  }
0x2b: {  	s6 =	sld [smem:$0x3FA8]  }
0x2c: {  	s7 =	sld [smem:$0x3FA9]  }
0x2d: {  	s3 =	simm.s32 $0x108;
	s8 =	sld [smem:$0x3FAA]  }
0x2e: {  	s3 =	simm.s32 @!p0 $0x1082;
	s9 =	sld [smem:$0x3FAB]  }
0x2f: {  	lr =	sadd.s32 s0, s3;
	s0 =	sld [smem:$0x3FA2]  }
0x30: {  	s3 =	sld [smem:$0x3FA5]  }
0x31: {  	[smem:$0x3FAE] =	sst s10  }
0x32: {  	s10 =	sld [smem:$0x3FAC];
	_ =	sdelay $0x3  }
0x33: {  	p0 =	seq.s32 s10, $0x1;
	s10 =	sld [smem:$0x3FAE];
	_ =	sdelay $0x3  }
0x34: {  	[smem:$0x3FAE] =	sst s10  }
0x35: {  	s10 =	sld [smem:$0x3FAD];
	_ =	sdelay $0x3  }
0x36: {  	p1 =	seq.s32 s10, $0x1;
	s10 =	sld [smem:$0x3FAE];
	_ =	sdelay $0x3  }
0x37: {  	[smem:$0x3FAE] =	sst s10  }
0x38: {  	s10 =	sld [smem:$0x3FAF]  }
0x39: {  	_ = 	snop;
	(pc) =	sbr.ind lr, $3  }
0x3a: {  	_ = 	snop  }
0x3b: {  	_ = 	snop  }
0x3c: {  	p2 =	seq.s32 s10, $0x1;
	s10 =	sld [smem:$0x3FAE]  }
0x3d: {  	_ =	shalt  }
0x3e: {  	_ =	shalt  }
0x3f: {  	_ =	shalt  }
0x40: {  	_ =	shalt  }
0x41: {  	_ =	shalt  }
0x42: {  	_ =	shalt  }
0x43: {  	_ =	shalt  }
0x44: {  	_ =	shalt  }
0x45: {  	_ =	shalt  }
0x46: {  	_ =	shalt  }
0x47: {  	_ =	shalt  }
0x48: {  	_ =	shalt  }
0x49: {  	_ =	shalt  }
0x4a: {  	_ =	shalt  }
0x4b: {  	_ =	shalt  }
0x4c: {  	_ =	shalt  }
0x4d: {  	_ =	shalt  }
0x4e: {  	_ =	shalt  }
0x4f: {  	_ =	shalt  }
0x50: {  	_ =	shalt  }
0x51: {  	_ =	shalt  }
0x52: {  	_ =	shalt  }
0x53: {  	_ =	shalt  }
0x54: {  	_ =	shalt  }
0x55: {  	_ =	shalt  }
0x56: {  	_ =	shalt  }
0x57: {  	_ =	shalt  }
0x58: {  	_ =	shalt  }
0x59: {  	_ =	shalt  }
0x5a: {  	_ =	shalt  }
0x5b: {  	_ =	shalt  }
0x5c: {  	_ =	shalt  }
0x5d: {  	_ =	shalt  }
0x5e: {  	_ =	shalt  }
0x5f: {  	_ =	shalt  }
0x60: {  	_ =	shalt  }
0x61: {  	_ =	shalt  }
0x62: {  	_ =	shalt  }
0x63: {  	_ =	shalt  }
0x64: {  	_ =	shalt  }
0x65: {  	_ =	shalt  }
0x66: {  	_ =	shalt  }
0x67: {  	_ =	shalt  }
0x68: {  	_ =	shalt  }
0x69: {  	_ =	shalt  }
0x6a: {  	_ =	shalt  }
0x6b: {  	_ =	shalt  }
0x6c: {  	_ =	shalt  }
0x6d: {  	_ =	shalt  }
0x6e: {  	_ =	shalt  }
0x6f: {  	_ =	shalt  }
0x70: {  	_ =	shalt  }
0x71: {  	_ =	shalt  }
0x72: {  	_ =	shalt  }
0x73: {  	_ =	shalt  }
0x74: {  	_ =	shalt  }
0x75: {  	_ =	shalt  }
0x76: {  	_ =	shalt  }
0x77: {  	_ =	shalt  }
0x78: {  	_ =	shalt  }
0x79: {  	_ =	shalt  }
0x7a: {  	_ =	shalt  }
0x7b: {  	_ =	shalt  }
0x7c: {  	_ =	shalt  }
0x7d: {  	_ =	shalt  }
0x7e: {  	_ =	shalt  }
0x7f: {  	_ =	shalt  }
0x80: {  	_ =	shalt  }
0x81: {  	_ =	shalt  }
0x82: {  	_ =	shalt  }
0x83: {  	_ =	shalt  }
0x84: {  	_ =	shalt  }
0x85: {  	_ =	shalt  }
0x86: {  	_ =	shalt  }
0x87: {  	_ =	shalt  }
.Lfunc_end0:
.L_simem_size_0:
called_computation.1_lowered:
.L_overlay_start_0:
0x88: {  	s2 =	sld [smem:$0x3FD9]  }
0x89: {  	s3 =	sld [smem:$0x3FFE];
	_ =	sdelay $0x1  }
0x8a: {  	s1 =	srdreg.scid  }
0x8b: {  	s0 =	sand.u32 $0x1, s1  }
0x8c: {  	s16 =	sshll.u32 s0, $0xA;
	s2 =	sadd.s32 s3, s2  }
0x8d: {  	s2 =	sadd.s32 s2, s16  }
0x8e: {  	[smem:$0x3FBA] =	sst s2  }
0x8f: {  	_ = 	snop  }
0x90: {  	(tm) =	ssettm $0x1  }
0x91: {  	s17 =	sld [smem:$0x3FFB];
	_ =	sdelay $0x3  }
0x92: {  	_ =	strace s17  }
0x93: {  	s2 =	sld [smem:$0x3FFC];
	_ =	sdelay $0x3  }
0x94: {  	_ =	strace s2  }
0x95: {  	s2 =	sld [smem:$0x3FFD];
	_ =	sdelay $0x3  }
0x96: {  	_ =	strace s2  }
0x97: {  	_ =	strace $0x8FFFFFFF  }
0x98: {  	s18 =	sld [smem:$0x3FDB];
	_ =	sdelay $0x1  }
0x99: {  	s19 =	simm.s32 $_scs_section_size  }
0x9a: {  	s4 =	simm.s32 $_size__tile_overlayer_lowered;
	s5 =	simm.s32 $_tile_overlayer_lowered  }
0x9b: {  	s22 =	simm.s32 $0x1BFF;
	s21 =	sshll.u32 s5, $0x1;
	s2 =	sadd.s32 s19, s18  }
0x9c: {  	s6 =	simm.s32 $0x0;
	s20 =	sshll.u32 s4, $0x1;
	s4 =	sadd.s32 s21, s2  }
0x9d: {  	[timem:s6], [sflag:s22] =	dma.local [hbm:s4], s20  }
0x9e: {  	_ =	swait.ge [sflag:s22], s20  }
0x9f: {  	s3 =	ssub.s32 $0x0, s20;
	[sflag:s22] =	ssyncset.done $0x0  }
0xa0: {  	[sflag:s22] =	ssyncadd.s32 s3;
	_ =	sdelay $0x1  }
0xa1: {  	s23 =	simm.s32 $0x1B8B  }
0xa2: {  	_ =	swait.ge [sflag:s23], $0x1  }
0xa3: {  	[sflag:s23] =	ssyncset.done $0x0  }
0xa4: {  	s25 =	simm.s32 $0x1B8E;
	s24 =	sld [smem:$0x3FFE];
	[sflag:s23] =	ssyncadd.s32 $0xFFFFFFFF  }
0xa5: {  	s26 =	simm.s32 $execute0_lowered;
	[smem:$0x3FD2] =	sst s25  }
0xa6: {  	s4 =	sshll.u32 s26, $0x1;
	_ =	strace $0x80000049;
	[dreg:$0x1] =	wrdreg $0xFFFFFFFF  }
0xa7: {  	s28 =	simm.s32 $_size_execute0_lowered;
	s2 =	sadd.s32 s2, s4;
	[dreg:$0x0] =	wrdreg $0x0  }
0xa8: {  	s4 =	sshll.u32 s28, $0x1;
	[dreg:$0x2] =	wrdreg s2  }
0xa9: {  	[dreg:$0x3] =	wrdreg s4  }
0xaa: {  	[dreg:$0x4] =	wrdreg $0xC0  }
0xab: {  	_ =	task [dreg:s6], $0x5FFFF  }
0xac: {  	[dreg:$0x1] =	wrdreg $0xFFFFFFFF  }
0xad: {  	[dreg:$0x0] =	wrdreg $0x60  }
0xae: {  	[dreg:$0x2] =	wrdreg s24  }
0xaf: {  	[dreg:$0x3] =	wrdreg $0x90000  }
0xb0: {  	[dreg:$0x4] =	wrdreg $0x9  }
0xb1: {  	_ =	task.clear_ibuf [dreg:s6], $0x5FFFF;
	_ =	strace $0x90000049  }
0xb2: {  	s29 =	simm.s32 $0x9;
	_ =	strace $0x8000004B  }
0xb3: {  	_ =	swait.ge [sflag:s29], $0x1  }
0xb4: {  	[sflag:s29] =	ssyncadd.s32 $0xFFFFFFFF  }
0xb5: {  	_ =	strace $0x9000004B  }
0xb6: {  	_ =	sfence  }
0xb7: {  	s30 =	sld [smem:$0x0];
	_ =	sdelay $0x2  }
0xb8: {  	s31 =	sshll.u32 s1, $0xD;
	s1 =	sshrl.u32 s1, $0x2  }
0xb9: {  	s3 =	sand.u32 $0x4000, s31;
	s1 =	sadd.s32 s1, s30  }
0xba: {  	s0 =	sor.u32 s3, s0;
	s1 =	sshll.u32 s1, $0x11  }
0xbb: {  	s0 =	sor.u32 s1, s0  }
0xbc: {  	s0 =	sadd.s32 $0x8F2B, s0  }
0xbd: {  	[sflag:s0] =	ssyncadd.remote.s32 $0x1  }
0xbe: {  	_ =	sfence.sel $0xFFFF  }
0xbf: {  	[dreg:$0x0] =	wrdreg $0xFFFFFFFF;
	(pc) =	sbr.abs _section_cstart, $3  }
0xc0: {  	[dreg:$0x1] =	wrdreg $0xFFFFFFFF  }
0xc1: {  	_ =	task.clear_ibuf [dreg:s6], $0x2FFFF;
	_ =	strace $0x9FFFFFFF  }
0xc2: {  	(tm) =	ssettm $0x7FFFFFFF  }
0xc3: {  	_ =	shalt  }
tec
execute0_lowered:
.L_overlay_start_1:
0x0: {  	(tag) =	ssettag $0x1  }
0x1: {  	s0 =	srdreg.scid;
	s5 =	rddreg [dreg:$0x0]  }
0x2: {  	s9 =	stileid.u32;
	s2 =	rddreg [dreg:$0x1];
	s3 =	simm.s32 $0x0  }
0x3: {  	s14 =	simm.s32 $0x100;
	s15 =	simm.s32 $0x880;
	s17 =	simm.s32 $0x180  }
0x4: {  	s18 =	simm.s32 $0x900;
	[smem:$0x7FF] =	sst s3;
	s10 =	sadd.s32 $0x3E600, s5  }
0x5: {  	s19 =	simm.s32 $0x200;
	_ =	strace $0x8000004A;
	[dreg:$0x11] =	wrdreg s10  }
0x6: {  	s20 =	simm.s32 $0x980;
	s21 =	simm.s32 $0x280;
	[dreg:$0x5] =	wrdreg s14  }
0x7: {  	s22 =	simm.s32 $0xA00;
	s23 =	simm.s32 $0x300;
	[dreg:$0x6] =	wrdreg s15  }
0x8: {  	s24 =	simm.s32 $0xA80;
	s25 =	simm.s32 $0x380;
	[dreg:$0x7] =	wrdreg s17  }
0x9: {  	s26 =	simm.s32 $0xB00;
	s28 =	simm.s32 $0x680;
	[dreg:$0x8] =	wrdreg s18  }
0xa: {  	s29 =	simm.s32 $0xE00;
	s30 =	simm.s32 $0x700;
	[dreg:$0x9] =	wrdreg s19  }
0xb: {  	s31 =	simm.s32 $0xE80;
	s1 =	smul.u32 $0x5000, s9;
	[dreg:$0xa] =	wrdreg s20  }
0xc: {  	s0 =	sand.u32 $0x1, s0;
	s7 =	smul.u32 $0x14000, s9;
	[dreg:$0xb] =	wrdreg s21  }
0xd: {  	s12 =	smul.u32 $0x50000, s9;
	s16 =	sshll.u32 s9, $0x6;
	[dreg:$0xc] =	wrdreg s22  }
0xe: {  	s9 =	simm.s32 $0x0;
	s4 =	smul.u32 $0x2800, s0;
	[dreg:$0xd] =	wrdreg s23  }
0xf: {  	s6 =	smul.u32 $0x140000, s0;
	s0 =	ssub.s32 $0x2, s0;
	[dreg:$0xe] =	wrdreg s24  }
0x10: {  	s10 =	simm.s32 $0x3;
	s14 =	simm.s32 $0x5000;
	[dreg:$0xf] =	wrdreg s25  }
0x11: {  	s15 =	simm.s32 $0x1;
	[dreg:$0x10] =	wrdreg s26;
	s17 =	simm.s32 $0x400  }
0x12: {  	s18 =	simm.s32 $0xB80;
	s19 =	simm.s32 $0x480;
	s20 =	simm.s32 $0xC00  }
0x13: {  	s21 =	simm.s32 $0x500;
	s22 =	simm.s32 $0xC80;
	s23 =	simm.s32 $0x580  }
0x14: {  	s24 =	simm.s32 $0xD00;
	s25 =	simm.s32 $0x600;
	s26 =	simm.s32 $0xD80  }
0x15: {  	s11 =	sshrl.u32 s0, $0x1;
	s13 =	sshrl.u32 s12, $0x2;
	s12 =	simm.s32 $0x80  }
0x16: {  	s1 =	sadd.s32 s4, s1;
	s6 =	sadd.s32 s7, s6;
	s4 =	sadd.s32 $0x17400, s5  }
0x17: {  	s0 =	ssub.s32 s0, s11;
	s7 =	sor.u32 $0x1C03, s16;
	s11 =	simm.s32 $0x800  }
0x18: {  	s16 =	simm.s32 $0x2;
	s1 =	sshrl.u32 s1, $0x3;
	s6 =	sshrl.u32 s6, $0x3  }
0x19: {  	s0 =	smax.u32 s0, $0x1;
	[dreg:$0x12] =	wrdreg s7;
	s1 =	sadd.s32 s1, s5  }
0x1a: {  	s5 =	sadd.s32 s6, s5;
	[dreg:$0x14] =	wrdreg s0;
	s8 =	sadd.s32 $0xD400, s1  }
0x1b: {  	s6 =	sadd.s32 s13, s2;
	s1 =	sadd.s32 $0x3400, s1;
	[dreg:$0x3] =	wrdreg s8  }
0x1c: {  	s13 =	simm.s32 $0x1000;
	s5 =	sadd.s32 $0x40E00, s5;
	[dreg:$0x4] =	wrdreg s1  }
0x1d: {  	s0 =	simm.s32 $0xF00;
	[dreg:$0x13] =	wrdreg s5;
	s8 =	sshrl.u32 s6, $0x3  }
0x1e: {  	s1 =	simm.s32 $0x780;
	s5 =	simm.s32 $0xF80;
	[dreg:$0x15] =	wrdreg s8  }
.LBB2_1:
0x1f: {  	[dreg:$0x16] =	wrdreg s9  }
0x20: {  	s6 =	rddreg [dreg:$0x11]  }
0x21: {  	[spmem:s8], [sflag:s7] =	dma.local [hbm:s6], $0x2800  }
0x22: {  	_ =	swait.ge [sflag:s10], $0x2800  }
0x23: {  	[sflag:s10] =	ssyncset.done $0x0  }
0x24: {  	[sflag:s10] =	ssyncadd.s32 $0xFFFFD800  }
0x25: {  	[bflag:$0x0] =	sbarrier.arrive $0xFFFF  }
0x26: {  	s8 =	rddreg [dreg:$0x4]  }
0x27: {  	s6 =	sadd.s32 $0x0, s8  }
0x28: {  	[tilespmem:s3], [sflag:$0x3] =	stream.linear.gather [hbm4b:s6+s3], $0x800, $0x38;
	[tilespmem:$0x1D000] =	vst v63  }
0x29: {  	_ =	swait.ge [sflag:s10], $0x800  }
0x2a: {  	s9 =	rddreg [dreg:$0x3];
	[sflag:s10] =	ssyncset.done $0x0  }
0x2b: {  	[sflag:s10] =	ssyncadd.s32 $0xFFFFF800;
	s6 =	sadd.s32 $0x0, s9  }
0x2c: {  	[tilespmem:s11], [sflag:$0x3] =	stream.linear.gather [hbm4b:s6+s3], $0x800, $0x38;
	[tilespmem:$0x1D000] =	vst v63  }
0x2d: {  	_ =	swait.ge [sflag:s10], $0x800  }
0x2e: {  	[sflag:s10] =	ssyncset.done $0x0  }
0x2f: {  	[sflag:s10] =	ssyncadd.s32 $0xFFFFF800  }
0x30: {  	[tilespmem:s13], [sflag:$0x1] =	stream.indirect.gather [hbm4b:s4+s12], $0x80, s3, s12, $0xb8;
	[tilespmem:$0x1D000] =	vst v63  }
0x31: {  	_ = 	snop  }
0x32: {  	[tilespmem:s14], [sflag:$0x2] =	stream.indirect.gather [hbm4b:s4+s12], $0x80, s12, s12, $0xb8;
	[tilespmem:$0x1D000] =	vst v63  }
0x33: {  	_ =	swait.ge [sflag:s15], $0x4000  }
0x34: {  	[sflag:s15] =	ssyncset.done $0x0  }
0x35: {  	[sflag:s15] =	ssyncadd.s32 $0xFFFFC000  }
0x36: {  	[spmem:s2] =	stream.indirect.scatter.add.f32 [tilespmem:s13], [sflag:$0x3], $0x80, s11, s12, $0xb8;
	[tilespmem:$0x1D000] =	vst v63  }
0x37: {  	_ =	swait.ge [sflag:s10], $0x4000  }
0x38: {  	[sflag:s10] =	ssyncset.done $0x0  }
0x39: {  	s7 =	rddreg [dreg:$0x5];
	[sflag:s10] =	ssyncadd.s32 $0xFFFFC000  }
0x3a: {  	[tilespmem:s13], [sflag:$0x1] =	stream.indirect.gather [hbm4b:s4+s12], $0x80, s7, s12, $0xb8;
	[tilespmem:$0x1D000] =	vst v63  }
0x3b: {  	_ =	swait.ge [sflag:s16], $0x4000  }
0x3c: {  	[sflag:s16] =	ssyncset.done $0x0  }
0x3d: {  	s8 =	rddreg [dreg:$0x6];
	[sflag:s16] =	ssyncadd.s32 $0xFFFFC000  }
0x3e: {  	[spmem:s2] =	stream.indirect.scatter.add.f32 [tilespmem:s14], [sflag:$0x3], $0x80, s8, s12, $0xb8;
	[tilespmem:$0x1D000] =	vst v63  }
0x3f: {  	_ =	swait.ge [sflag:s10], $0x4000  }
0x40: {  	[sflag:s10] =	ssyncset.done $0x0  }
0x41: {  	s9 =	rddreg [dreg:$0x7];
	[sflag:s10] =	ssyncadd.s32 $0xFFFFC000  }
0x42: {  	[tilespmem:s14], [sflag:$0x2] =	stream.indirect.gather [hbm4b:s4+s12], $0x80, s9, s12, $0xb8;
	[tilespmem:$0x1D000] =	vst v63  }
0x43: {  	_ =	swait.ge [sflag:s15], $0x4000  }
0x44: {  	[sflag:s15] =	ssyncset.done $0x0  }
0x45: {  	s7 =	rddreg [dreg:$0x8];
	[sflag:s15] =	ssyncadd.s32 $0xFFFFC000  }
0x46: {  	[spmem:s2] =	stream.indirect.scatter.add.f32 [tilespmem:s13], [sflag:$0x3], $0x80, s7, s12, $0xb8;
	[tilespmem:$0x1D000] =	vst v63  }
0x47: {  	_ =	swait.ge [sflag:s10], $0x4000  }
0x48: {  	[sflag:s10] =	ssyncset.done $0x0  }
0x49: {  	s8 =	rddreg [dreg:$0x9];
	[sflag:s10] =	ssyncadd.s32 $0xFFFFC000  }
0x4a: {  	[tilespmem:s13], [sflag:$0x1] =	stream.indirect.gather [hbm4b:s4+s12], $0x80, s8, s12, $0xb8;
	[tilespmem:$0x1D000] =	vst v63  }
0x4b: {  	_ =	swait.ge [sflag:s16], $0x4000  }
0x4c: {  	[sflag:s16] =	ssyncset.done $0x0  }
0x4d: {  	s9 =	rddreg [dreg:$0xa];
	[sflag:s16] =	ssyncadd.s32 $0xFFFFC000  }
0x4e: {  	[spmem:s2] =	stream.indirect.scatter.add.f32 [tilespmem:s14], [sflag:$0x3], $0x80, s9, s12, $0xb8;
	[tilespmem:$0x1D000] =	vst v63  }
0x4f: {  	_ =	swait.ge [sflag:s10], $0x4000  }
0x50: {  	[sflag:s10] =	ssyncset.done $0x0  }
0x51: {  	s7 =	rddreg [dreg:$0xb];
	[sflag:s10] =	ssyncadd.s32 $0xFFFFC000  }
0x52: {  	[tilespmem:s14], [sflag:$0x2] =	stream.indirect.gather [hbm4b:s4+s12], $0x80, s7, s12, $0xb8;
	[tilespmem:$0x1D000] =	vst v63  }
0x53: {  	_ =	swait.ge [sflag:s15], $0x4000  }
0x54: {  	[sflag:s15] =	ssyncset.done $0x0  }
0x55: {  	s8 =	rddreg [dreg:$0xc];
	[sflag:s15] =	ssyncadd.s32 $0xFFFFC000  }
0x56: {  	[spmem:s2] =	stream.indirect.scatter.add.f32 [tilespmem:s13], [sflag:$0x3], $0x80, s8, s12, $0xb8;
	[tilespmem:$0x1D000] =	vst v63  }
0x57: {  	_ =	swait.ge [sflag:s10], $0x4000  }
0x58: {  	[sflag:s10] =	ssyncset.done $0x0  }
0x59: {  	s9 =	rddreg [dreg:$0xd];
	[sflag:s10] =	ssyncadd.s32 $0xFFFFC000  }
0x5a: {  	[tilespmem:s13], [sflag:$0x1] =	stream.indirect.gather [hbm4b:s4+s12], $0x80, s9, s12, $0xb8;
	[tilespmem:$0x1D000] =	vst v63  }
0x5b: {  	_ =	swait.ge [sflag:s16], $0x4000  }
0x5c: {  	[sflag:s16] =	ssyncset.done $0x0  }
0x5d: {  	s7 =	rddreg [dreg:$0xe];
	[sflag:s16] =	ssyncadd.s32 $0xFFFFC000  }
0x5e: {  	[spmem:s2] =	stream.indirect.scatter.add.f32 [tilespmem:s14], [sflag:$0x3], $0x80, s7, s12, $0xb8;
	[tilespmem:$0x1D000] =	vst v63  }
0x5f: {  	_ =	swait.ge [sflag:s10], $0x4000  }
0x60: {  	[sflag:s10] =	ssyncset.done $0x0  }
0x61: {  	s8 =	rddreg [dreg:$0xf];
	[sflag:s10] =	ssyncadd.s32 $0xFFFFC000  }
0x62: {  	[tilespmem:s14], [sflag:$0x2] =	stream.indirect.gather [hbm4b:s4+s12], $0x80, s8, s12, $0xb8;
	[tilespmem:$0x1D000] =	vst v63  }
0x63: {  	_ =	swait.ge [sflag:s15], $0x4000  }
0x64: {  	[sflag:s15] =	ssyncset.done $0x0  }
0x65: {  	s9 =	rddreg [dreg:$0x10];
	[sflag:s15] =	ssyncadd.s32 $0xFFFFC000  }
0x66: {  	[spmem:s2] =	stream.indirect.scatter.add.f32 [tilespmem:s13], [sflag:$0x3], $0x80, s9, s12, $0xb8;
	[tilespmem:$0x1D000] =	vst v63  }
0x67: {  	_ =	swait.ge [sflag:s10], $0x4000  }
0x68: {  	[sflag:s10] =	ssyncset.done $0x0  }
0x69: {  	[sflag:s10] =	ssyncadd.s32 $0xFFFFC000  }
0x6a: {  	[tilespmem:s13], [sflag:$0x1] =	stream.indirect.gather [hbm4b:s4+s12], $0x80, s17, s12, $0xb8;
	[tilespmem:$0x1D000] =	vst v63  }
0x6b: {  	_ =	swait.ge [sflag:s16], $0x4000  }
0x6c: {  	[sflag:s16] =	ssyncset.done $0x0  }
0x6d: {  	[sflag:s16] =	ssyncadd.s32 $0xFFFFC000  }
0x6e: {  	[spmem:s2] =	stream.indirect.scatter.add.f32 [tilespmem:s14], [sflag:$0x3], $0x80, s18, s12, $0xb8;
	[tilespmem:$0x1D000] =	vst v63  }
0x6f: {  	_ =	swait.ge [sflag:s10], $0x4000  }
0x70: {  	[sflag:s10] =	ssyncset.done $0x0  }
0x71: {  	[sflag:s10] =	ssyncadd.s32 $0xFFFFC000  }
0x72: {  	[tilespmem:s14], [sflag:$0x2] =	stream.indirect.gather [hbm4b:s4+s12], $0x80, s19, s12, $0xb8;
	[tilespmem:$0x1D000] =	vst v63  }
0x73: {  	_ =	swait.ge [sflag:s15], $0x4000  }
0x74: {  	[sflag:s15] =	ssyncset.done $0x0  }
0x75: {  	[sflag:s15] =	ssyncadd.s32 $0xFFFFC000  }
0x76: {  	[spmem:s2] =	stream.indirect.scatter.add.f32 [tilespmem:s13], [sflag:$0x3], $0x80, s20, s12, $0xb8;
	[tilespmem:$0x1D000] =	vst v63  }
0x77: {  	_ =	swait.ge [sflag:s10], $0x4000  }
0x78: {  	[sflag:s10] =	ssyncset.done $0x0  }
0x79: {  	[sflag:s10] =	ssyncadd.s32 $0xFFFFC000  }
0x7a: {  	[tilespmem:s13], [sflag:$0x1] =	stream.indirect.gather [hbm4b:s4+s12], $0x80, s21, s12, $0xb8;
	[tilespmem:$0x1D000] =	vst v63  }
0x7b: {  	_ =	swait.ge [sflag:s16], $0x4000  }
0x7c: {  	[sflag:s16] =	ssyncset.done $0x0  }
0x7d: {  	[sflag:s16] =	ssyncadd.s32 $0xFFFFC000  }
0x7e: {  	[spmem:s2] =	stream.indirect.scatter.add.f32 [tilespmem:s14], [sflag:$0x3], $0x80, s22, s12, $0xb8;
	[tilespmem:$0x1D000] =	vst v63  }
0x7f: {  	_ =	swait.ge [sflag:s10], $0x4000  }
0x80: {  	[sflag:s10] =	ssyncset.done $0x0  }
0x81: {  	[sflag:s10] =	ssyncadd.s32 $0xFFFFC000  }
0x82: {  	[tilespmem:s14], [sflag:$0x2] =	stream.indirect.gather [hbm4b:s4+s12], $0x80, s23, s12, $0xb8;
	[tilespmem:$0x1D000] =	vst v63  }
0x83: {  	_ =	swait.ge [sflag:s15], $0x4000  }
0x84: {  	[sflag:s15] =	ssyncset.done $0x0  }
0x85: {  	[sflag:s15] =	ssyncadd.s32 $0xFFFFC000  }
0x86: {  	[spmem:s2] =	stream.indirect.scatter.add.f32 [tilespmem:s13], [sflag:$0x3], $0x80, s24, s12, $0xb8;
	[tilespmem:$0x1D000] =	vst v63  }
0x87: {  	_ =	swait.ge [sflag:s10], $0x4000  }
0x88: {  	[sflag:s10] =	ssyncset.done $0x0  }
0x89: {  	[sflag:s10] =	ssyncadd.s32 $0xFFFFC000  }
0x8a: {  	[tilespmem:s13], [sflag:$0x1] =	stream.indirect.gather [hbm4b:s4+s12], $0x80, s25, s12, $0xb8;
	[tilespmem:$0x1D000] =	vst v63  }
0x8b: {  	_ =	swait.ge [sflag:s16], $0x4000  }
0x8c: {  	[sflag:s16] =	ssyncset.done $0x0  }
0x8d: {  	[sflag:s16] =	ssyncadd.s32 $0xFFFFC000  }
0x8e: {  	[spmem:s2] =	stream.indirect.scatter.add.f32 [tilespmem:s14], [sflag:$0x3], $0x80, s26, s12, $0xb8;
	[tilespmem:$0x1D000] =	vst v63  }
0x8f: {  	_ =	swait.ge [sflag:s10], $0x4000  }
0x90: {  	[sflag:s10] =	ssyncset.done $0x0  }
0x91: {  	[sflag:s10] =	ssyncadd.s32 $0xFFFFC000  }
0x92: {  	[tilespmem:s14], [sflag:$0x2] =	stream.indirect.gather [hbm4b:s4+s12], $0x80, s28, s12, $0xb8;
	[tilespmem:$0x1D000] =	vst v63  }
0x93: {  	_ =	swait.ge [sflag:s15], $0x4000  }
0x94: {  	[sflag:s15] =	ssyncset.done $0x0  }
0x95: {  	[sflag:s15] =	ssyncadd.s32 $0xFFFFC000  }
0x96: {  	[spmem:s2] =	stream.indirect.scatter.add.f32 [tilespmem:s13], [sflag:$0x3], $0x80, s29, s12, $0xb8;
	[tilespmem:$0x1D000] =	vst v63  }
0x97: {  	_ =	swait.ge [sflag:s10], $0x4000  }
0x98: {  	[sflag:s10] =	ssyncset.done $0x0  }
0x99: {  	[sflag:s10] =	ssyncadd.s32 $0xFFFFC000  }
0x9a: {  	[tilespmem:s13], [sflag:$0x1] =	stream.indirect.gather [hbm4b:s4+s12], $0x80, s30, s12, $0xb8;
	[tilespmem:$0x1D000] =	vst v63  }
0x9b: {  	_ =	swait.ge [sflag:s16], $0x4000  }
0x9c: {  	[sflag:s16] =	ssyncset.done $0x0  }
0x9d: {  	[sflag:s16] =	ssyncadd.s32 $0xFFFFC000  }
0x9e: {  	[spmem:s2] =	stream.indirect.scatter.add.f32 [tilespmem:s14], [sflag:$0x3], $0x80, s31, s12, $0xb8;
	[tilespmem:$0x1D000] =	vst v63  }
0x9f: {  	_ =	swait.ge [sflag:s10], $0x4000  }
0xa0: {  	[sflag:s10] =	ssyncset.done $0x0  }
0xa1: {  	[sflag:s10] =	ssyncadd.s32 $0xFFFFC000  }
0xa2: {  	[tilespmem:s14], [sflag:$0x2] =	stream.indirect.gather [hbm4b:s4+s12], $0x80, s1, s12, $0xb8;
	[tilespmem:$0x1D000] =	vst v63  }
0xa3: {  	_ =	swait.ge [sflag:s15], $0x4000  }
0xa4: {  	[sflag:s15] =	ssyncset.done $0x0  }
0xa5: {  	[sflag:s15] =	ssyncadd.s32 $0xFFFFC000  }
0xa6: {  	[spmem:s2] =	stream.indirect.scatter.add.f32 [tilespmem:s13], [sflag:$0x3], $0x80, s0, s12, $0xb8;
	[tilespmem:$0x1D000] =	vst v63  }
0xa7: {  	_ =	swait.ge [sflag:s10], $0x4000  }
0xa8: {  	[sflag:s10] =	ssyncset.done $0x0  }
0xa9: {  	[sflag:s10] =	ssyncadd.s32 $0xFFFFC000  }
0xaa: {  	_ =	swait.ge [sflag:s16], $0x4000  }
0xab: {  	[sflag:s16] =	ssyncset.done $0x0  }
0xac: {  	[sflag:s16] =	ssyncadd.s32 $0xFFFFC000  }
0xad: {  	[spmem:s2] =	stream.indirect.scatter.add.f32 [tilespmem:s14], [sflag:$0x3], $0x80, s5, s12, $0xb8;
	[tilespmem:$0x1D000] =	vst v63  }
0xae: {  	s6 =	simm.s32 $0x200;
	_ =	swait.ge [sflag:s10], $0x4000  }
0xaf: {  	s8 =	simm.s32 $0x100;
	s9 =	rddreg [dreg:$0x4];
	[sflag:s10] =	ssyncset.done $0x0  }
.LBB2_2:
0xb0: {  	[sflag:s10] =	ssyncadd.s32 $0xFFFFC000;
	s9 =	sadd.s32 s8, s9  }
0xb1: {  	[tilespmem:s3], [sflag:$0x3] =	stream.linear.gather [hbm4b:s9+s3], $0x800, $0x38;
	[tilespmem:$0x1D000] =	vst v63  }
0xb2: {  	_ =	swait.ge [sflag:s10], $0x800  }
0xb3: {  	s9 =	rddreg [dreg:$0x3];
	[sflag:s10] =	ssyncset.done $0x0  }
0xb4: {  	[sflag:s10] =	ssyncadd.s32 $0xFFFFF800;
	s9 =	sadd.s32 s8, s9  }
0xb5: {  	[tilespmem:s11], [sflag:$0x3] =	stream.linear.gather [hbm4b:s9+s3], $0x800, $0x38;
	[tilespmem:$0x1D000] =	vst v63  }
0xb6: {  	_ =	swait.ge [sflag:s10], $0x800  }
0xb7: {  	[sflag:s10] =	ssyncset.done $0x0  }
0xb8: {  	[sflag:s10] =	ssyncadd.s32 $0xFFFFF800  }
0xb9: {  	[tilespmem:s13], [sflag:$0x1] =	stream.indirect.gather [hbm4b:s4+s12], $0x80, s3, s12, $0xb8;
	[tilespmem:$0x1D000] =	vst v63  }
0xba: {  	_ = 	snop  }
0xbb: {  	[tilespmem:s14], [sflag:$0x2] =	stream.indirect.gather [hbm4b:s4+s12], $0x80, s12, s12, $0xb8;
	[tilespmem:$0x1D000] =	vst v63  }
0xbc: {  	_ =	swait.ge [sflag:s15], $0x4000  }
0xbd: {  	[sflag:s15] =	ssyncset.done $0x0  }
0xbe: {  	[sflag:s15] =	ssyncadd.s32 $0xFFFFC000  }
0xbf: {  	[spmem:s2] =	stream.indirect.scatter.add.f32 [tilespmem:s13], [sflag:$0x3], $0x80, s11, s12, $0xb8;
	[tilespmem:$0x1D000] =	vst v63  }
0xc0: {  	_ =	swait.ge [sflag:s10], $0x4000  }
0xc1: {  	[sflag:s10] =	ssyncset.done $0x0  }
0xc2: {  	s9 =	rddreg [dreg:$0x5];
	[sflag:s10] =	ssyncadd.s32 $0xFFFFC000  }
0xc3: {  	[tilespmem:s13], [sflag:$0x1] =	stream.indirect.gather [hbm4b:s4+s12], $0x80, s9, s12, $0xb8;
	[tilespmem:$0x1D000] =	vst v63  }
0xc4: {  	_ =	swait.ge [sflag:s16], $0x4000  }
0xc5: {  	[sflag:s16] =	ssyncset.done $0x0  }
0xc6: {  	s9 =	rddreg [dreg:$0x6];
	[sflag:s16] =	ssyncadd.s32 $0xFFFFC000  }
0xc7: {  	[spmem:s2] =	stream.indirect.scatter.add.f32 [tilespmem:s14], [sflag:$0x3], $0x80, s9, s12, $0xb8;
	[tilespmem:$0x1D000] =	vst v63  }
0xc8: {  	_ =	swait.ge [sflag:s10], $0x4000  }
0xc9: {  	[sflag:s10] =	ssyncset.done $0x0  }
0xca: {  	s9 =	rddreg [dreg:$0x7];
	[sflag:s10] =	ssyncadd.s32 $0xFFFFC000  }
0xcb: {  	[tilespmem:s14], [sflag:$0x2] =	stream.indirect.gather [hbm4b:s4+s12], $0x80, s9, s12, $0xb8;
	[tilespmem:$0x1D000] =	vst v63  }
0xcc: {  	_ =	swait.ge [sflag:s15], $0x4000  }
0xcd: {  	[sflag:s15] =	ssyncset.done $0x0  }
0xce: {  	s9 =	rddreg [dreg:$0x8];
	[sflag:s15] =	ssyncadd.s32 $0xFFFFC000  }
0xcf: {  	[spmem:s2] =	stream.indirect.scatter.add.f32 [tilespmem:s13], [sflag:$0x3], $0x80, s9, s12, $0xb8;
	[tilespmem:$0x1D000] =	vst v63  }
0xd0: {  	_ =	swait.ge [sflag:s10], $0x4000  }
0xd1: {  	[sflag:s10] =	ssyncset.done $0x0  }
0xd2: {  	s9 =	rddreg [dreg:$0x9];
	[sflag:s10] =	ssyncadd.s32 $0xFFFFC000  }
0xd3: {  	[tilespmem:s13], [sflag:$0x1] =	stream.indirect.gather [hbm4b:s4+s12], $0x80, s9, s12, $0xb8;
	[tilespmem:$0x1D000] =	vst v63  }
0xd4: {  	_ =	swait.ge [sflag:s16], $0x4000  }
0xd5: {  	[sflag:s16] =	ssyncset.done $0x0  }
0xd6: {  	s9 =	rddreg [dreg:$0xa];
	[sflag:s16] =	ssyncadd.s32 $0xFFFFC000  }
0xd7: {  	[spmem:s2] =	stream.indirect.scatter.add.f32 [tilespmem:s14], [sflag:$0x3], $0x80, s9, s12, $0xb8;
	[tilespmem:$0x1D000] =	vst v63  }
0xd8: {  	_ =	swait.ge [sflag:s10], $0x4000  }
0xd9: {  	[sflag:s10] =	ssyncset.done $0x0  }
0xda: {  	s9 =	rddreg [dreg:$0xb];
	[sflag:s10] =	ssyncadd.s32 $0xFFFFC000  }
0xdb: {  	[tilespmem:s14], [sflag:$0x2] =	stream.indirect.gather [hbm4b:s4+s12], $0x80, s9, s12, $0xb8;
	[tilespmem:$0x1D000] =	vst v63  }
0xdc: {  	_ =	swait.ge [sflag:s15], $0x4000  }
0xdd: {  	[sflag:s15] =	ssyncset.done $0x0  }
0xde: {  	s9 =	rddreg [dreg:$0xc];
	[sflag:s15] =	ssyncadd.s32 $0xFFFFC000  }
0xdf: {  	[spmem:s2] =	stream.indirect.scatter.add.f32 [tilespmem:s13], [sflag:$0x3], $0x80, s9, s12, $0xb8;
	[tilespmem:$0x1D000] =	vst v63  }
0xe0: {  	_ =	swait.ge [sflag:s10], $0x4000  }
0xe1: {  	[sflag:s10] =	ssyncset.done $0x0  }
0xe2: {  	s9 =	rddreg [dreg:$0xd];
	[sflag:s10] =	ssyncadd.s32 $0xFFFFC000  }
0xe3: {  	[tilespmem:s13], [sflag:$0x1] =	stream.indirect.gather [hbm4b:s4+s12], $0x80, s9, s12, $0xb8;
	[tilespmem:$0x1D000] =	vst v63  }
0xe4: {  	_ =	swait.ge [sflag:s16], $0x4000  }
0xe5: {  	[sflag:s16] =	ssyncset.done $0x0  }
0xe6: {  	s9 =	rddreg [dreg:$0xe];
	[sflag:s16] =	ssyncadd.s32 $0xFFFFC000  }
0xe7: {  	[spmem:s2] =	stream.indirect.scatter.add.f32 [tilespmem:s14], [sflag:$0x3], $0x80, s9, s12, $0xb8;
	[tilespmem:$0x1D000] =	vst v63  }
0xe8: {  	_ =	swait.ge [sflag:s10], $0x4000  }
0xe9: {  	[sflag:s10] =	ssyncset.done $0x0  }
0xea: {  	s9 =	rddreg [dreg:$0xf];
	[sflag:s10] =	ssyncadd.s32 $0xFFFFC000  }
0xeb: {  	[tilespmem:s14], [sflag:$0x2] =	stream.indirect.gather [hbm4b:s4+s12], $0x80, s9, s12, $0xb8;
	[tilespmem:$0x1D000] =	vst v63  }
0xec: {  	_ =	swait.ge [sflag:s15], $0x4000  }
0xed: {  	[sflag:s15] =	ssyncset.done $0x0  }
0xee: {  	s9 =	rddreg [dreg:$0x10];
	[sflag:s15] =	ssyncadd.s32 $0xFFFFC000  }
0xef: {  	[spmem:s2] =	stream.indirect.scatter.add.f32 [tilespmem:s13], [sflag:$0x3], $0x80, s9, s12, $0xb8;
	[tilespmem:$0x1D000] =	vst v63  }
0xf0: {  	_ =	swait.ge [sflag:s10], $0x4000  }
0xf1: {  	[sflag:s10] =	ssyncset.done $0x0  }
0xf2: {  	[sflag:s10] =	ssyncadd.s32 $0xFFFFC000  }
0xf3: {  	[tilespmem:s13], [sflag:$0x1] =	stream.indirect.gather [hbm4b:s4+s12], $0x80, s17, s12, $0xb8;
	[tilespmem:$0x1D000] =	vst v63  }
0xf4: {  	_ =	swait.ge [sflag:s16], $0x4000  }
0xf5: {  	[sflag:s16] =	ssyncset.done $0x0  }
0xf6: {  	[sflag:s16] =	ssyncadd.s32 $0xFFFFC000  }
0xf7: {  	[spmem:s2] =	stream.indirect.scatter.add.f32 [tilespmem:s14], [sflag:$0x3], $0x80, s18, s12, $0xb8;
	[tilespmem:$0x1D000] =	vst v63  }
0xf8: {  	_ =	swait.ge [sflag:s10], $0x4000  }
0xf9: {  	[sflag:s10] =	ssyncset.done $0x0  }
0xfa: {  	[sflag:s10] =	ssyncadd.s32 $0xFFFFC000  }
0xfb: {  	[tilespmem:s14], [sflag:$0x2] =	stream.indirect.gather [hbm4b:s4+s12], $0x80, s19, s12, $0xb8;
	[tilespmem:$0x1D000] =	vst v63  }
0xfc: {  	_ =	swait.ge [sflag:s15], $0x4000  }
0xfd: {  	[sflag:s15] =	ssyncset.done $0x0  }
0xfe: {  	[sflag:s15] =	ssyncadd.s32 $0xFFFFC000  }
0xff: {  	[spmem:s2] =	stream.indirect.scatter.add.f32 [tilespmem:s13], [sflag:$0x3], $0x80, s20, s12, $0xb8;
	[tilespmem:$0x1D000] =	vst v63  }
0x100: {  	_ =	swait.ge [sflag:s10], $0x4000  }
0x101: {  	[sflag:s10] =	ssyncset.done $0x0  }
0x102: {  	[sflag:s10] =	ssyncadd.s32 $0xFFFFC000  }
0x103: {  	[tilespmem:s13], [sflag:$0x1] =	stream.indirect.gather [hbm4b:s4+s12], $0x80, s21, s12, $0xb8;
	[tilespmem:$0x1D000] =	vst v63  }
0x104: {  	_ =	swait.ge [sflag:s16], $0x4000  }
0x105: {  	[sflag:s16] =	ssyncset.done $0x0  }
0x106: {  	[sflag:s16] =	ssyncadd.s32 $0xFFFFC000  }
0x107: {  	[spmem:s2] =	stream.indirect.scatter.add.f32 [tilespmem:s14], [sflag:$0x3], $0x80, s22, s12, $0xb8;
	[tilespmem:$0x1D000] =	vst v63  }
0x108: {  	_ =	swait.ge [sflag:s10], $0x4000  }
0x109: {  	[sflag:s10] =	ssyncset.done $0x0  }
0x10a: {  	[sflag:s10] =	ssyncadd.s32 $0xFFFFC000  }
0x10b: {  	[tilespmem:s14], [sflag:$0x2] =	stream.indirect.gather [hbm4b:s4+s12], $0x80, s23, s12, $0xb8;
	[tilespmem:$0x1D000] =	vst v63  }
0x10c: {  	_ =	swait.ge [sflag:s15], $0x4000  }
0x10d: {  	[sflag:s15] =	ssyncset.done $0x0  }
0x10e: {  	[sflag:s15] =	ssyncadd.s32 $0xFFFFC000  }
0x10f: {  	[spmem:s2] =	stream.indirect.scatter.add.f32 [tilespmem:s13], [sflag:$0x3], $0x80, s24, s12, $0xb8;
	[tilespmem:$0x1D000] =	vst v63  }
0x110: {  	_ =	swait.ge [sflag:s10], $0x4000  }
0x111: {  	[sflag:s10] =	ssyncset.done $0x0  }
0x112: {  	[sflag:s10] =	ssyncadd.s32 $0xFFFFC000  }
0x113: {  	[tilespmem:s13], [sflag:$0x1] =	stream.indirect.gather [hbm4b:s4+s12], $0x80, s25, s12, $0xb8;
	[tilespmem:$0x1D000] =	vst v63  }
0x114: {  	_ =	swait.ge [sflag:s16], $0x4000  }
0x115: {  	[sflag:s16] =	ssyncset.done $0x0  }
0x116: {  	[sflag:s16] =	ssyncadd.s32 $0xFFFFC000  }
0x117: {  	[spmem:s2] =	stream.indirect.scatter.add.f32 [tilespmem:s14], [sflag:$0x3], $0x80, s26, s12, $0xb8;
	[tilespmem:$0x1D000] =	vst v63  }
0x118: {  	_ =	swait.ge [sflag:s10], $0x4000  }
0x119: {  	[sflag:s10] =	ssyncset.done $0x0  }
0x11a: {  	[sflag:s10] =	ssyncadd.s32 $0xFFFFC000  }
0x11b: {  	[tilespmem:s14], [sflag:$0x2] =	stream.indirect.gather [hbm4b:s4+s12], $0x80, s28, s12, $0xb8;
	[tilespmem:$0x1D000] =	vst v63  }
0x11c: {  	_ =	swait.ge [sflag:s15], $0x4000  }
0x11d: {  	[sflag:s15] =	ssyncset.done $0x0  }
0x11e: {  	[sflag:s15] =	ssyncadd.s32 $0xFFFFC000  }
0x11f: {  	[spmem:s2] =	stream.indirect.scatter.add.f32 [tilespmem:s13], [sflag:$0x3], $0x80, s29, s12, $0xb8;
	[tilespmem:$0x1D000] =	vst v63  }
0x120: {  	_ =	swait.ge [sflag:s10], $0x4000  }
0x121: {  	[sflag:s10] =	ssyncset.done $0x0  }
0x122: {  	[sflag:s10] =	ssyncadd.s32 $0xFFFFC000  }
0x123: {  	[tilespmem:s13], [sflag:$0x1] =	stream.indirect.gather [hbm4b:s4+s12], $0x80, s30, s12, $0xb8;
	[tilespmem:$0x1D000] =	vst v63  }
0x124: {  	_ =	swait.ge [sflag:s16], $0x4000  }
0x125: {  	[sflag:s16] =	ssyncset.done $0x0  }
0x126: {  	[sflag:s16] =	ssyncadd.s32 $0xFFFFC000  }
0x127: {  	[spmem:s2] =	stream.indirect.scatter.add.f32 [tilespmem:s14], [sflag:$0x3], $0x80, s31, s12, $0xb8;
	[tilespmem:$0x1D000] =	vst v63  }
0x128: {  	_ =	swait.ge [sflag:s10], $0x4000  }
0x129: {  	[sflag:s10] =	ssyncset.done $0x0  }
0x12a: {  	[sflag:s10] =	ssyncadd.s32 $0xFFFFC000  }
0x12b: {  	[tilespmem:s14], [sflag:$0x2] =	stream.indirect.gather [hbm4b:s4+s12], $0x80, s1, s12, $0xb8;
	[tilespmem:$0x1D000] =	vst v63  }
0x12c: {  	_ =	swait.ge [sflag:s15], $0x4000  }
0x12d: {  	[sflag:s15] =	ssyncset.done $0x0  }
0x12e: {  	[sflag:s15] =	ssyncadd.s32 $0xFFFFC000  }
0x12f: {  	[spmem:s2] =	stream.indirect.scatter.add.f32 [tilespmem:s13], [sflag:$0x3], $0x80, s0, s12, $0xb8;
	[tilespmem:$0x1D000] =	vst v63  }
0x130: {  	_ =	swait.ge [sflag:s10], $0x4000  }
0x131: {  	[sflag:s10] =	ssyncset.done $0x0  }
0x132: {  	[sflag:s10] =	ssyncadd.s32 $0xFFFFC000  }
0x133: {  	p0 =	sne.s32 s6, $0x400;
	_ =	swait.ge [sflag:s16], $0x4000  }
.Ltmp0:
0x134: {  	[sflag:s16] =	ssyncset.done $0x0;
	(pc) =	sbr.rel @p0 .LBB2_2-.Ltmp0, $4  }
0x135: {  	[sflag:s16] =	ssyncadd.s32 $0xFFFFC000  }
0x136: {  	[spmem:s2] =	stream.indirect.scatter.add.f32 [tilespmem:s14], [sflag:$0x3], $0x80, s5, s12, $0xb8;
	[tilespmem:$0x1D000] =	vst v63  }
0x137: {  	s7 =	smov.u32 s6;
	s6 =	sadd.s32 $0x100, s6;
	_ =	swait.ge [sflag:s10], $0x4000  }
0x138: {  	s8 =	smov.u32 s7;
	s9 =	rddreg [dreg:$0x4];
	[sflag:s10] =	ssyncset.done $0x0  }
0x139: {  	[sflag:s10] =	ssyncadd.s32 $0xFFFFC000;
	s6 =	sadd.s32 s8, s9  }
0x13a: {  	[tilespmem:s3], [sflag:$0x3] =	stream.linear.gather [hbm4b:s6+s3], $0x800, $0x38;
	[tilespmem:$0x1D000] =	vst v63  }
0x13b: {  	_ =	swait.ge [sflag:s10], $0x800  }
0x13c: {  	s7 =	rddreg [dreg:$0x3];
	[sflag:s10] =	ssyncset.done $0x0  }
0x13d: {  	s6 =	sadd.s32 s8, s7;
	[sflag:s10] =	ssyncadd.s32 $0xFFFFF800  }
0x13e: {  	[tilespmem:s11], [sflag:$0x3] =	stream.linear.gather [hbm4b:s6+s3], $0x800, $0x38;
	[tilespmem:$0x1D000] =	vst v63  }
0x13f: {  	_ =	swait.ge [sflag:s10], $0x800  }
0x140: {  	[sflag:s10] =	ssyncset.done $0x0  }
0x141: {  	[sflag:s10] =	ssyncadd.s32 $0xFFFFF800  }
0x142: {  	[tilespmem:s13], [sflag:$0x1] =	stream.indirect.gather [hbm4b:s4+s12], $0x80, s3, s12, $0xb8;
	[tilespmem:$0x1D000] =	vst v63  }
0x143: {  	_ = 	snop  }
0x144: {  	[tilespmem:s14], [sflag:$0x2] =	stream.indirect.gather [hbm4b:s4+s12], $0x80, s12, s12, $0xb8;
	[tilespmem:$0x1D000] =	vst v63  }
0x145: {  	_ =	swait.ge [sflag:s15], $0x4000  }
0x146: {  	[sflag:s15] =	ssyncset.done $0x0  }
0x147: {  	[sflag:s15] =	ssyncadd.s32 $0xFFFFC000  }
0x148: {  	[spmem:s2] =	stream.indirect.scatter.add.f32 [tilespmem:s13], [sflag:$0x3], $0x80, s11, s12, $0xb8;
	[tilespmem:$0x1D000] =	vst v63  }
0x149: {  	_ =	swait.ge [sflag:s10], $0x4000  }
0x14a: {  	[sflag:s10] =	ssyncset.done $0x0  }
0x14b: {  	s9 =	rddreg [dreg:$0x5];
	[sflag:s10] =	ssyncadd.s32 $0xFFFFC000  }
0x14c: {  	[tilespmem:s13], [sflag:$0x1] =	stream.indirect.gather [hbm4b:s4+s12], $0x80, s9, s12, $0xb8;
	[tilespmem:$0x1D000] =	vst v63  }
0x14d: {  	_ =	swait.ge [sflag:s16], $0x4000  }
0x14e: {  	[sflag:s16] =	ssyncset.done $0x0  }
0x14f: {  	s7 =	rddreg [dreg:$0x6];
	[sflag:s16] =	ssyncadd.s32 $0xFFFFC000  }
0x150: {  	[spmem:s2] =	stream.indirect.scatter.add.f32 [tilespmem:s14], [sflag:$0x3], $0x80, s7, s12, $0xb8;
	[tilespmem:$0x1D000] =	vst v63  }
0x151: {  	_ =	swait.ge [sflag:s10], $0x4000  }
0x152: {  	[sflag:s10] =	ssyncset.done $0x0  }
0x153: {  	s8 =	rddreg [dreg:$0x7];
	[sflag:s10] =	ssyncadd.s32 $0xFFFFC000  }
0x154: {  	[tilespmem:s14], [sflag:$0x2] =	stream.indirect.gather [hbm4b:s4+s12], $0x80, s8, s12, $0xb8;
	[tilespmem:$0x1D000] =	vst v63  }
0x155: {  	_ =	swait.ge [sflag:s15], $0x4000  }
0x156: {  	[sflag:s15] =	ssyncset.done $0x0  }
0x157: {  	s9 =	rddreg [dreg:$0x8];
	[sflag:s15] =	ssyncadd.s32 $0xFFFFC000  }
0x158: {  	[spmem:s2] =	stream.indirect.scatter.add.f32 [tilespmem:s13], [sflag:$0x3], $0x80, s9, s12, $0xb8;
	[tilespmem:$0x1D000] =	vst v63  }
0x159: {  	_ =	swait.ge [sflag:s10], $0x4000  }
0x15a: {  	[sflag:s10] =	ssyncset.done $0x0  }
0x15b: {  	s7 =	rddreg [dreg:$0x9];
	[sflag:s10] =	ssyncadd.s32 $0xFFFFC000  }
0x15c: {  	[tilespmem:s13], [sflag:$0x1] =	stream.indirect.gather [hbm4b:s4+s12], $0x80, s7, s12, $0xb8;
	[tilespmem:$0x1D000] =	vst v63  }
0x15d: {  	_ =	swait.ge [sflag:s16], $0x4000  }
0x15e: {  	[sflag:s16] =	ssyncset.done $0x0  }
0x15f: {  	s8 =	rddreg [dreg:$0xa];
	[sflag:s16] =	ssyncadd.s32 $0xFFFFC000  }
0x160: {  	[spmem:s2] =	stream.indirect.scatter.add.f32 [tilespmem:s14], [sflag:$0x3], $0x80, s8, s12, $0xb8;
	[tilespmem:$0x1D000] =	vst v63  }
0x161: {  	_ =	swait.ge [sflag:s10], $0x4000  }
0x162: {  	[sflag:s10] =	ssyncset.done $0x0  }
0x163: {  	s9 =	rddreg [dreg:$0xb];
	[sflag:s10] =	ssyncadd.s32 $0xFFFFC000  }
0x164: {  	[tilespmem:s14], [sflag:$0x2] =	stream.indirect.gather [hbm4b:s4+s12], $0x80, s9, s12, $0xb8;
	[tilespmem:$0x1D000] =	vst v63  }
0x165: {  	_ =	swait.ge [sflag:s15], $0x4000  }
0x166: {  	[sflag:s15] =	ssyncset.done $0x0  }
0x167: {  	s7 =	rddreg [dreg:$0xc];
	[sflag:s15] =	ssyncadd.s32 $0xFFFFC000  }
0x168: {  	[spmem:s2] =	stream.indirect.scatter.add.f32 [tilespmem:s13], [sflag:$0x3], $0x80, s7, s12, $0xb8;
	[tilespmem:$0x1D000] =	vst v63  }
0x169: {  	_ =	swait.ge [sflag:s10], $0x4000  }
0x16a: {  	[sflag:s10] =	ssyncset.done $0x0  }
0x16b: {  	s8 =	rddreg [dreg:$0xd];
	[sflag:s10] =	ssyncadd.s32 $0xFFFFC000  }
0x16c: {  	[tilespmem:s13], [sflag:$0x1] =	stream.indirect.gather [hbm4b:s4+s12], $0x80, s8, s12, $0xb8;
	[tilespmem:$0x1D000] =	vst v63  }
0x16d: {  	_ =	swait.ge [sflag:s16], $0x4000  }
0x16e: {  	[sflag:s16] =	ssyncset.done $0x0  }
0x16f: {  	s9 =	rddreg [dreg:$0xe];
	[sflag:s16] =	ssyncadd.s32 $0xFFFFC000  }
0x170: {  	[spmem:s2] =	stream.indirect.scatter.add.f32 [tilespmem:s14], [sflag:$0x3], $0x80, s9, s12, $0xb8;
	[tilespmem:$0x1D000] =	vst v63  }
0x171: {  	_ =	swait.ge [sflag:s10], $0x4000  }
0x172: {  	[sflag:s10] =	ssyncset.done $0x0  }
0x173: {  	s7 =	rddreg [dreg:$0xf];
	[sflag:s10] =	ssyncadd.s32 $0xFFFFC000  }
0x174: {  	[tilespmem:s14], [sflag:$0x2] =	stream.indirect.gather [hbm4b:s4+s12], $0x80, s7, s12, $0xb8;
	[tilespmem:$0x1D000] =	vst v63  }
0x175: {  	_ =	swait.ge [sflag:s15], $0x4000  }
0x176: {  	[sflag:s15] =	ssyncset.done $0x0  }
0x177: {  	s8 =	rddreg [dreg:$0x10];
	[sflag:s15] =	ssyncadd.s32 $0xFFFFC000  }
0x178: {  	[spmem:s2] =	stream.indirect.scatter.add.f32 [tilespmem:s13], [sflag:$0x3], $0x80, s8, s12, $0xb8;
	[tilespmem:$0x1D000] =	vst v63  }
0x179: {  	_ =	swait.ge [sflag:s10], $0x4000  }
0x17a: {  	[sflag:s10] =	ssyncset.done $0x0  }
0x17b: {  	[sflag:s10] =	ssyncadd.s32 $0xFFFFC000  }
0x17c: {  	[tilespmem:s13], [sflag:$0x1] =	stream.indirect.gather [hbm4b:s4+s12], $0x80, s17, s12, $0xb8;
	[tilespmem:$0x1D000] =	vst v63  }
0x17d: {  	_ =	swait.ge [sflag:s16], $0x4000  }
0x17e: {  	[sflag:s16] =	ssyncset.done $0x0  }
0x17f: {  	[sflag:s16] =	ssyncadd.s32 $0xFFFFC000  }
0x180: {  	[spmem:s2] =	stream.indirect.scatter.add.f32 [tilespmem:s14], [sflag:$0x3], $0x80, s18, s12, $0xb8;
	[tilespmem:$0x1D000] =	vst v63  }
0x181: {  	_ =	swait.ge [sflag:s10], $0x4000  }
0x182: {  	[sflag:s10] =	ssyncset.done $0x0  }
0x183: {  	[sflag:s10] =	ssyncadd.s32 $0xFFFFC000  }
0x184: {  	[tilespmem:s14], [sflag:$0x2] =	stream.indirect.gather [hbm4b:s4+s12], $0x80, s19, s12, $0xb8;
	[tilespmem:$0x1D000] =	vst v63  }
0x185: {  	_ =	swait.ge [sflag:s15], $0x4000  }
0x186: {  	[sflag:s15] =	ssyncset.done $0x0  }
0x187: {  	[sflag:s15] =	ssyncadd.s32 $0xFFFFC000  }
0x188: {  	[spmem:s2] =	stream.indirect.scatter.add.f32 [tilespmem:s13], [sflag:$0x3], $0x80, s20, s12, $0xb8;
	[tilespmem:$0x1D000] =	vst v63  }
0x189: {  	_ =	swait.ge [sflag:s10], $0x4000  }
0x18a: {  	[sflag:s10] =	ssyncset.done $0x0  }
0x18b: {  	[sflag:s10] =	ssyncadd.s32 $0xFFFFC000  }
0x18c: {  	[tilespmem:s13], [sflag:$0x1] =	stream.indirect.gather [hbm4b:s4+s12], $0x80, s21, s12, $0xb8;
	[tilespmem:$0x1D000] =	vst v63  }
0x18d: {  	_ =	swait.ge [sflag:s16], $0x4000  }
0x18e: {  	[sflag:s16] =	ssyncset.done $0x0  }
0x18f: {  	[sflag:s16] =	ssyncadd.s32 $0xFFFFC000  }
0x190: {  	[spmem:s2] =	stream.indirect.scatter.add.f32 [tilespmem:s14], [sflag:$0x3], $0x80, s22, s12, $0xb8;
	[tilespmem:$0x1D000] =	vst v63  }
0x191: {  	_ =	swait.ge [sflag:s10], $0x4000  }
0x192: {  	[sflag:s10] =	ssyncset.done $0x0  }
0x193: {  	[sflag:s10] =	ssyncadd.s32 $0xFFFFC000  }
0x194: {  	[tilespmem:s14], [sflag:$0x2] =	stream.indirect.gather [hbm4b:s4+s12], $0x80, s23, s12, $0xb8;
	[tilespmem:$0x1D000] =	vst v63  }
0x195: {  	_ =	swait.ge [sflag:s15], $0x4000  }
0x196: {  	[sflag:s15] =	ssyncset.done $0x0  }
0x197: {  	[sflag:s15] =	ssyncadd.s32 $0xFFFFC000  }
0x198: {  	[spmem:s2] =	stream.indirect.scatter.add.f32 [tilespmem:s13], [sflag:$0x3], $0x80, s24, s12, $0xb8;
	[tilespmem:$0x1D000] =	vst v63  }
0x199: {  	_ =	swait.ge [sflag:s10], $0x4000  }
0x19a: {  	[sflag:s10] =	ssyncset.done $0x0  }
0x19b: {  	[sflag:s10] =	ssyncadd.s32 $0xFFFFC000  }
0x19c: {  	[tilespmem:s13], [sflag:$0x1] =	stream.indirect.gather [hbm4b:s4+s12], $0x80, s25, s12, $0xb8;
	[tilespmem:$0x1D000] =	vst v63  }
0x19d: {  	_ =	swait.ge [sflag:s16], $0x4000  }
0x19e: {  	[sflag:s16] =	ssyncset.done $0x0  }
0x19f: {  	[sflag:s16] =	ssyncadd.s32 $0xFFFFC000  }
0x1a0: {  	[spmem:s2] =	stream.indirect.scatter.add.f32 [tilespmem:s14], [sflag:$0x3], $0x80, s26, s12, $0xb8;
	[tilespmem:$0x1D000] =	vst v63  }
0x1a1: {  	_ =	swait.ge [sflag:s10], $0x4000  }
0x1a2: {  	[sflag:s10] =	ssyncset.done $0x0  }
0x1a3: {  	[sflag:s10] =	ssyncadd.s32 $0xFFFFC000  }
0x1a4: {  	[tilespmem:s14], [sflag:$0x2] =	stream.indirect.gather [hbm4b:s4+s12], $0x80, s28, s12, $0xb8;
	[tilespmem:$0x1D000] =	vst v63  }
0x1a5: {  	_ =	swait.ge [sflag:s15], $0x4000  }
0x1a6: {  	[sflag:s15] =	ssyncset.done $0x0  }
0x1a7: {  	[sflag:s15] =	ssyncadd.s32 $0xFFFFC000  }
0x1a8: {  	[spmem:s2] =	stream.indirect.scatter.add.f32 [tilespmem:s13], [sflag:$0x3], $0x80, s29, s12, $0xb8;
	[tilespmem:$0x1D000] =	vst v63  }
0x1a9: {  	_ =	swait.ge [sflag:s10], $0x4000  }
0x1aa: {  	[sflag:s10] =	ssyncset.done $0x0  }
0x1ab: {  	[sflag:s10] =	ssyncadd.s32 $0xFFFFC000  }
0x1ac: {  	[tilespmem:s13], [sflag:$0x1] =	stream.indirect.gather [hbm4b:s4+s12], $0x80, s30, s12, $0xb8;
	[tilespmem:$0x1D000] =	vst v63  }
0x1ad: {  	_ =	swait.ge [sflag:s16], $0x4000  }
0x1ae: {  	[sflag:s16] =	ssyncset.done $0x0  }
0x1af: {  	[sflag:s16] =	ssyncadd.s32 $0xFFFFC000  }
0x1b0: {  	[spmem:s2] =	stream.indirect.scatter.add.f32 [tilespmem:s14], [sflag:$0x3], $0x80, s31, s12, $0xb8;
	[tilespmem:$0x1D000] =	vst v63  }
0x1b1: {  	_ =	swait.ge [sflag:s10], $0x4000  }
0x1b2: {  	[sflag:s10] =	ssyncset.done $0x0  }
0x1b3: {  	[sflag:s10] =	ssyncadd.s32 $0xFFFFC000  }
0x1b4: {  	[tilespmem:s14], [sflag:$0x2] =	stream.indirect.gather [hbm4b:s4+s12], $0x80, s1, s12, $0xb8;
	[tilespmem:$0x1D000] =	vst v63  }
0x1b5: {  	_ =	swait.ge [sflag:s15], $0x4000  }
0x1b6: {  	[sflag:s15] =	ssyncset.done $0x0  }
0x1b7: {  	[sflag:s15] =	ssyncadd.s32 $0xFFFFC000  }
0x1b8: {  	[spmem:s2] =	stream.indirect.scatter.add.f32 [tilespmem:s13], [sflag:$0x3], $0x80, s0, s12, $0xb8;
	[tilespmem:$0x1D000] =	vst v63  }
0x1b9: {  	_ =	swait.ge [sflag:s10], $0x4000  }
0x1ba: {  	[sflag:s10] =	ssyncset.done $0x0  }
0x1bb: {  	[sflag:s10] =	ssyncadd.s32 $0xFFFFC000  }
0x1bc: {  	_ =	swait.ge [sflag:s16], $0x4000  }
0x1bd: {  	[sflag:s16] =	ssyncset.done $0x0  }
0x1be: {  	[sflag:s16] =	ssyncadd.s32 $0xFFFFC000  }
0x1bf: {  	[spmem:s2] =	stream.indirect.scatter.add.f32 [tilespmem:s14], [sflag:$0x3], $0x80, s5, s12, $0xb8;
	[tilespmem:$0x1D000] =	vst v63  }
0x1c0: {  	_ =	swait.ge [sflag:s10], $0x4000  }
0x1c1: {  	[sflag:s10] =	ssyncset.done $0x0  }
0x1c2: {  	[sflag:s10] =	ssyncadd.s32 $0xFFFFC000  }
0x1c3: {  	[bflag:$0x0] =	sbarrier.arrive $0xFFFF  }
0x1c4: {  	s7 =	rddreg [dreg:$0x12]  }
0x1c5: {  	s9 =	rddreg [dreg:$0x13]  }
0x1c6: {  	s8 =	rddreg [dreg:$0x15]  }
0x1c7: {  	[hbm:s9], [sflag:s7] =	dma.local [spmem:s8], $0x2800  }
0x1c8: {  	_ =	swait.ge [sflag:s10], $0x2800  }
0x1c9: {  	s6 =	rddreg [dreg:$0x16]  }
0x1ca: {  	s9 =	sadd.s32 $0x1, s6;
	s6 =	rddreg [dreg:$0x14]  }
0x1cb: {  	p0 =	sne.s32 s9, s6  }
.Ltmp1:
0x1cc: {  	_ = 	snop;
	(pc) =	sbr.rel @p0 .LBB2_1-.Ltmp1, $3  }
0x1cd: {  	_ =	sdelay $0x1  }
0x1ce: {  	[sflag:s10] =	ssyncset.done $0x0  }
0x1cf: {  	[sflag:s10] =	ssyncadd.s32 $0xFFFFD800  }
0x1d0: {  	_ =	sfence.sel $0x180000  }
0x1d1: {  	[bflag:$0x0] =	sbarrier.arrive $0xFFFF  }
0x1d2: {  	_ =	strace $0x9000004A  }
0x1d3: {  	s0 =	stileid.u32;
	[bflag:$0x2] =	sbarrier.arrive $0xFFFF  }
0x1d4: {  	p0 =	sne.s32 s0, $0x0;
	s0 =	rddreg [dreg:$0x2]  }
0x1d5: {  	s0 =	sadd.s32 @!p0 $0x100000, s0  }
0x1d6: {  	[sflag:s0] =	ssyncadd.tile.s32 @!p0 $0x1;
	_ =	shalt  }
.Lfunc_end2:
_tile_overlayer_lowered:
.L_overlay_start_2:
0x1d7: {  	(tag) =	ssettag $0x2  }
0x1d8: {  	s0 =	rddreg [dreg:$0x0];
	s2 =	stileid.u32  }
0x1d9: {  	s1 =	rddreg [dreg:$0x1];
	p0 =	sne.s32 s2, $0x0  }
0x1da: {  	s3 =	rddreg [dreg:$0x2];
	[bflag:$0x3] =	sbarrier.arrive $0xFFFF;
	s2 =	simm.s32 @!p0 $0x1C03  }
0x1db: {  	[timem:s3], [sflag:s2] =	dma.local @!p0 [hbm:s0], s1  }
0x1dc: {  	s0 =	simm.s32 @!p0 $0x3  }
0x1dd: {  	_ =	swait.ge @!p0 [sflag:s0], s1  }
0x1de: {  	s1 =	ssub.s32 @!p0 $0x0, s1;
	[sflag:s0] =	ssyncset.done @!p0 $0x0  }
0x1df: {  	[sflag:s0] =	ssyncadd.s32 @!p0 s1  }
0x1e0: {  	[bflag:$0x3] =	sbarrier.arrive $0xFFFF  }
0x1e1: {  	_ =	shalt  }

// kernel: kernel.15.cloned.1.call-start
scs
__scs_entry_jumppad:
0x0: {  	(pc) =	sbr.rel $0x88, $3  }
0x1: {  	(tag) =	ssettag $0x0;
	lr =	simm.s32 $0x1  }
0x2: {  	[smem:$0x3F93] =	sst lr;
	_ =	strace $0xD0000000  }
0x3: {  	_ = 	snop  }
0x4: {  	_ = 	snop  }
0x5: {  	_ = 	snop  }
0x6: {  	_ = 	snop  }
0x7: {  	_ = 	snop  }
__scs_overlays_trampoline_lowered:
0x8: {  	[smem:$0x3FA2] =	sst s0  }
0x9: {  	[smem:$0x3FA3] =	sst s1  }
0xa: {  	[smem:$0x3FA4] =	sst s2  }
0xb: {  	[smem:$0x3FA5] =	sst s3  }
0xc: {  	[smem:$0x3FA6] =	sst s4  }
0xd: {  	[smem:$0x3FA7] =	sst s5  }
0xe: {  	[smem:$0x3FA8] =	sst s6  }
0xf: {  	[smem:$0x3FA9] =	sst s7  }
0x10: {  	[smem:$0x3FAA] =	sst s8  }
0x11: {  	[smem:$0x3FAB] =	sst s9;
	s0 =	simm.s32 @!p0 $0x0  }
0x12: {  	s1 =	sld [smem:$0x3F91];
	s0 =	simm.s32 @p0 $0x1  }
0x13: {  	[smem:$0x3FAC] =	sst s0;
	s0 =	simm.s32 @!p1 $0x0  }
0x14: {  	s2 =	sld [smem:$0x3F90];
	s0 =	simm.s32 @p1 $0x1  }
0x15: {  	[smem:$0x3FAD] =	sst s0;
	s0 =	simm.s32 @!p2 $0x0  }
0x16: {  	s3 =	sld [smem:$0x3FDB];
	s0 =	simm.s32 @p2 $0x1  }
0x17: {  	s4 =	simm.s32 $0x1BF5;
	[smem:$0x3FAF] =	sst s0  }
0x18: {  	s0 =	sld [smem:$0x3F92];
	_ =	swait.ge [sflag:s4], $0x0  }
0x19: {  	s7 =	sld [smem:$0x3F93]  }
0x1a: {  	s8 =	sadd.s32 $0xFFFFE003, lr  }
0x1b: {  	s9 =	sadd.s32 $0xFFFFFEF7, lr;
	s5 =	simm.s32 $0xFFFFFFFF;
	p2 =	slt.u32 s8, $0xFFFFF086  }
0x1c: {  	p1 =	slt.u32 s9, $0xF7A;
	s5 =	simm.s32 @!p2 $0x0  }
0x1d: {  	s5 =	simm.s32 @p1 $0x1;
	p0 =	seq.s32 s7, s2  }
0x1e: {  	s7 =	smul.u32 @!p0 $0xF7A, s2;
	p2 =	seq.s32 @!p0 s5, $0x0  }
0x1f: {  	s9 =	smul.u32 $0xF7A, s1;
	s8 =	simm.s32 @!p0 $0x1BF5;
	p2 =	por !p2, p0  }
0x20: {  	[sflag:s8] =	ssyncset.s32 @!p0 $0xFFFFF086;
	s6 =	sadd.s32 @!p0 s3, s7;
	s7 =	simm.s32 @!p0 $0x108  }
0x21: {  	s3 =	sadd.s32 s3, s9;
	s6 =	sadd.s32 @!p0 $0x88, s6;
	s7 =	simm.s32 @p2 $0x1082  }
0x22: {  	[simem:s7], [sflag:s8] =	dma.local @!p0 [hbm:s6], $0xF7A  }
0x23: {  	s9 =	sor.u32 $0xD0000000, s2;
	s6 =	simm.s32 $0x108;
	_ =	swait.ge @!p0 [sflag:s8], $0x0  }
0x24: {  	s3 =	sadd.s32 $0x88, s3;
	s6 =	simm.s32 @!p1 $0x1082;
	[sflag:s4] =	ssyncset.s32 $0xFFFFF086  }
0x25: {  	[simem:s6], [sflag:s4] =	dma.local [hbm:s3], $0xF7A  }
0x26: {  	[smem:$0x3F93] =	sst s1;
	(tag) =	ssettag s2;
	_ =	strace s9  }
0x27: {  	s1 =	sld [smem:$0x3FA3]  }
0x28: {  	s2 =	sld [smem:$0x3FA4]  }
0x29: {  	s4 =	sld [smem:$0x3FA6]  }
0x2a: {  	p0 =	seq.s32 s5, $0x0;
	s5 =	sld [smem:$0x3FA7]  }
0x2b: {  	s6 =	sld [smem:$0x3FA8]  }
0x2c: {  	s7 =	sld [smem:$0x3FA9]  }
0x2d: {  	s3 =	simm.s32 $0x108;
	s8 =	sld [smem:$0x3FAA]  }
0x2e: {  	s3 =	simm.s32 @!p0 $0x1082;
	s9 =	sld [smem:$0x3FAB]  }
0x2f: {  	lr =	sadd.s32 s0, s3;
	s0 =	sld [smem:$0x3FA2]  }
0x30: {  	s3 =	sld [smem:$0x3FA5]  }
0x31: {  	[smem:$0x3FAE] =	sst s10  }
0x32: {  	s10 =	sld [smem:$0x3FAC];
	_ =	sdelay $0x3  }
0x33: {  	p0 =	seq.s32 s10, $0x1;
	s10 =	sld [smem:$0x3FAE];
	_ =	sdelay $0x3  }
0x34: {  	[smem:$0x3FAE] =	sst s10  }
0x35: {  	s10 =	sld [smem:$0x3FAD];
	_ =	sdelay $0x3  }
0x36: {  	p1 =	seq.s32 s10, $0x1;
	s10 =	sld [smem:$0x3FAE];
	_ =	sdelay $0x3  }
0x37: {  	[smem:$0x3FAE] =	sst s10  }
0x38: {  	s10 =	sld [smem:$0x3FAF]  }
0x39: {  	_ = 	snop;
	(pc) =	sbr.ind lr, $3  }
0x3a: {  	_ = 	snop  }
0x3b: {  	_ = 	snop  }
0x3c: {  	p2 =	seq.s32 s10, $0x1;
	s10 =	sld [smem:$0x3FAE]  }
0x3d: {  	_ =	shalt  }
0x3e: {  	_ =	shalt  }
0x3f: {  	_ =	shalt  }
0x40: {  	_ =	shalt  }
0x41: {  	_ =	shalt  }
0x42: {  	_ =	shalt  }
0x43: {  	_ =	shalt  }
0x44: {  	_ =	shalt  }
0x45: {  	_ =	shalt  }
0x46: {  	_ =	shalt  }
0x47: {  	_ =	shalt  }
0x48: {  	_ =	shalt  }
0x49: {  	_ =	shalt  }
0x4a: {  	_ =	shalt  }
0x4b: {  	_ =	shalt  }
0x4c: {  	_ =	shalt  }
0x4d: {  	_ =	shalt  }
0x4e: {  	_ =	shalt  }
0x4f: {  	_ =	shalt  }
0x50: {  	_ =	shalt  }
0x51: {  	_ =	shalt  }
0x52: {  	_ =	shalt  }
0x53: {  	_ =	shalt  }
0x54: {  	_ =	shalt  }
0x55: {  	_ =	shalt  }
0x56: {  	_ =	shalt  }
0x57: {  	_ =	shalt  }
0x58: {  	_ =	shalt  }
0x59: {  	_ =	shalt  }
0x5a: {  	_ =	shalt  }
0x5b: {  	_ =	shalt  }
0x5c: {  	_ =	shalt  }
0x5d: {  	_ =	shalt  }
0x5e: {  	_ =	shalt  }
0x5f: {  	_ =	shalt  }
0x60: {  	_ =	shalt  }
0x61: {  	_ =	shalt  }
0x62: {  	_ =	shalt  }
0x63: {  	_ =	shalt  }
0x64: {  	_ =	shalt  }
0x65: {  	_ =	shalt  }
0x66: {  	_ =	shalt  }
0x67: {  	_ =	shalt  }
0x68: {  	_ =	shalt  }
0x69: {  	_ =	shalt  }
0x6a: {  	_ =	shalt  }
0x6b: {  	_ =	shalt  }
0x6c: {  	_ =	shalt  }
0x6d: {  	_ =	shalt  }
0x6e: {  	_ =	shalt  }
0x6f: {  	_ =	shalt  }
0x70: {  	_ =	shalt  }
0x71: {  	_ =	shalt  }
0x72: {  	_ =	shalt  }
0x73: {  	_ =	shalt  }
0x74: {  	_ =	shalt  }
0x75: {  	_ =	shalt  }
0x76: {  	_ =	shalt  }
0x77: {  	_ =	shalt  }
0x78: {  	_ =	shalt  }
0x79: {  	_ =	shalt  }
0x7a: {  	_ =	shalt  }
0x7b: {  	_ =	shalt  }
0x7c: {  	_ =	shalt  }
0x7d: {  	_ =	shalt  }
0x7e: {  	_ =	shalt  }
0x7f: {  	_ =	shalt  }
0x80: {  	_ =	shalt  }
0x81: {  	_ =	shalt  }
0x82: {  	_ =	shalt  }
0x83: {  	_ =	shalt  }
0x84: {  	_ =	shalt  }
0x85: {  	_ =	shalt  }
0x86: {  	_ =	shalt  }
0x87: {  	_ =	shalt  }
.Lfunc_end0:
.L_simem_size_0:
called_computation.2_lowered:
.L_overlay_start_0:
0x88: {  	s2 =	sld [smem:$0x3FD9]  }
0x89: {  	s3 =	sld [smem:$0x3FFE];
	_ =	sdelay $0x1  }
0x8a: {  	s1 =	srdreg.scid  }
0x8b: {  	s0 =	sand.u32 $0x1, s1  }
0x8c: {  	s16 =	sshll.u32 s0, $0xA;
	s2 =	sadd.s32 s3, s2  }
0x8d: {  	s2 =	sadd.s32 s2, s16  }
0x8e: {  	[smem:$0x3FBA] =	sst s2  }
0x8f: {  	_ = 	snop  }
0x90: {  	(tm) =	ssettm $0x1  }
0x91: {  	s17 =	sld [smem:$0x3FFB];
	_ =	sdelay $0x3  }
0x92: {  	_ =	strace s17  }
0x93: {  	s2 =	sld [smem:$0x3FFC];
	_ =	sdelay $0x3  }
0x94: {  	_ =	strace s2  }
0x95: {  	s2 =	sld [smem:$0x3FFD];
	_ =	sdelay $0x3  }
0x96: {  	_ =	strace s2  }
0x97: {  	_ =	strace $0x8FFFFFFF  }
0x98: {  	s18 =	sld [smem:$0x3FDB];
	_ =	sdelay $0x1  }
0x99: {  	s19 =	simm.s32 $_scs_section_size  }
0x9a: {  	s4 =	simm.s32 $_size__tile_overlayer_lowered;
	s5 =	simm.s32 $_tile_overlayer_lowered  }
0x9b: {  	s22 =	simm.s32 $0x1BFF;
	s21 =	sshll.u32 s5, $0x1;
	s2 =	sadd.s32 s19, s18  }
0x9c: {  	s6 =	simm.s32 $0x0;
	s20 =	sshll.u32 s4, $0x1;
	s4 =	sadd.s32 s21, s2  }
0x9d: {  	[timem:s6], [sflag:s22] =	dma.local [hbm:s4], s20  }
0x9e: {  	_ =	swait.ge [sflag:s22], s20  }
0x9f: {  	s3 =	ssub.s32 $0x0, s20;
	[sflag:s22] =	ssyncset.done $0x0  }
0xa0: {  	[sflag:s22] =	ssyncadd.s32 s3;
	_ =	sdelay $0x1  }
0xa1: {  	s23 =	simm.s32 $0x1B8B  }
0xa2: {  	_ =	swait.ge [sflag:s23], $0x1  }
0xa3: {  	[sflag:s23] =	ssyncset.done $0x0  }
0xa4: {  	s25 =	simm.s32 $0x1B8E;
	s24 =	sld [smem:$0x3FFE];
	[sflag:s23] =	ssyncadd.s32 $0xFFFFFFFF  }
0xa5: {  	s26 =	simm.s32 $execute0_lowered;
	[smem:$0x3FD2] =	sst s25  }
0xa6: {  	s4 =	sshll.u32 s26, $0x1;
	_ =	strace $0x8000004C;
	[dreg:$0x1] =	wrdreg $0xFFFFFFFF  }
0xa7: {  	s28 =	simm.s32 $_size_execute0_lowered;
	s2 =	sadd.s32 s2, s4;
	[dreg:$0x0] =	wrdreg $0x0  }
0xa8: {  	s4 =	sshll.u32 s28, $0x1;
	[dreg:$0x2] =	wrdreg s2  }
0xa9: {  	[dreg:$0x3] =	wrdreg s4  }
0xaa: {  	[dreg:$0x4] =	wrdreg $0xC0  }
0xab: {  	_ =	task [dreg:s6], $0x5FFFF  }
0xac: {  	[dreg:$0x1] =	wrdreg $0xFFFFFFFF  }
0xad: {  	[dreg:$0x0] =	wrdreg $0x60  }
0xae: {  	[dreg:$0x2] =	wrdreg s24  }
0xaf: {  	[dreg:$0x3] =	wrdreg $0x90000  }
0xb0: {  	[dreg:$0x4] =	wrdreg $0x9  }
0xb1: {  	_ =	task.clear_ibuf [dreg:s6], $0x5FFFF;
	_ =	strace $0x9000004C  }
0xb2: {  	s29 =	simm.s32 $0x9;
	_ =	strace $0x8000004E  }
0xb3: {  	_ =	swait.ge [sflag:s29], $0x1  }
0xb4: {  	[sflag:s29] =	ssyncadd.s32 $0xFFFFFFFF  }
0xb5: {  	_ =	strace $0x9000004E  }
0xb6: {  	_ =	sfence  }
0xb7: {  	s30 =	sld [smem:$0x0];
	_ =	sdelay $0x2  }
0xb8: {  	s31 =	sshll.u32 s1, $0xD;
	s1 =	sshrl.u32 s1, $0x2  }
0xb9: {  	s3 =	sand.u32 $0x4000, s31;
	s1 =	sadd.s32 s1, s30  }
0xba: {  	s0 =	sor.u32 s3, s0;
	s1 =	sshll.u32 s1, $0x11  }
0xbb: {  	s0 =	sor.u32 s1, s0  }
0xbc: {  	s0 =	sadd.s32 $0x8F2B, s0  }
0xbd: {  	[sflag:s0] =	ssyncadd.remote.s32 $0x1  }
0xbe: {  	_ =	sfence.sel $0xFFFF  }
0xbf: {  	[dreg:$0x0] =	wrdreg $0xFFFFFFFF;
	(pc) =	sbr.abs _section_cstart, $3  }
0xc0: {  	[dreg:$0x1] =	wrdreg $0xFFFFFFFF  }
0xc1: {  	_ =	task.clear_ibuf [dreg:s6], $0x2FFFF;
	_ =	strace $0x9FFFFFFF  }
0xc2: {  	(tm) =	ssettm $0x7FFFFFFF  }
0xc3: {  	_ =	shalt  }
tec
execute0_lowered:
.L_overlay_start_1:
0x0: {  	(tag) =	ssettag $0x1  }
0x1: {  	s0 =	srdreg.scid;
	s5 =	rddreg [dreg:$0x0]  }
0x2: {  	s9 =	stileid.u32;
	s2 =	rddreg [dreg:$0x1];
	s3 =	simm.s32 $0x0  }
0x3: {  	s14 =	simm.s32 $0x100;
	s15 =	simm.s32 $0x880;
	s17 =	simm.s32 $0x180  }
0x4: {  	s18 =	simm.s32 $0x900;
	[smem:$0x7FF] =	sst s3;
	s10 =	sadd.s32 $0x3E600, s5  }
0x5: {  	s19 =	simm.s32 $0x200;
	_ =	strace $0x8000004D;
	[dreg:$0x11] =	wrdreg s10  }
0x6: {  	s20 =	simm.s32 $0x980;
	s21 =	simm.s32 $0x280;
	[dreg:$0x5] =	wrdreg s14  }
0x7: {  	s22 =	simm.s32 $0xA00;
	s23 =	simm.s32 $0x300;
	[dreg:$0x6] =	wrdreg s15  }
0x8: {  	s24 =	simm.s32 $0xA80;
	s25 =	simm.s32 $0x380;
	[dreg:$0x7] =	wrdreg s17  }
0x9: {  	s26 =	simm.s32 $0xB00;
	s28 =	simm.s32 $0x680;
	[dreg:$0x8] =	wrdreg s18  }
0xa: {  	s29 =	simm.s32 $0xE00;
	s30 =	simm.s32 $0x700;
	[dreg:$0x9] =	wrdreg s19  }
0xb: {  	s31 =	simm.s32 $0xE80;
	s1 =	smul.u32 $0x5000, s9;
	[dreg:$0xa] =	wrdreg s20  }
0xc: {  	s0 =	sand.u32 $0x1, s0;
	s7 =	smul.u32 $0x14000, s9;
	[dreg:$0xb] =	wrdreg s21  }
0xd: {  	s12 =	smul.u32 $0x50000, s9;
	s16 =	sshll.u32 s9, $0x6;
	[dreg:$0xc] =	wrdreg s22  }
0xe: {  	s9 =	simm.s32 $0x0;
	s4 =	smul.u32 $0x2800, s0;
	[dreg:$0xd] =	wrdreg s23  }
0xf: {  	s6 =	smul.u32 $0x140000, s0;
	s0 =	ssub.s32 $0x2, s0;
	[dreg:$0xe] =	wrdreg s24  }
0x10: {  	s10 =	simm.s32 $0x3;
	s14 =	simm.s32 $0x5000;
	[dreg:$0xf] =	wrdreg s25  }
0x11: {  	s15 =	simm.s32 $0x1;
	[dreg:$0x10] =	wrdreg s26;
	s17 =	simm.s32 $0x400  }
0x12: {  	s18 =	simm.s32 $0xB80;
	s19 =	simm.s32 $0x480;
	s20 =	simm.s32 $0xC00  }
0x13: {  	s21 =	simm.s32 $0x500;
	s22 =	simm.s32 $0xC80;
	s23 =	simm.s32 $0x580  }
0x14: {  	s24 =	simm.s32 $0xD00;
	s25 =	simm.s32 $0x600;
	s26 =	simm.s32 $0xD80  }
0x15: {  	s11 =	sshrl.u32 s0, $0x1;
	s13 =	sshrl.u32 s12, $0x2;
	s12 =	simm.s32 $0x80  }
0x16: {  	s1 =	sadd.s32 s4, s1;
	s6 =	sadd.s32 s7, s6;
	s4 =	sadd.s32 $0x17400, s5  }
0x17: {  	s0 =	ssub.s32 s0, s11;
	s7 =	sor.u32 $0x1C03, s16;
	s11 =	simm.s32 $0x800  }
0x18: {  	s16 =	simm.s32 $0x2;
	s1 =	sshrl.u32 s1, $0x3;
	s6 =	sshrl.u32 s6, $0x3  }
0x19: {  	s0 =	smax.u32 s0, $0x1;
	[dreg:$0x12] =	wrdreg s7;
	s1 =	sadd.s32 s1, s5  }
0x1a: {  	s5 =	sadd.s32 s6, s5;
	[dreg:$0x14] =	wrdreg s0;
	s8 =	sadd.s32 $0xD400, s1  }
0x1b: {  	s6 =	sadd.s32 s13, s2;
	s1 =	sadd.s32 $0x3400, s1;
	[dreg:$0x3] =	wrdreg s8  }
0x1c: {  	s13 =	simm.s32 $0x1000;
	s5 =	sadd.s32 $0x40E00, s5;
	[dreg:$0x4] =	wrdreg s1  }
0x1d: {  	s0 =	simm.s32 $0xF00;
	[dreg:$0x13] =	wrdreg s5;
	s8 =	sshrl.u32 s6, $0x3  }
0x1e: {  	s1 =	simm.s32 $0x780;
	s5 =	simm.s32 $0xF80;
	[dreg:$0x15] =	wrdreg s8  }
.LBB2_1:
0x1f: {  	[dreg:$0x16] =	wrdreg s9  }
0x20: {  	s6 =	rddreg [dreg:$0x11]  }
0x21: {  	[spmem:s8], [sflag:s7] =	dma.local [hbm:s6], $0x2800  }
0x22: {  	_ =	swait.ge [sflag:s10], $0x2800  }
0x23: {  	[sflag:s10] =	ssyncset.done $0x0  }
0x24: {  	[sflag:s10] =	ssyncadd.s32 $0xFFFFD800  }
0x25: {  	[bflag:$0x0] =	sbarrier.arrive $0xFFFF  }
0x26: {  	s8 =	rddreg [dreg:$0x4]  }
0x27: {  	s6 =	sadd.s32 $0x0, s8  }
0x28: {  	[tilespmem:s3], [sflag:$0x3] =	stream.linear.gather [hbm4b:s6+s3], $0x800, $0x38;
	[tilespmem:$0x1D000] =	vst v63  }
0x29: {  	_ =	swait.ge [sflag:s10], $0x800  }
0x2a: {  	s9 =	rddreg [dreg:$0x3];
	[sflag:s10] =	ssyncset.done $0x0  }
0x2b: {  	[sflag:s10] =	ssyncadd.s32 $0xFFFFF800;
	s6 =	sadd.s32 $0x0, s9  }
0x2c: {  	[tilespmem:s11], [sflag:$0x3] =	stream.linear.gather [hbm4b:s6+s3], $0x800, $0x38;
	[tilespmem:$0x1D000] =	vst v63  }
0x2d: {  	_ =	swait.ge [sflag:s10], $0x800  }
0x2e: {  	[sflag:s10] =	ssyncset.done $0x0  }
0x2f: {  	[sflag:s10] =	ssyncadd.s32 $0xFFFFF800  }
0x30: {  	[tilespmem:s13], [sflag:$0x1] =	stream.indirect.gather [hbm4b:s4+s12], $0x80, s3, s12, $0xb8;
	[tilespmem:$0x1D000] =	vst v63  }
0x31: {  	_ = 	snop  }
0x32: {  	[tilespmem:s14], [sflag:$0x2] =	stream.indirect.gather [hbm4b:s4+s12], $0x80, s12, s12, $0xb8;
	[tilespmem:$0x1D000] =	vst v63  }
0x33: {  	_ =	swait.ge [sflag:s15], $0x4000  }
0x34: {  	[sflag:s15] =	ssyncset.done $0x0  }
0x35: {  	[sflag:s15] =	ssyncadd.s32 $0xFFFFC000  }
0x36: {  	[spmem:s2] =	stream.indirect.scatter.add.f32 [tilespmem:s13], [sflag:$0x3], $0x80, s11, s12, $0xb8;
	[tilespmem:$0x1D000] =	vst v63  }
0x37: {  	_ =	swait.ge [sflag:s10], $0x4000  }
0x38: {  	[sflag:s10] =	ssyncset.done $0x0  }
0x39: {  	s7 =	rddreg [dreg:$0x5];
	[sflag:s10] =	ssyncadd.s32 $0xFFFFC000  }
0x3a: {  	[tilespmem:s13], [sflag:$0x1] =	stream.indirect.gather [hbm4b:s4+s12], $0x80, s7, s12, $0xb8;
	[tilespmem:$0x1D000] =	vst v63  }
0x3b: {  	_ =	swait.ge [sflag:s16], $0x4000  }
0x3c: {  	[sflag:s16] =	ssyncset.done $0x0  }
0x3d: {  	s8 =	rddreg [dreg:$0x6];
	[sflag:s16] =	ssyncadd.s32 $0xFFFFC000  }
0x3e: {  	[spmem:s2] =	stream.indirect.scatter.add.f32 [tilespmem:s14], [sflag:$0x3], $0x80, s8, s12, $0xb8;
	[tilespmem:$0x1D000] =	vst v63  }
0x3f: {  	_ =	swait.ge [sflag:s10], $0x4000  }
0x40: {  	[sflag:s10] =	ssyncset.done $0x0  }
0x41: {  	s9 =	rddreg [dreg:$0x7];
	[sflag:s10] =	ssyncadd.s32 $0xFFFFC000  }
0x42: {  	[tilespmem:s14], [sflag:$0x2] =	stream.indirect.gather [hbm4b:s4+s12], $0x80, s9, s12, $0xb8;
	[tilespmem:$0x1D000] =	vst v63  }
0x43: {  	_ =	swait.ge [sflag:s15], $0x4000  }
0x44: {  	[sflag:s15] =	ssyncset.done $0x0  }
0x45: {  	s7 =	rddreg [dreg:$0x8];
	[sflag:s15] =	ssyncadd.s32 $0xFFFFC000  }
0x46: {  	[spmem:s2] =	stream.indirect.scatter.add.f32 [tilespmem:s13], [sflag:$0x3], $0x80, s7, s12, $0xb8;
	[tilespmem:$0x1D000] =	vst v63  }
0x47: {  	_ =	swait.ge [sflag:s10], $0x4000  }
0x48: {  	[sflag:s10] =	ssyncset.done $0x0  }
0x49: {  	s8 =	rddreg [dreg:$0x9];
	[sflag:s10] =	ssyncadd.s32 $0xFFFFC000  }
0x4a: {  	[tilespmem:s13], [sflag:$0x1] =	stream.indirect.gather [hbm4b:s4+s12], $0x80, s8, s12, $0xb8;
	[tilespmem:$0x1D000] =	vst v63  }
0x4b: {  	_ =	swait.ge [sflag:s16], $0x4000  }
0x4c: {  	[sflag:s16] =	ssyncset.done $0x0  }
0x4d: {  	s9 =	rddreg [dreg:$0xa];
	[sflag:s16] =	ssyncadd.s32 $0xFFFFC000  }
0x4e: {  	[spmem:s2] =	stream.indirect.scatter.add.f32 [tilespmem:s14], [sflag:$0x3], $0x80, s9, s12, $0xb8;
	[tilespmem:$0x1D000] =	vst v63  }
0x4f: {  	_ =	swait.ge [sflag:s10], $0x4000  }
0x50: {  	[sflag:s10] =	ssyncset.done $0x0  }
0x51: {  	s7 =	rddreg [dreg:$0xb];
	[sflag:s10] =	ssyncadd.s32 $0xFFFFC000  }
0x52: {  	[tilespmem:s14], [sflag:$0x2] =	stream.indirect.gather [hbm4b:s4+s12], $0x80, s7, s12, $0xb8;
	[tilespmem:$0x1D000] =	vst v63  }
0x53: {  	_ =	swait.ge [sflag:s15], $0x4000  }
0x54: {  	[sflag:s15] =	ssyncset.done $0x0  }
0x55: {  	s8 =	rddreg [dreg:$0xc];
	[sflag:s15] =	ssyncadd.s32 $0xFFFFC000  }
0x56: {  	[spmem:s2] =	stream.indirect.scatter.add.f32 [tilespmem:s13], [sflag:$0x3], $0x80, s8, s12, $0xb8;
	[tilespmem:$0x1D000] =	vst v63  }
0x57: {  	_ =	swait.ge [sflag:s10], $0x4000  }
0x58: {  	[sflag:s10] =	ssyncset.done $0x0  }
0x59: {  	s9 =	rddreg [dreg:$0xd];
	[sflag:s10] =	ssyncadd.s32 $0xFFFFC000  }
0x5a: {  	[tilespmem:s13], [sflag:$0x1] =	stream.indirect.gather [hbm4b:s4+s12], $0x80, s9, s12, $0xb8;
	[tilespmem:$0x1D000] =	vst v63  }
0x5b: {  	_ =	swait.ge [sflag:s16], $0x4000  }
0x5c: {  	[sflag:s16] =	ssyncset.done $0x0  }
0x5d: {  	s7 =	rddreg [dreg:$0xe];
	[sflag:s16] =	ssyncadd.s32 $0xFFFFC000  }
0x5e: {  	[spmem:s2] =	stream.indirect.scatter.add.f32 [tilespmem:s14], [sflag:$0x3], $0x80, s7, s12, $0xb8;
	[tilespmem:$0x1D000] =	vst v63  }
0x5f: {  	_ =	swait.ge [sflag:s10], $0x4000  }
0x60: {  	[sflag:s10] =	ssyncset.done $0x0  }
0x61: {  	s8 =	rddreg [dreg:$0xf];
	[sflag:s10] =	ssyncadd.s32 $0xFFFFC000  }
0x62: {  	[tilespmem:s14], [sflag:$0x2] =	stream.indirect.gather [hbm4b:s4+s12], $0x80, s8, s12, $0xb8;
	[tilespmem:$0x1D000] =	vst v63  }
0x63: {  	_ =	swait.ge [sflag:s15], $0x4000  }
0x64: {  	[sflag:s15] =	ssyncset.done $0x0  }
0x65: {  	s9 =	rddreg [dreg:$0x10];
	[sflag:s15] =	ssyncadd.s32 $0xFFFFC000  }
0x66: {  	[spmem:s2] =	stream.indirect.scatter.add.f32 [tilespmem:s13], [sflag:$0x3], $0x80, s9, s12, $0xb8;
	[tilespmem:$0x1D000] =	vst v63  }
0x67: {  	_ =	swait.ge [sflag:s10], $0x4000  }
0x68: {  	[sflag:s10] =	ssyncset.done $0x0  }
0x69: {  	[sflag:s10] =	ssyncadd.s32 $0xFFFFC000  }
0x6a: {  	[tilespmem:s13], [sflag:$0x1] =	stream.indirect.gather [hbm4b:s4+s12], $0x80, s17, s12, $0xb8;
	[tilespmem:$0x1D000] =	vst v63  }
0x6b: {  	_ =	swait.ge [sflag:s16], $0x4000  }
0x6c: {  	[sflag:s16] =	ssyncset.done $0x0  }
0x6d: {  	[sflag:s16] =	ssyncadd.s32 $0xFFFFC000  }
0x6e: {  	[spmem:s2] =	stream.indirect.scatter.add.f32 [tilespmem:s14], [sflag:$0x3], $0x80, s18, s12, $0xb8;
	[tilespmem:$0x1D000] =	vst v63  }
0x6f: {  	_ =	swait.ge [sflag:s10], $0x4000  }
0x70: {  	[sflag:s10] =	ssyncset.done $0x0  }
0x71: {  	[sflag:s10] =	ssyncadd.s32 $0xFFFFC000  }
0x72: {  	[tilespmem:s14], [sflag:$0x2] =	stream.indirect.gather [hbm4b:s4+s12], $0x80, s19, s12, $0xb8;
	[tilespmem:$0x1D000] =	vst v63  }
0x73: {  	_ =	swait.ge [sflag:s15], $0x4000  }
0x74: {  	[sflag:s15] =	ssyncset.done $0x0  }
0x75: {  	[sflag:s15] =	ssyncadd.s32 $0xFFFFC000  }
0x76: {  	[spmem:s2] =	stream.indirect.scatter.add.f32 [tilespmem:s13], [sflag:$0x3], $0x80, s20, s12, $0xb8;
	[tilespmem:$0x1D000] =	vst v63  }
0x77: {  	_ =	swait.ge [sflag:s10], $0x4000  }
0x78: {  	[sflag:s10] =	ssyncset.done $0x0  }
0x79: {  	[sflag:s10] =	ssyncadd.s32 $0xFFFFC000  }
0x7a: {  	[tilespmem:s13], [sflag:$0x1] =	stream.indirect.gather [hbm4b:s4+s12], $0x80, s21, s12, $0xb8;
	[tilespmem:$0x1D000] =	vst v63  }
0x7b: {  	_ =	swait.ge [sflag:s16], $0x4000  }
0x7c: {  	[sflag:s16] =	ssyncset.done $0x0  }
0x7d: {  	[sflag:s16] =	ssyncadd.s32 $0xFFFFC000  }
0x7e: {  	[spmem:s2] =	stream.indirect.scatter.add.f32 [tilespmem:s14], [sflag:$0x3], $0x80, s22, s12, $0xb8;
	[tilespmem:$0x1D000] =	vst v63  }
0x7f: {  	_ =	swait.ge [sflag:s10], $0x4000  }
0x80: {  	[sflag:s10] =	ssyncset.done $0x0  }
0x81: {  	[sflag:s10] =	ssyncadd.s32 $0xFFFFC000  }
0x82: {  	[tilespmem:s14], [sflag:$0x2] =	stream.indirect.gather [hbm4b:s4+s12], $0x80, s23, s12, $0xb8;
	[tilespmem:$0x1D000] =	vst v63  }
0x83: {  	_ =	swait.ge [sflag:s15], $0x4000  }
0x84: {  	[sflag:s15] =	ssyncset.done $0x0  }
0x85: {  	[sflag:s15] =	ssyncadd.s32 $0xFFFFC000  }
0x86: {  	[spmem:s2] =	stream.indirect.scatter.add.f32 [tilespmem:s13], [sflag:$0x3], $0x80, s24, s12, $0xb8;
	[tilespmem:$0x1D000] =	vst v63  }
0x87: {  	_ =	swait.ge [sflag:s10], $0x4000  }
0x88: {  	[sflag:s10] =	ssyncset.done $0x0  }
0x89: {  	[sflag:s10] =	ssyncadd.s32 $0xFFFFC000  }
0x8a: {  	[tilespmem:s13], [sflag:$0x1] =	stream.indirect.gather [hbm4b:s4+s12], $0x80, s25, s12, $0xb8;
	[tilespmem:$0x1D000] =	vst v63  }
0x8b: {  	_ =	swait.ge [sflag:s16], $0x4000  }
0x8c: {  	[sflag:s16] =	ssyncset.done $0x0  }
0x8d: {  	[sflag:s16] =	ssyncadd.s32 $0xFFFFC000  }
0x8e: {  	[spmem:s2] =	stream.indirect.scatter.add.f32 [tilespmem:s14], [sflag:$0x3], $0x80, s26, s12, $0xb8;
	[tilespmem:$0x1D000] =	vst v63  }
0x8f: {  	_ =	swait.ge [sflag:s10], $0x4000  }
0x90: {  	[sflag:s10] =	ssyncset.done $0x0  }
0x91: {  	[sflag:s10] =	ssyncadd.s32 $0xFFFFC000  }
0x92: {  	[tilespmem:s14], [sflag:$0x2] =	stream.indirect.gather [hbm4b:s4+s12], $0x80, s28, s12, $0xb8;
	[tilespmem:$0x1D000] =	vst v63  }
0x93: {  	_ =	swait.ge [sflag:s15], $0x4000  }
0x94: {  	[sflag:s15] =	ssyncset.done $0x0  }
0x95: {  	[sflag:s15] =	ssyncadd.s32 $0xFFFFC000  }
0x96: {  	[spmem:s2] =	stream.indirect.scatter.add.f32 [tilespmem:s13], [sflag:$0x3], $0x80, s29, s12, $0xb8;
	[tilespmem:$0x1D000] =	vst v63  }
0x97: {  	_ =	swait.ge [sflag:s10], $0x4000  }
0x98: {  	[sflag:s10] =	ssyncset.done $0x0  }
0x99: {  	[sflag:s10] =	ssyncadd.s32 $0xFFFFC000  }
0x9a: {  	[tilespmem:s13], [sflag:$0x1] =	stream.indirect.gather [hbm4b:s4+s12], $0x80, s30, s12, $0xb8;
	[tilespmem:$0x1D000] =	vst v63  }
0x9b: {  	_ =	swait.ge [sflag:s16], $0x4000  }
0x9c: {  	[sflag:s16] =	ssyncset.done $0x0  }
0x9d: {  	[sflag:s16] =	ssyncadd.s32 $0xFFFFC000  }
0x9e: {  	[spmem:s2] =	stream.indirect.scatter.add.f32 [tilespmem:s14], [sflag:$0x3], $0x80, s31, s12, $0xb8;
	[tilespmem:$0x1D000] =	vst v63  }
0x9f: {  	_ =	swait.ge [sflag:s10], $0x4000  }
0xa0: {  	[sflag:s10] =	ssyncset.done $0x0  }
0xa1: {  	[sflag:s10] =	ssyncadd.s32 $0xFFFFC000  }
0xa2: {  	[tilespmem:s14], [sflag:$0x2] =	stream.indirect.gather [hbm4b:s4+s12], $0x80, s1, s12, $0xb8;
	[tilespmem:$0x1D000] =	vst v63  }
0xa3: {  	_ =	swait.ge [sflag:s15], $0x4000  }
0xa4: {  	[sflag:s15] =	ssyncset.done $0x0  }
0xa5: {  	[sflag:s15] =	ssyncadd.s32 $0xFFFFC000  }
0xa6: {  	[spmem:s2] =	stream.indirect.scatter.add.f32 [tilespmem:s13], [sflag:$0x3], $0x80, s0, s12, $0xb8;
	[tilespmem:$0x1D000] =	vst v63  }
0xa7: {  	_ =	swait.ge [sflag:s10], $0x4000  }
0xa8: {  	[sflag:s10] =	ssyncset.done $0x0  }
0xa9: {  	[sflag:s10] =	ssyncadd.s32 $0xFFFFC000  }
0xaa: {  	_ =	swait.ge [sflag:s16], $0x4000  }
0xab: {  	[sflag:s16] =	ssyncset.done $0x0  }
0xac: {  	[sflag:s16] =	ssyncadd.s32 $0xFFFFC000  }
0xad: {  	[spmem:s2] =	stream.indirect.scatter.add.f32 [tilespmem:s14], [sflag:$0x3], $0x80, s5, s12, $0xb8;
	[tilespmem:$0x1D000] =	vst v63  }
0xae: {  	s6 =	simm.s32 $0x200;
	_ =	swait.ge [sflag:s10], $0x4000  }
0xaf: {  	s8 =	simm.s32 $0x100;
	s9 =	rddreg [dreg:$0x4];
	[sflag:s10] =	ssyncset.done $0x0  }
.LBB2_2:
0xb0: {  	[sflag:s10] =	ssyncadd.s32 $0xFFFFC000;
	s9 =	sadd.s32 s8, s9  }
0xb1: {  	[tilespmem:s3], [sflag:$0x3] =	stream.linear.gather [hbm4b:s9+s3], $0x800, $0x38;
	[tilespmem:$0x1D000] =	vst v63  }
0xb2: {  	_ =	swait.ge [sflag:s10], $0x800  }
0xb3: {  	s9 =	rddreg [dreg:$0x3];
	[sflag:s10] =	ssyncset.done $0x0  }
0xb4: {  	[sflag:s10] =	ssyncadd.s32 $0xFFFFF800;
	s9 =	sadd.s32 s8, s9  }
0xb5: {  	[tilespmem:s11], [sflag:$0x3] =	stream.linear.gather [hbm4b:s9+s3], $0x800, $0x38;
	[tilespmem:$0x1D000] =	vst v63  }
0xb6: {  	_ =	swait.ge [sflag:s10], $0x800  }
0xb7: {  	[sflag:s10] =	ssyncset.done $0x0  }
0xb8: {  	[sflag:s10] =	ssyncadd.s32 $0xFFFFF800  }
0xb9: {  	[tilespmem:s13], [sflag:$0x1] =	stream.indirect.gather [hbm4b:s4+s12], $0x80, s3, s12, $0xb8;
	[tilespmem:$0x1D000] =	vst v63  }
0xba: {  	_ = 	snop  }
0xbb: {  	[tilespmem:s14], [sflag:$0x2] =	stream.indirect.gather [hbm4b:s4+s12], $0x80, s12, s12, $0xb8;
	[tilespmem:$0x1D000] =	vst v63  }
0xbc: {  	_ =	swait.ge [sflag:s15], $0x4000  }
0xbd: {  	[sflag:s15] =	ssyncset.done $0x0  }
0xbe: {  	[sflag:s15] =	ssyncadd.s32 $0xFFFFC000  }
0xbf: {  	[spmem:s2] =	stream.indirect.scatter.add.f32 [tilespmem:s13], [sflag:$0x3], $0x80, s11, s12, $0xb8;
	[tilespmem:$0x1D000] =	vst v63  }
0xc0: {  	_ =	swait.ge [sflag:s10], $0x4000  }
0xc1: {  	[sflag:s10] =	ssyncset.done $0x0  }
0xc2: {  	s9 =	rddreg [dreg:$0x5];
	[sflag:s10] =	ssyncadd.s32 $0xFFFFC000  }
0xc3: {  	[tilespmem:s13], [sflag:$0x1] =	stream.indirect.gather [hbm4b:s4+s12], $0x80, s9, s12, $0xb8;
	[tilespmem:$0x1D000] =	vst v63  }
0xc4: {  	_ =	swait.ge [sflag:s16], $0x4000  }
0xc5: {  	[sflag:s16] =	ssyncset.done $0x0  }
0xc6: {  	s9 =	rddreg [dreg:$0x6];
	[sflag:s16] =	ssyncadd.s32 $0xFFFFC000  }
0xc7: {  	[spmem:s2] =	stream.indirect.scatter.add.f32 [tilespmem:s14], [sflag:$0x3], $0x80, s9, s12, $0xb8;
	[tilespmem:$0x1D000] =	vst v63  }
0xc8: {  	_ =	swait.ge [sflag:s10], $0x4000  }
0xc9: {  	[sflag:s10] =	ssyncset.done $0x0  }
0xca: {  	s9 =	rddreg [dreg:$0x7];
	[sflag:s10] =	ssyncadd.s32 $0xFFFFC000  }
0xcb: {  	[tilespmem:s14], [sflag:$0x2] =	stream.indirect.gather [hbm4b:s4+s12], $0x80, s9, s12, $0xb8;
	[tilespmem:$0x1D000] =	vst v63  }
0xcc: {  	_ =	swait.ge [sflag:s15], $0x4000  }
0xcd: {  	[sflag:s15] =	ssyncset.done $0x0  }
0xce: {  	s9 =	rddreg [dreg:$0x8];
	[sflag:s15] =	ssyncadd.s32 $0xFFFFC000  }
0xcf: {  	[spmem:s2] =	stream.indirect.scatter.add.f32 [tilespmem:s13], [sflag:$0x3], $0x80, s9, s12, $0xb8;
	[tilespmem:$0x1D000] =	vst v63  }
0xd0: {  	_ =	swait.ge [sflag:s10], $0x4000  }
0xd1: {  	[sflag:s10] =	ssyncset.done $0x0  }
0xd2: {  	s9 =	rddreg [dreg:$0x9];
	[sflag:s10] =	ssyncadd.s32 $0xFFFFC000  }
0xd3: {  	[tilespmem:s13], [sflag:$0x1] =	stream.indirect.gather [hbm4b:s4+s12], $0x80, s9, s12, $0xb8;
	[tilespmem:$0x1D000] =	vst v63  }
0xd4: {  	_ =	swait.ge [sflag:s16], $0x4000  }
0xd5: {  	[sflag:s16] =	ssyncset.done $0x0  }
0xd6: {  	s9 =	rddreg [dreg:$0xa];
	[sflag:s16] =	ssyncadd.s32 $0xFFFFC000  }
0xd7: {  	[spmem:s2] =	stream.indirect.scatter.add.f32 [tilespmem:s14], [sflag:$0x3], $0x80, s9, s12, $0xb8;
	[tilespmem:$0x1D000] =	vst v63  }
0xd8: {  	_ =	swait.ge [sflag:s10], $0x4000  }
0xd9: {  	[sflag:s10] =	ssyncset.done $0x0  }
0xda: {  	s9 =	rddreg [dreg:$0xb];
	[sflag:s10] =	ssyncadd.s32 $0xFFFFC000  }
0xdb: {  	[tilespmem:s14], [sflag:$0x2] =	stream.indirect.gather [hbm4b:s4+s12], $0x80, s9, s12, $0xb8;
	[tilespmem:$0x1D000] =	vst v63  }
0xdc: {  	_ =	swait.ge [sflag:s15], $0x4000  }
0xdd: {  	[sflag:s15] =	ssyncset.done $0x0  }
0xde: {  	s9 =	rddreg [dreg:$0xc];
	[sflag:s15] =	ssyncadd.s32 $0xFFFFC000  }
0xdf: {  	[spmem:s2] =	stream.indirect.scatter.add.f32 [tilespmem:s13], [sflag:$0x3], $0x80, s9, s12, $0xb8;
	[tilespmem:$0x1D000] =	vst v63  }
0xe0: {  	_ =	swait.ge [sflag:s10], $0x4000  }
0xe1: {  	[sflag:s10] =	ssyncset.done $0x0  }
0xe2: {  	s9 =	rddreg [dreg:$0xd];
	[sflag:s10] =	ssyncadd.s32 $0xFFFFC000  }
0xe3: {  	[tilespmem:s13], [sflag:$0x1] =	stream.indirect.gather [hbm4b:s4+s12], $0x80, s9, s12, $0xb8;
	[tilespmem:$0x1D000] =	vst v63  }
0xe4: {  	_ =	swait.ge [sflag:s16], $0x4000  }
0xe5: {  	[sflag:s16] =	ssyncset.done $0x0  }
0xe6: {  	s9 =	rddreg [dreg:$0xe];
	[sflag:s16] =	ssyncadd.s32 $0xFFFFC000  }
0xe7: {  	[spmem:s2] =	stream.indirect.scatter.add.f32 [tilespmem:s14], [sflag:$0x3], $0x80, s9, s12, $0xb8;
	[tilespmem:$0x1D000] =	vst v63  }
0xe8: {  	_ =	swait.ge [sflag:s10], $0x4000  }
0xe9: {  	[sflag:s10] =	ssyncset.done $0x0  }
0xea: {  	s9 =	rddreg [dreg:$0xf];
	[sflag:s10] =	ssyncadd.s32 $0xFFFFC000  }
0xeb: {  	[tilespmem:s14], [sflag:$0x2] =	stream.indirect.gather [hbm4b:s4+s12], $0x80, s9, s12, $0xb8;
	[tilespmem:$0x1D000] =	vst v63  }
0xec: {  	_ =	swait.ge [sflag:s15], $0x4000  }
0xed: {  	[sflag:s15] =	ssyncset.done $0x0  }
0xee: {  	s9 =	rddreg [dreg:$0x10];
	[sflag:s15] =	ssyncadd.s32 $0xFFFFC000  }
0xef: {  	[spmem:s2] =	stream.indirect.scatter.add.f32 [tilespmem:s13], [sflag:$0x3], $0x80, s9, s12, $0xb8;
	[tilespmem:$0x1D000] =	vst v63  }
0xf0: {  	_ =	swait.ge [sflag:s10], $0x4000  }
0xf1: {  	[sflag:s10] =	ssyncset.done $0x0  }
0xf2: {  	[sflag:s10] =	ssyncadd.s32 $0xFFFFC000  }
0xf3: {  	[tilespmem:s13], [sflag:$0x1] =	stream.indirect.gather [hbm4b:s4+s12], $0x80, s17, s12, $0xb8;
	[tilespmem:$0x1D000] =	vst v63  }
0xf4: {  	_ =	swait.ge [sflag:s16], $0x4000  }
0xf5: {  	[sflag:s16] =	ssyncset.done $0x0  }
0xf6: {  	[sflag:s16] =	ssyncadd.s32 $0xFFFFC000  }
0xf7: {  	[spmem:s2] =	stream.indirect.scatter.add.f32 [tilespmem:s14], [sflag:$0x3], $0x80, s18, s12, $0xb8;
	[tilespmem:$0x1D000] =	vst v63  }
0xf8: {  	_ =	swait.ge [sflag:s10], $0x4000  }
0xf9: {  	[sflag:s10] =	ssyncset.done $0x0  }
0xfa: {  	[sflag:s10] =	ssyncadd.s32 $0xFFFFC000  }
0xfb: {  	[tilespmem:s14], [sflag:$0x2] =	stream.indirect.gather [hbm4b:s4+s12], $0x80, s19, s12, $0xb8;
	[tilespmem:$0x1D000] =	vst v63  }
0xfc: {  	_ =	swait.ge [sflag:s15], $0x4000  }
0xfd: {  	[sflag:s15] =	ssyncset.done $0x0  }
0xfe: {  	[sflag:s15] =	ssyncadd.s32 $0xFFFFC000  }
0xff: {  	[spmem:s2] =	stream.indirect.scatter.add.f32 [tilespmem:s13], [sflag:$0x3], $0x80, s20, s12, $0xb8;
	[tilespmem:$0x1D000] =	vst v63  }
0x100: {  	_ =	swait.ge [sflag:s10], $0x4000  }
0x101: {  	[sflag:s10] =	ssyncset.done $0x0  }
0x102: {  	[sflag:s10] =	ssyncadd.s32 $0xFFFFC000  }
0x103: {  	[tilespmem:s13], [sflag:$0x1] =	stream.indirect.gather [hbm4b:s4+s12], $0x80, s21, s12, $0xb8;
	[tilespmem:$0x1D000] =	vst v63  }
0x104: {  	_ =	swait.ge [sflag:s16], $0x4000  }
0x105: {  	[sflag:s16] =	ssyncset.done $0x0  }
0x106: {  	[sflag:s16] =	ssyncadd.s32 $0xFFFFC000  }
0x107: {  	[spmem:s2] =	stream.indirect.scatter.add.f32 [tilespmem:s14], [sflag:$0x3], $0x80, s22, s12, $0xb8;
	[tilespmem:$0x1D000] =	vst v63  }
0x108: {  	_ =	swait.ge [sflag:s10], $0x4000  }
0x109: {  	[sflag:s10] =	ssyncset.done $0x0  }
0x10a: {  	[sflag:s10] =	ssyncadd.s32 $0xFFFFC000  }
0x10b: {  	[tilespmem:s14], [sflag:$0x2] =	stream.indirect.gather [hbm4b:s4+s12], $0x80, s23, s12, $0xb8;
	[tilespmem:$0x1D000] =	vst v63  }
0x10c: {  	_ =	swait.ge [sflag:s15], $0x4000  }
0x10d: {  	[sflag:s15] =	ssyncset.done $0x0  }
0x10e: {  	[sflag:s15] =	ssyncadd.s32 $0xFFFFC000  }
0x10f: {  	[spmem:s2] =	stream.indirect.scatter.add.f32 [tilespmem:s13], [sflag:$0x3], $0x80, s24, s12, $0xb8;
	[tilespmem:$0x1D000] =	vst v63  }
0x110: {  	_ =	swait.ge [sflag:s10], $0x4000  }
0x111: {  	[sflag:s10] =	ssyncset.done $0x0  }
0x112: {  	[sflag:s10] =	ssyncadd.s32 $0xFFFFC000  }
0x113: {  	[tilespmem:s13], [sflag:$0x1] =	stream.indirect.gather [hbm4b:s4+s12], $0x80, s25, s12, $0xb8;
	[tilespmem:$0x1D000] =	vst v63  }
0x114: {  	_ =	swait.ge [sflag:s16], $0x4000  }
0x115: {  	[sflag:s16] =	ssyncset.done $0x0  }
0x116: {  	[sflag:s16] =	ssyncadd.s32 $0xFFFFC000  }
0x117: {  	[spmem:s2] =	stream.indirect.scatter.add.f32 [tilespmem:s14], [sflag:$0x3], $0x80, s26, s12, $0xb8;
	[tilespmem:$0x1D000] =	vst v63  }
0x118: {  	_ =	swait.ge [sflag:s10], $0x4000  }
0x119: {  	[sflag:s10] =	ssyncset.done $0x0  }
0x11a: {  	[sflag:s10] =	ssyncadd.s32 $0xFFFFC000  }
0x11b: {  	[tilespmem:s14], [sflag:$0x2] =	stream.indirect.gather [hbm4b:s4+s12], $0x80, s28, s12, $0xb8;
	[tilespmem:$0x1D000] =	vst v63  }
0x11c: {  	_ =	swait.ge [sflag:s15], $0x4000  }
0x11d: {  	[sflag:s15] =	ssyncset.done $0x0  }
0x11e: {  	[sflag:s15] =	ssyncadd.s32 $0xFFFFC000  }
0x11f: {  	[spmem:s2] =	stream.indirect.scatter.add.f32 [tilespmem:s13], [sflag:$0x3], $0x80, s29, s12, $0xb8;
	[tilespmem:$0x1D000] =	vst v63  }
0x120: {  	_ =	swait.ge [sflag:s10], $0x4000  }
0x121: {  	[sflag:s10] =	ssyncset.done $0x0  }
0x122: {  	[sflag:s10] =	ssyncadd.s32 $0xFFFFC000  }
0x123: {  	[tilespmem:s13], [sflag:$0x1] =	stream.indirect.gather [hbm4b:s4+s12], $0x80, s30, s12, $0xb8;
	[tilespmem:$0x1D000] =	vst v63  }
0x124: {  	_ =	swait.ge [sflag:s16], $0x4000  }
0x125: {  	[sflag:s16] =	ssyncset.done $0x0  }
0x126: {  	[sflag:s16] =	ssyncadd.s32 $0xFFFFC000  }
0x127: {  	[spmem:s2] =	stream.indirect.scatter.add.f32 [tilespmem:s14], [sflag:$0x3], $0x80, s31, s12, $0xb8;
	[tilespmem:$0x1D000] =	vst v63  }
0x128: {  	_ =	swait.ge [sflag:s10], $0x4000  }
0x129: {  	[sflag:s10] =	ssyncset.done $0x0  }
0x12a: {  	[sflag:s10] =	ssyncadd.s32 $0xFFFFC000  }
0x12b: {  	[tilespmem:s14], [sflag:$0x2] =	stream.indirect.gather [hbm4b:s4+s12], $0x80, s1, s12, $0xb8;
	[tilespmem:$0x1D000] =	vst v63  }
0x12c: {  	_ =	swait.ge [sflag:s15], $0x4000  }
0x12d: {  	[sflag:s15] =	ssyncset.done $0x0  }
0x12e: {  	[sflag:s15] =	ssyncadd.s32 $0xFFFFC000  }
0x12f: {  	[spmem:s2] =	stream.indirect.scatter.add.f32 [tilespmem:s13], [sflag:$0x3], $0x80, s0, s12, $0xb8;
	[tilespmem:$0x1D000] =	vst v63  }
0x130: {  	_ =	swait.ge [sflag:s10], $0x4000  }
0x131: {  	[sflag:s10] =	ssyncset.done $0x0  }
0x132: {  	[sflag:s10] =	ssyncadd.s32 $0xFFFFC000  }
0x133: {  	p0 =	sne.s32 s6, $0x400;
	_ =	swait.ge [sflag:s16], $0x4000  }
.Ltmp0:
0x134: {  	[sflag:s16] =	ssyncset.done $0x0;
	(pc) =	sbr.rel @p0 .LBB2_2-.Ltmp0, $4  }
0x135: {  	[sflag:s16] =	ssyncadd.s32 $0xFFFFC000  }
0x136: {  	[spmem:s2] =	stream.indirect.scatter.add.f32 [tilespmem:s14], [sflag:$0x3], $0x80, s5, s12, $0xb8;
	[tilespmem:$0x1D000] =	vst v63  }
0x137: {  	s7 =	smov.u32 s6;
	s6 =	sadd.s32 $0x100, s6;
	_ =	swait.ge [sflag:s10], $0x4000  }
0x138: {  	s8 =	smov.u32 s7;
	s9 =	rddreg [dreg:$0x4];
	[sflag:s10] =	ssyncset.done $0x0  }
0x139: {  	[sflag:s10] =	ssyncadd.s32 $0xFFFFC000;
	s6 =	sadd.s32 s8, s9  }
0x13a: {  	[tilespmem:s3], [sflag:$0x3] =	stream.linear.gather [hbm4b:s6+s3], $0x800, $0x38;
	[tilespmem:$0x1D000] =	vst v63  }
0x13b: {  	_ =	swait.ge [sflag:s10], $0x800  }
0x13c: {  	s7 =	rddreg [dreg:$0x3];
	[sflag:s10] =	ssyncset.done $0x0  }
0x13d: {  	s6 =	sadd.s32 s8, s7;
	[sflag:s10] =	ssyncadd.s32 $0xFFFFF800  }
0x13e: {  	[tilespmem:s11], [sflag:$0x3] =	stream.linear.gather [hbm4b:s6+s3], $0x800, $0x38;
	[tilespmem:$0x1D000] =	vst v63  }
0x13f: {  	_ =	swait.ge [sflag:s10], $0x800  }
0x140: {  	[sflag:s10] =	ssyncset.done $0x0  }
0x141: {  	[sflag:s10] =	ssyncadd.s32 $0xFFFFF800  }
0x142: {  	[tilespmem:s13], [sflag:$0x1] =	stream.indirect.gather [hbm4b:s4+s12], $0x80, s3, s12, $0xb8;
	[tilespmem:$0x1D000] =	vst v63  }
0x143: {  	_ = 	snop  }
0x144: {  	[tilespmem:s14], [sflag:$0x2] =	stream.indirect.gather [hbm4b:s4+s12], $0x80, s12, s12, $0xb8;
	[tilespmem:$0x1D000] =	vst v63  }
0x145: {  	_ =	swait.ge [sflag:s15], $0x4000  }
0x146: {  	[sflag:s15] =	ssyncset.done $0x0  }
0x147: {  	[sflag:s15] =	ssyncadd.s32 $0xFFFFC000  }
0x148: {  	[spmem:s2] =	stream.indirect.scatter.add.f32 [tilespmem:s13], [sflag:$0x3], $0x80, s11, s12, $0xb8;
	[tilespmem:$0x1D000] =	vst v63  }
0x149: {  	_ =	swait.ge [sflag:s10], $0x4000  }
0x14a: {  	[sflag:s10] =	ssyncset.done $0x0  }
0x14b: {  	s9 =	rddreg [dreg:$0x5];
	[sflag:s10] =	ssyncadd.s32 $0xFFFFC000  }
0x14c: {  	[tilespmem:s13], [sflag:$0x1] =	stream.indirect.gather [hbm4b:s4+s12], $0x80, s9, s12, $0xb8;
	[tilespmem:$0x1D000] =	vst v63  }
0x14d: {  	_ =	swait.ge [sflag:s16], $0x4000  }
0x14e: {  	[sflag:s16] =	ssyncset.done $0x0  }
0x14f: {  	s7 =	rddreg [dreg:$0x6];
	[sflag:s16] =	ssyncadd.s32 $0xFFFFC000  }
0x150: {  	[spmem:s2] =	stream.indirect.scatter.add.f32 [tilespmem:s14], [sflag:$0x3], $0x80, s7, s12, $0xb8;
	[tilespmem:$0x1D000] =	vst v63  }
0x151: {  	_ =	swait.ge [sflag:s10], $0x4000  }
0x152: {  	[sflag:s10] =	ssyncset.done $0x0  }
0x153: {  	s8 =	rddreg [dreg:$0x7];
	[sflag:s10] =	ssyncadd.s32 $0xFFFFC000  }
0x154: {  	[tilespmem:s14], [sflag:$0x2] =	stream.indirect.gather [hbm4b:s4+s12], $0x80, s8, s12, $0xb8;
	[tilespmem:$0x1D000] =	vst v63  }
0x155: {  	_ =	swait.ge [sflag:s15], $0x4000  }
0x156: {  	[sflag:s15] =	ssyncset.done $0x0  }
0x157: {  	s9 =	rddreg [dreg:$0x8];
	[sflag:s15] =	ssyncadd.s32 $0xFFFFC000  }
0x158: {  	[spmem:s2] =	stream.indirect.scatter.add.f32 [tilespmem:s13], [sflag:$0x3], $0x80, s9, s12, $0xb8;
	[tilespmem:$0x1D000] =	vst v63  }
0x159: {  	_ =	swait.ge [sflag:s10], $0x4000  }
0x15a: {  	[sflag:s10] =	ssyncset.done $0x0  }
0x15b: {  	s7 =	rddreg [dreg:$0x9];
	[sflag:s10] =	ssyncadd.s32 $0xFFFFC000  }
0x15c: {  	[tilespmem:s13], [sflag:$0x1] =	stream.indirect.gather [hbm4b:s4+s12], $0x80, s7, s12, $0xb8;
	[tilespmem:$0x1D000] =	vst v63  }
0x15d: {  	_ =	swait.ge [sflag:s16], $0x4000  }
0x15e: {  	[sflag:s16] =	ssyncset.done $0x0  }
0x15f: {  	s8 =	rddreg [dreg:$0xa];
	[sflag:s16] =	ssyncadd.s32 $0xFFFFC000  }
0x160: {  	[spmem:s2] =	stream.indirect.scatter.add.f32 [tilespmem:s14], [sflag:$0x3], $0x80, s8, s12, $0xb8;
	[tilespmem:$0x1D000] =	vst v63  }
0x161: {  	_ =	swait.ge [sflag:s10], $0x4000  }
0x162: {  	[sflag:s10] =	ssyncset.done $0x0  }
0x163: {  	s9 =	rddreg [dreg:$0xb];
	[sflag:s10] =	ssyncadd.s32 $0xFFFFC000  }
0x164: {  	[tilespmem:s14], [sflag:$0x2] =	stream.indirect.gather [hbm4b:s4+s12], $0x80, s9, s12, $0xb8;
	[tilespmem:$0x1D000] =	vst v63  }
0x165: {  	_ =	swait.ge [sflag:s15], $0x4000  }
0x166: {  	[sflag:s15] =	ssyncset.done $0x0  }
0x167: {  	s7 =	rddreg [dreg:$0xc];
	[sflag:s15] =	ssyncadd.s32 $0xFFFFC000  }
0x168: {  	[spmem:s2] =	stream.indirect.scatter.add.f32 [tilespmem:s13], [sflag:$0x3], $0x80, s7, s12, $0xb8;
	[tilespmem:$0x1D000] =	vst v63  }
0x169: {  	_ =	swait.ge [sflag:s10], $0x4000  }
0x16a: {  	[sflag:s10] =	ssyncset.done $0x0  }
0x16b: {  	s8 =	rddreg [dreg:$0xd];
	[sflag:s10] =	ssyncadd.s32 $0xFFFFC000  }
0x16c: {  	[tilespmem:s13], [sflag:$0x1] =	stream.indirect.gather [hbm4b:s4+s12], $0x80, s8, s12, $0xb8;
	[tilespmem:$0x1D000] =	vst v63  }
0x16d: {  	_ =	swait.ge [sflag:s16], $0x4000  }
0x16e: {  	[sflag:s16] =	ssyncset.done $0x0  }
0x16f: {  	s9 =	rddreg [dreg:$0xe];
	[sflag:s16] =	ssyncadd.s32 $0xFFFFC000  }
0x170: {  	[spmem:s2] =	stream.indirect.scatter.add.f32 [tilespmem:s14], [sflag:$0x3], $0x80, s9, s12, $0xb8;
	[tilespmem:$0x1D000] =	vst v63  }
0x171: {  	_ =	swait.ge [sflag:s10], $0x4000  }
0x172: {  	[sflag:s10] =	ssyncset.done $0x0  }
0x173: {  	s7 =	rddreg [dreg:$0xf];
	[sflag:s10] =	ssyncadd.s32 $0xFFFFC000  }
0x174: {  	[tilespmem:s14], [sflag:$0x2] =	stream.indirect.gather [hbm4b:s4+s12], $0x80, s7, s12, $0xb8;
	[tilespmem:$0x1D000] =	vst v63  }
0x175: {  	_ =	swait.ge [sflag:s15], $0x4000  }
0x176: {  	[sflag:s15] =	ssyncset.done $0x0  }
0x177: {  	s8 =	rddreg [dreg:$0x10];
	[sflag:s15] =	ssyncadd.s32 $0xFFFFC000  }
0x178: {  	[spmem:s2] =	stream.indirect.scatter.add.f32 [tilespmem:s13], [sflag:$0x3], $0x80, s8, s12, $0xb8;
	[tilespmem:$0x1D000] =	vst v63  }
0x179: {  	_ =	swait.ge [sflag:s10], $0x4000  }
0x17a: {  	[sflag:s10] =	ssyncset.done $0x0  }
0x17b: {  	[sflag:s10] =	ssyncadd.s32 $0xFFFFC000  }
0x17c: {  	[tilespmem:s13], [sflag:$0x1] =	stream.indirect.gather [hbm4b:s4+s12], $0x80, s17, s12, $0xb8;
	[tilespmem:$0x1D000] =	vst v63  }
0x17d: {  	_ =	swait.ge [sflag:s16], $0x4000  }
0x17e: {  	[sflag:s16] =	ssyncset.done $0x0  }
0x17f: {  	[sflag:s16] =	ssyncadd.s32 $0xFFFFC000  }
0x180: {  	[spmem:s2] =	stream.indirect.scatter.add.f32 [tilespmem:s14], [sflag:$0x3], $0x80, s18, s12, $0xb8;
	[tilespmem:$0x1D000] =	vst v63  }
0x181: {  	_ =	swait.ge [sflag:s10], $0x4000  }
0x182: {  	[sflag:s10] =	ssyncset.done $0x0  }
0x183: {  	[sflag:s10] =	ssyncadd.s32 $0xFFFFC000  }
0x184: {  	[tilespmem:s14], [sflag:$0x2] =	stream.indirect.gather [hbm4b:s4+s12], $0x80, s19, s12, $0xb8;
	[tilespmem:$0x1D000] =	vst v63  }
0x185: {  	_ =	swait.ge [sflag:s15], $0x4000  }
0x186: {  	[sflag:s15] =	ssyncset.done $0x0  }
0x187: {  	[sflag:s15] =	ssyncadd.s32 $0xFFFFC000  }
0x188: {  	[spmem:s2] =	stream.indirect.scatter.add.f32 [tilespmem:s13], [sflag:$0x3], $0x80, s20, s12, $0xb8;
	[tilespmem:$0x1D000] =	vst v63  }
0x189: {  	_ =	swait.ge [sflag:s10], $0x4000  }
0x18a: {  	[sflag:s10] =	ssyncset.done $0x0  }
0x18b: {  	[sflag:s10] =	ssyncadd.s32 $0xFFFFC000  }
0x18c: {  	[tilespmem:s13], [sflag:$0x1] =	stream.indirect.gather [hbm4b:s4+s12], $0x80, s21, s12, $0xb8;
	[tilespmem:$0x1D000] =	vst v63  }
0x18d: {  	_ =	swait.ge [sflag:s16], $0x4000  }
0x18e: {  	[sflag:s16] =	ssyncset.done $0x0  }
0x18f: {  	[sflag:s16] =	ssyncadd.s32 $0xFFFFC000  }
0x190: {  	[spmem:s2] =	stream.indirect.scatter.add.f32 [tilespmem:s14], [sflag:$0x3], $0x80, s22, s12, $0xb8;
	[tilespmem:$0x1D000] =	vst v63  }
0x191: {  	_ =	swait.ge [sflag:s10], $0x4000  }
0x192: {  	[sflag:s10] =	ssyncset.done $0x0  }
0x193: {  	[sflag:s10] =	ssyncadd.s32 $0xFFFFC000  }
0x194: {  	[tilespmem:s14], [sflag:$0x2] =	stream.indirect.gather [hbm4b:s4+s12], $0x80, s23, s12, $0xb8;
	[tilespmem:$0x1D000] =	vst v63  }
0x195: {  	_ =	swait.ge [sflag:s15], $0x4000  }
0x196: {  	[sflag:s15] =	ssyncset.done $0x0  }
0x197: {  	[sflag:s15] =	ssyncadd.s32 $0xFFFFC000  }
0x198: {  	[spmem:s2] =	stream.indirect.scatter.add.f32 [tilespmem:s13], [sflag:$0x3], $0x80, s24, s12, $0xb8;
	[tilespmem:$0x1D000] =	vst v63  }
0x199: {  	_ =	swait.ge [sflag:s10], $0x4000  }
0x19a: {  	[sflag:s10] =	ssyncset.done $0x0  }
0x19b: {  	[sflag:s10] =	ssyncadd.s32 $0xFFFFC000  }
0x19c: {  	[tilespmem:s13], [sflag:$0x1] =	stream.indirect.gather [hbm4b:s4+s12], $0x80, s25, s12, $0xb8;
	[tilespmem:$0x1D000] =	vst v63  }
0x19d: {  	_ =	swait.ge [sflag:s16], $0x4000  }
0x19e: {  	[sflag:s16] =	ssyncset.done $0x0  }
0x19f: {  	[sflag:s16] =	ssyncadd.s32 $0xFFFFC000  }
0x1a0: {  	[spmem:s2] =	stream.indirect.scatter.add.f32 [tilespmem:s14], [sflag:$0x3], $0x80, s26, s12, $0xb8;
	[tilespmem:$0x1D000] =	vst v63  }
0x1a1: {  	_ =	swait.ge [sflag:s10], $0x4000  }
0x1a2: {  	[sflag:s10] =	ssyncset.done $0x0  }
0x1a3: {  	[sflag:s10] =	ssyncadd.s32 $0xFFFFC000  }
0x1a4: {  	[tilespmem:s14], [sflag:$0x2] =	stream.indirect.gather [hbm4b:s4+s12], $0x80, s28, s12, $0xb8;
	[tilespmem:$0x1D000] =	vst v63  }
0x1a5: {  	_ =	swait.ge [sflag:s15], $0x4000  }
0x1a6: {  	[sflag:s15] =	ssyncset.done $0x0  }
0x1a7: {  	[sflag:s15] =	ssyncadd.s32 $0xFFFFC000  }
0x1a8: {  	[spmem:s2] =	stream.indirect.scatter.add.f32 [tilespmem:s13], [sflag:$0x3], $0x80, s29, s12, $0xb8;
	[tilespmem:$0x1D000] =	vst v63  }
0x1a9: {  	_ =	swait.ge [sflag:s10], $0x4000  }
0x1aa: {  	[sflag:s10] =	ssyncset.done $0x0  }
0x1ab: {  	[sflag:s10] =	ssyncadd.s32 $0xFFFFC000  }
0x1ac: {  	[tilespmem:s13], [sflag:$0x1] =	stream.indirect.gather [hbm4b:s4+s12], $0x80, s30, s12, $0xb8;
	[tilespmem:$0x1D000] =	vst v63  }
0x1ad: {  	_ =	swait.ge [sflag:s16], $0x4000  }
0x1ae: {  	[sflag:s16] =	ssyncset.done $0x0  }
0x1af: {  	[sflag:s16] =	ssyncadd.s32 $0xFFFFC000  }
0x1b0: {  	[spmem:s2] =	stream.indirect.scatter.add.f32 [tilespmem:s14], [sflag:$0x3], $0x80, s31, s12, $0xb8;
	[tilespmem:$0x1D000] =	vst v63  }
0x1b1: {  	_ =	swait.ge [sflag:s10], $0x4000  }
0x1b2: {  	[sflag:s10] =	ssyncset.done $0x0  }
0x1b3: {  	[sflag:s10] =	ssyncadd.s32 $0xFFFFC000  }
0x1b4: {  	[tilespmem:s14], [sflag:$0x2] =	stream.indirect.gather [hbm4b:s4+s12], $0x80, s1, s12, $0xb8;
	[tilespmem:$0x1D000] =	vst v63  }
0x1b5: {  	_ =	swait.ge [sflag:s15], $0x4000  }
0x1b6: {  	[sflag:s15] =	ssyncset.done $0x0  }
0x1b7: {  	[sflag:s15] =	ssyncadd.s32 $0xFFFFC000  }
0x1b8: {  	[spmem:s2] =	stream.indirect.scatter.add.f32 [tilespmem:s13], [sflag:$0x3], $0x80, s0, s12, $0xb8;
	[tilespmem:$0x1D000] =	vst v63  }
0x1b9: {  	_ =	swait.ge [sflag:s10], $0x4000  }
0x1ba: {  	[sflag:s10] =	ssyncset.done $0x0  }
0x1bb: {  	[sflag:s10] =	ssyncadd.s32 $0xFFFFC000  }
0x1bc: {  	_ =	swait.ge [sflag:s16], $0x4000  }
0x1bd: {  	[sflag:s16] =	ssyncset.done $0x0  }
0x1be: {  	[sflag:s16] =	ssyncadd.s32 $0xFFFFC000  }
0x1bf: {  	[spmem:s2] =	stream.indirect.scatter.add.f32 [tilespmem:s14], [sflag:$0x3], $0x80, s5, s12, $0xb8;
	[tilespmem:$0x1D000] =	vst v63  }
0x1c0: {  	_ =	swait.ge [sflag:s10], $0x4000  }
0x1c1: {  	[sflag:s10] =	ssyncset.done $0x0  }
0x1c2: {  	[sflag:s10] =	ssyncadd.s32 $0xFFFFC000  }
0x1c3: {  	[bflag:$0x0] =	sbarrier.arrive $0xFFFF  }
0x1c4: {  	s7 =	rddreg [dreg:$0x12]  }
0x1c5: {  	s9 =	rddreg [dreg:$0x13]  }
0x1c6: {  	s8 =	rddreg [dreg:$0x15]  }
0x1c7: {  	[hbm:s9], [sflag:s7] =	dma.local [spmem:s8], $0x2800  }
0x1c8: {  	_ =	swait.ge [sflag:s10], $0x2800  }
0x1c9: {  	s6 =	rddreg [dreg:$0x16]  }
0x1ca: {  	s9 =	sadd.s32 $0x1, s6;
	s6 =	rddreg [dreg:$0x14]  }
0x1cb: {  	p0 =	sne.s32 s9, s6  }
.Ltmp1:
0x1cc: {  	_ = 	snop;
	(pc) =	sbr.rel @p0 .LBB2_1-.Ltmp1, $3  }
0x1cd: {  	_ =	sdelay $0x1  }
0x1ce: {  	[sflag:s10] =	ssyncset.done $0x0  }
0x1cf: {  	[sflag:s10] =	ssyncadd.s32 $0xFFFFD800  }
0x1d0: {  	_ =	sfence.sel $0x180000  }
0x1d1: {  	[bflag:$0x0] =	sbarrier.arrive $0xFFFF  }
0x1d2: {  	_ =	strace $0x9000004D  }
0x1d3: {  	s0 =	stileid.u32;
	[bflag:$0x2] =	sbarrier.arrive $0xFFFF  }
0x1d4: {  	p0 =	sne.s32 s0, $0x0;
	s0 =	rddreg [dreg:$0x2]  }
0x1d5: {  	s0 =	sadd.s32 @!p0 $0x100000, s0  }
0x1d6: {  	[sflag:s0] =	ssyncadd.tile.s32 @!p0 $0x1;
	_ =	shalt  }
.Lfunc_end2:
_tile_overlayer_lowered:
.L_overlay_start_2:
0x1d7: {  	(tag) =	ssettag $0x2  }
0x1d8: {  	s0 =	rddreg [dreg:$0x0];
	s2 =	stileid.u32  }
0x1d9: {  	s1 =	rddreg [dreg:$0x1];
	p0 =	sne.s32 s2, $0x0  }
0x1da: {  	s3 =	rddreg [dreg:$0x2];
	[bflag:$0x3] =	sbarrier.arrive $0xFFFF;
	s2 =	simm.s32 @!p0 $0x1C03  }
0x1db: {  	[timem:s3], [sflag:s2] =	dma.local @!p0 [hbm:s0], s1  }
0x1dc: {  	s0 =	simm.s32 @!p0 $0x3  }
0x1dd: {  	_ =	swait.ge @!p0 [sflag:s0], s1  }
0x1de: {  	s1 =	ssub.s32 @!p0 $0x0, s1;
	[sflag:s0] =	ssyncset.done @!p0 $0x0  }
0x1df: {  	[sflag:s0] =	ssyncadd.s32 @!p0 s1  }
0x1e0: {  	[bflag:$0x3] =	sbarrier.arrive $0xFFFF  }
0x1e1: {  	_ =	shalt  }

// kernel: kernel.9.cloned.1.call-start
scs
__scs_entry_jumppad:
0x0: {  	(pc) =	sbr.rel $0x88, $3  }
0x1: {  	(tag) =	ssettag $0x0;
	lr =	simm.s32 $0x1  }
0x2: {  	[smem:$0x3F93] =	sst lr;
	_ =	strace $0xD0000000  }
0x3: {  	_ = 	snop  }
0x4: {  	_ = 	snop  }
0x5: {  	_ = 	snop  }
0x6: {  	_ = 	snop  }
0x7: {  	_ = 	snop  }
__scs_overlays_trampoline_lowered:
0x8: {  	[smem:$0x3FA2] =	sst s0  }
0x9: {  	[smem:$0x3FA3] =	sst s1  }
0xa: {  	[smem:$0x3FA4] =	sst s2  }
0xb: {  	[smem:$0x3FA5] =	sst s3  }
0xc: {  	[smem:$0x3FA6] =	sst s4  }
0xd: {  	[smem:$0x3FA7] =	sst s5  }
0xe: {  	[smem:$0x3FA8] =	sst s6  }
0xf: {  	[smem:$0x3FA9] =	sst s7  }
0x10: {  	[smem:$0x3FAA] =	sst s8  }
0x11: {  	[smem:$0x3FAB] =	sst s9;
	s0 =	simm.s32 @!p0 $0x0  }
0x12: {  	s1 =	sld [smem:$0x3F91];
	s0 =	simm.s32 @p0 $0x1  }
0x13: {  	[smem:$0x3FAC] =	sst s0;
	s0 =	simm.s32 @!p1 $0x0  }
0x14: {  	s2 =	sld [smem:$0x3F90];
	s0 =	simm.s32 @p1 $0x1  }
0x15: {  	[smem:$0x3FAD] =	sst s0;
	s0 =	simm.s32 @!p2 $0x0  }
0x16: {  	s3 =	sld [smem:$0x3FDB];
	s0 =	simm.s32 @p2 $0x1  }
0x17: {  	s4 =	simm.s32 $0x1BF5;
	[smem:$0x3FAF] =	sst s0  }
0x18: {  	s0 =	sld [smem:$0x3F92];
	_ =	swait.ge [sflag:s4], $0x0  }
0x19: {  	s7 =	sld [smem:$0x3F93]  }
0x1a: {  	s8 =	sadd.s32 $0xFFFFE003, lr  }
0x1b: {  	s9 =	sadd.s32 $0xFFFFFEF7, lr;
	s5 =	simm.s32 $0xFFFFFFFF;
	p2 =	slt.u32 s8, $0xFFFFF086  }
0x1c: {  	p1 =	slt.u32 s9, $0xF7A;
	s5 =	simm.s32 @!p2 $0x0  }
0x1d: {  	s5 =	simm.s32 @p1 $0x1;
	p0 =	seq.s32 s7, s2  }
0x1e: {  	s7 =	smul.u32 @!p0 $0xF7A, s2;
	p2 =	seq.s32 @!p0 s5, $0x0  }
0x1f: {  	s9 =	smul.u32 $0xF7A, s1;
	s8 =	simm.s32 @!p0 $0x1BF5;
	p2 =	por !p2, p0  }
0x20: {  	[sflag:s8] =	ssyncset.s32 @!p0 $0xFFFFF086;
	s6 =	sadd.s32 @!p0 s3, s7;
	s7 =	simm.s32 @!p0 $0x108  }
0x21: {  	s3 =	sadd.s32 s3, s9;
	s6 =	sadd.s32 @!p0 $0x88, s6;
	s7 =	simm.s32 @p2 $0x1082  }
0x22: {  	[simem:s7], [sflag:s8] =	dma.local @!p0 [hbm:s6], $0xF7A  }
0x23: {  	s9 =	sor.u32 $0xD0000000, s2;
	s6 =	simm.s32 $0x108;
	_ =	swait.ge @!p0 [sflag:s8], $0x0  }
0x24: {  	s3 =	sadd.s32 $0x88, s3;
	s6 =	simm.s32 @!p1 $0x1082;
	[sflag:s4] =	ssyncset.s32 $0xFFFFF086  }
0x25: {  	[simem:s6], [sflag:s4] =	dma.local [hbm:s3], $0xF7A  }
0x26: {  	[smem:$0x3F93] =	sst s1;
	(tag) =	ssettag s2;
	_ =	strace s9  }
0x27: {  	s1 =	sld [smem:$0x3FA3]  }
0x28: {  	s2 =	sld [smem:$0x3FA4]  }
0x29: {  	s4 =	sld [smem:$0x3FA6]  }
0x2a: {  	p0 =	seq.s32 s5, $0x0;
	s5 =	sld [smem:$0x3FA7]  }
0x2b: {  	s6 =	sld [smem:$0x3FA8]  }
0x2c: {  	s7 =	sld [smem:$0x3FA9]  }
0x2d: {  	s3 =	simm.s32 $0x108;
	s8 =	sld [smem:$0x3FAA]  }
0x2e: {  	s3 =	simm.s32 @!p0 $0x1082;
	s9 =	sld [smem:$0x3FAB]  }
0x2f: {  	lr =	sadd.s32 s0, s3;
	s0 =	sld [smem:$0x3FA2]  }
0x30: {  	s3 =	sld [smem:$0x3FA5]  }
0x31: {  	[smem:$0x3FAE] =	sst s10  }
0x32: {  	s10 =	sld [smem:$0x3FAC];
	_ =	sdelay $0x3  }
0x33: {  	p0 =	seq.s32 s10, $0x1;
	s10 =	sld [smem:$0x3FAE];
	_ =	sdelay $0x3  }
0x34: {  	[smem:$0x3FAE] =	sst s10  }
0x35: {  	s10 =	sld [smem:$0x3FAD];
	_ =	sdelay $0x3  }
0x36: {  	p1 =	seq.s32 s10, $0x1;
	s10 =	sld [smem:$0x3FAE];
	_ =	sdelay $0x3  }
0x37: {  	[smem:$0x3FAE] =	sst s10  }
0x38: {  	s10 =	sld [smem:$0x3FAF]  }
0x39: {  	_ = 	snop;
	(pc) =	sbr.ind lr, $3  }
0x3a: {  	_ = 	snop  }
0x3b: {  	_ = 	snop  }
0x3c: {  	p2 =	seq.s32 s10, $0x1;
	s10 =	sld [smem:$0x3FAE]  }
0x3d: {  	_ =	shalt  }
0x3e: {  	_ =	shalt  }
0x3f: {  	_ =	shalt  }
0x40: {  	_ =	shalt  }
0x41: {  	_ =	shalt  }
0x42: {  	_ =	shalt  }
0x43: {  	_ =	shalt  }
0x44: {  	_ =	shalt  }
0x45: {  	_ =	shalt  }
0x46: {  	_ =	shalt  }
0x47: {  	_ =	shalt  }
0x48: {  	_ =	shalt  }
0x49: {  	_ =	shalt  }
0x4a: {  	_ =	shalt  }
0x4b: {  	_ =	shalt  }
0x4c: {  	_ =	shalt  }
0x4d: {  	_ =	shalt  }
0x4e: {  	_ =	shalt  }
0x4f: {  	_ =	shalt  }
0x50: {  	_ =	shalt  }
0x51: {  	_ =	shalt  }
0x52: {  	_ =	shalt  }
0x53: {  	_ =	shalt  }
0x54: {  	_ =	shalt  }
0x55: {  	_ =	shalt  }
0x56: {  	_ =	shalt  }
0x57: {  	_ =	shalt  }
0x58: {  	_ =	shalt  }
0x59: {  	_ =	shalt  }
0x5a: {  	_ =	shalt  }
0x5b: {  	_ =	shalt  }
0x5c: {  	_ =	shalt  }
0x5d: {  	_ =	shalt  }
0x5e: {  	_ =	shalt  }
0x5f: {  	_ =	shalt  }
0x60: {  	_ =	shalt  }
0x61: {  	_ =	shalt  }
0x62: {  	_ =	shalt  }
0x63: {  	_ =	shalt  }
0x64: {  	_ =	shalt  }
0x65: {  	_ =	shalt  }
0x66: {  	_ =	shalt  }
0x67: {  	_ =	shalt  }
0x68: {  	_ =	shalt  }
0x69: {  	_ =	shalt  }
0x6a: {  	_ =	shalt  }
0x6b: {  	_ =	shalt  }
0x6c: {  	_ =	shalt  }
0x6d: {  	_ =	shalt  }
0x6e: {  	_ =	shalt  }
0x6f: {  	_ =	shalt  }
0x70: {  	_ =	shalt  }
0x71: {  	_ =	shalt  }
0x72: {  	_ =	shalt  }
0x73: {  	_ =	shalt  }
0x74: {  	_ =	shalt  }
0x75: {  	_ =	shalt  }
0x76: {  	_ =	shalt  }
0x77: {  	_ =	shalt  }
0x78: {  	_ =	shalt  }
0x79: {  	_ =	shalt  }
0x7a: {  	_ =	shalt  }
0x7b: {  	_ =	shalt  }
0x7c: {  	_ =	shalt  }
0x7d: {  	_ =	shalt  }
0x7e: {  	_ =	shalt  }
0x7f: {  	_ =	shalt  }
0x80: {  	_ =	shalt  }
0x81: {  	_ =	shalt  }
0x82: {  	_ =	shalt  }
0x83: {  	_ =	shalt  }
0x84: {  	_ =	shalt  }
0x85: {  	_ =	shalt  }
0x86: {  	_ =	shalt  }
0x87: {  	_ =	shalt  }
.Lfunc_end0:
.L_simem_size_0:
called_computation_lowered:
.L_overlay_start_0:
0x88: {  	s2 =	sld [smem:$0x3FD9]  }
0x89: {  	s3 =	sld [smem:$0x3FFE];
	_ =	sdelay $0x1  }
0x8a: {  	s1 =	srdreg.scid  }
0x8b: {  	s0 =	sand.u32 $0x1, s1  }
0x8c: {  	s16 =	sshll.u32 s0, $0xA;
	s2 =	sadd.s32 s3, s2  }
0x8d: {  	s2 =	sadd.s32 s2, s16  }
0x8e: {  	[smem:$0x3FBA] =	sst s2  }
0x8f: {  	_ = 	snop  }
0x90: {  	(tm) =	ssettm $0x1  }
0x91: {  	s17 =	sld [smem:$0x3FFB];
	_ =	sdelay $0x3  }
0x92: {  	_ =	strace s17  }
0x93: {  	s2 =	sld [smem:$0x3FFC];
	_ =	sdelay $0x3  }
0x94: {  	_ =	strace s2  }
0x95: {  	s2 =	sld [smem:$0x3FFD];
	_ =	sdelay $0x3  }
0x96: {  	_ =	strace s2  }
0x97: {  	_ =	strace $0x8FFFFFFF  }
0x98: {  	s18 =	sld [smem:$0x3FDB];
	_ =	sdelay $0x1  }
0x99: {  	s19 =	simm.s32 $_scs_section_size  }
0x9a: {  	s4 =	simm.s32 $_size__tile_overlayer_lowered;
	s5 =	simm.s32 $_tile_overlayer_lowered  }
0x9b: {  	s22 =	simm.s32 $0x1BFF;
	s21 =	sshll.u32 s5, $0x1;
	s2 =	sadd.s32 s19, s18  }
0x9c: {  	s6 =	simm.s32 $0x0;
	s20 =	sshll.u32 s4, $0x1;
	s4 =	sadd.s32 s21, s2  }
0x9d: {  	[timem:s6], [sflag:s22] =	dma.local [hbm:s4], s20  }
0x9e: {  	_ =	swait.ge [sflag:s22], s20  }
0x9f: {  	s3 =	ssub.s32 $0x0, s20;
	[sflag:s22] =	ssyncset.done $0x0  }
0xa0: {  	[sflag:s22] =	ssyncadd.s32 s3;
	_ =	sdelay $0x1  }
0xa1: {  	s23 =	simm.s32 $0x1B8B  }
0xa2: {  	_ =	swait.ge [sflag:s23], $0x1  }
0xa3: {  	[sflag:s23] =	ssyncset.done $0x0  }
0xa4: {  	s25 =	simm.s32 $0x1B8E;
	s24 =	sld [smem:$0x3FFE];
	[sflag:s23] =	ssyncadd.s32 $0xFFFFFFFF  }
0xa5: {  	s26 =	simm.s32 $execute0_lowered;
	[smem:$0x3FD2] =	sst s25  }
0xa6: {  	s4 =	sshll.u32 s26, $0x1;
	_ =	strace $0x80000046;
	[dreg:$0x1] =	wrdreg $0xFFFFFFFF  }
0xa7: {  	s28 =	simm.s32 $_size_execute0_lowered;
	s2 =	sadd.s32 s2, s4;
	[dreg:$0x0] =	wrdreg $0x0  }
0xa8: {  	s4 =	sshll.u32 s28, $0x1;
	[dreg:$0x2] =	wrdreg s2  }
0xa9: {  	[dreg:$0x3] =	wrdreg s4  }
0xaa: {  	[dreg:$0x4] =	wrdreg $0xC0  }
0xab: {  	_ =	task [dreg:s6], $0x5FFFF  }
0xac: {  	[dreg:$0x1] =	wrdreg $0xFFFFFFFF  }
0xad: {  	[dreg:$0x0] =	wrdreg $0x60  }
0xae: {  	[dreg:$0x2] =	wrdreg s24  }
0xaf: {  	[dreg:$0x3] =	wrdreg $0xB8800  }
0xb0: {  	[dreg:$0x4] =	wrdreg $0x1F8800  }
0xb1: {  	[dreg:$0x5] =	wrdreg $0x9  }
0xb2: {  	_ =	task.clear_ibuf [dreg:s6], $0x6FFFF;
	_ =	strace $0x90000046  }
0xb3: {  	s29 =	simm.s32 $0x9;
	_ =	strace $0x80000048  }
0xb4: {  	_ =	swait.ge [sflag:s29], $0x1  }
0xb5: {  	[sflag:s29] =	ssyncadd.s32 $0xFFFFFFFF  }
0xb6: {  	_ =	strace $0x90000048  }
0xb7: {  	_ =	sfence  }
0xb8: {  	s30 =	sld [smem:$0x0];
	_ =	sdelay $0x2  }
0xb9: {  	s31 =	sshll.u32 s1, $0xD;
	s1 =	sshrl.u32 s1, $0x2  }
0xba: {  	s3 =	sand.u32 $0x4000, s31;
	s1 =	sadd.s32 s1, s30  }
0xbb: {  	s0 =	sor.u32 s3, s0;
	s1 =	sshll.u32 s1, $0x11  }
0xbc: {  	s0 =	sor.u32 s1, s0  }
0xbd: {  	s0 =	sadd.s32 $0x8F2B, s0  }
0xbe: {  	[sflag:s0] =	ssyncadd.remote.s32 $0x1  }
0xbf: {  	_ =	sfence.sel $0xFFFF  }
0xc0: {  	[dreg:$0x0] =	wrdreg $0xFFFFFFFF;
	(pc) =	sbr.abs _section_cstart, $3  }
0xc1: {  	[dreg:$0x1] =	wrdreg $0xFFFFFFFF  }
0xc2: {  	_ =	task.clear_ibuf [dreg:s6], $0x2FFFF;
	_ =	strace $0x9FFFFFFF  }
0xc3: {  	(tm) =	ssettm $0x7FFFFFFF  }
tec
execute0_lowered:
.L_overlay_start_1:
0x0: {  	(tag) =	ssettag $0x1  }
0x1: {  	s8 =	rddreg [dreg:$0x0]  }
0x2: {  	s1 =	rddreg [dreg:$0x1]  }
0x3: {  	s2 =	rddreg [dreg:$0x2];
	s3 =	simm.s32 $0x0;
	s4 =	srdreg.scid  }
0x4: {  	s13 =	stileid.u32;
	s15 =	simm.s32 $0x9000;
	s17 =	simm.s32 $0x800  }
0x5: {  	s18 =	simm.s32 $0x80;
	s19 =	simm.s32 $0x1000;
	s20 =	simm.s32 $0x5000  }
0x6: {  	s21 =	simm.s32 $0x1;
	s22 =	simm.s32 $0x2;
	s23 =	simm.s32 $0xF00  }
0x7: {  	s24 =	simm.s32 $0xF80;
	s25 =	simm.s32 $0x50;
	s28 =	simm.s32 $0x0  }
0x8: {  	[smem:$0x7FF] =	sst s3;
	s9 =	sand.u32 $0x1, s4;
	s11 =	smul.u32 $0x14000, s13  }
0x9: {  	s4 =	sadd.s32 $0x17400, s8;
	s5 =	sadd.s32 $0x3400, s8;
	s6 =	sadd.s32 $0xD400, s8  }
0xa: {  	s7 =	sadd.s32 $0x3E600, s8;
	s14 =	smul.u32 $0x50000, s13;
	s30 =	sshll.u32 s13, $0x1  }
0xb: {  	s31 =	sshll.u32 s13, $0x6;
	p0 =	sne.s32 s13, $0x0;
	s10 =	smul.u32 $0x140000, s9  }
0xc: {  	_ =	strace $0x80000047;
	s26 =	smul.u32 $0x500, s9;
	s12 =	ssub.s32 $0x2, s9  }
0xd: {  	s9 =	sor.u32 s9, s30;
	s16 =	sshrl.u32 @!p0 s2, $0x3;
	s29 =	sshrl.u32 s12, $0x1  }
0xe: {  	s14 =	sshrl.u32 s14, $0x2;
	s9 =	smul.u32 $0x2800, s9;
	s10 =	sadd.s32 s11, s10  }
0xf: {  	s11 =	sadd.s32 s26, s8;
	s12 =	ssub.s32 s12, s29;
	s14 =	sadd.s32 s14, s1  }
0x10: {  	v0 =	vlaneseq.u32;
	s26 =	simm.s32 $0xB800;
	s10 =	sshrl.u32 s10, $0x3;
	s11 =	sadd.s32 $0x40E00, s11  }
0x11: {  	v5 =	vimm.f32 $1.000000000e+00;
	v1 =	vor.u32 $0x10, v0;
	s12 =	smax.u32 s12, $0x1;
	s13 =	sshrl.u32 s14, $0x3;
	s10 =	sadd.s32 s10, s8  }
0x12: {  	v2 =	vor.u32 $0x20, v0;
	v3 =	vor.u32 $0x30, v0;
	v4 =	vor.u32 $0x40, v0;
	s14 =	simm.s32 $0x3;
	s8 =	sor.u32 $0x1C03, s31;
	s10 =	sadd.s32 $0x41800, s10  }
.LBB2_1:
0x13: {  	[spmem:s13], [sflag:s8] =	dma.local [hbm:s7], $0x2800  }
0x14: {  	_ =	swait.ge [sflag:s14], $0x2800  }
0x15: {  	[sflag:s14] =	ssyncset.done $0x0  }
0x16: {  	[sflag:s14] =	ssyncadd.s32 $0xFFFFD800  }
0x17: {  	[tilespmem:s15], [sflag:$0x3] =	stream.linear.gather [hbm4b:s7+s3], $0x2800, $0x38;
	[tilespmem:$0x1FB00] =	vst v63  }
0x18: {  	_ =	swait.ge [sflag:s14], $0x2800  }
0x19: {  	[sflag:s14] =	ssyncset.done $0x0  }
0x1a: {  	s29 =	simm.s32 @!p0 $0x3;
	[sflag:s14] =	ssyncadd.s32 $0xFFFFD800  }
0x1b: {  	[spmem:s16], [sflag:s8] =	dma.local @!p0 [hbm:s7], $0x500  }
0x1c: {  	_ =	swait.ge @!p0 [sflag:s29], $0x500  }
0x1d: {  	[sflag:s29] =	ssyncset.done @!p0 $0x0  }
0x1e: {  	[sflag:s29] =	ssyncadd.s32 @!p0 $0xFFFFFB00  }
0x1f: {  	[tilespmem:$0xB800] =	vst v0  }
0x20: {  	[tilespmem:$0xB810] =	vst v1  }
0x21: {  	[tilespmem:$0xB820] =	vst v2  }
0x22: {  	[tilespmem:$0xB830] =	vst v3  }
0x23: {  	[tilespmem:$0xB840] =	vst v4  }
0x24: {  	s29 =	simm.s32 $0x0;
	[bflag:$0x0] =	sbarrier.arrive $0xFFFF  }
.LBB2_2:
0x25: {  	s30 =	sshll.u32 s29, $0xB  }
0x26: {  	s30 =	sadd.s32 s9, s30  }
0x27: {  	s31 =	sshrl.u32 s30, $0x3  }
0x28: {  	s30 =	simm.s32 $0x0;
	s0 =	sadd.s32 s5, s31  }
0x29: {  	[tilespmem:s30], [sflag:$0x3] =	stream.linear.gather [hbm4b:s0+s30], $0x800, $0x38;
	[tilespmem:$0x1FB00] =	vst v63  }
0x2a: {  	_ =	swait.ge [sflag:s14], $0x800  }
0x2b: {  	[sflag:s14] =	ssyncset.done $0x0  }
0x2c: {  	s31 =	sadd.s32 s6, s31;
	[sflag:s14] =	ssyncadd.s32 $0xFFFFF800  }
0x2d: {  	[tilespmem:s17], [sflag:$0x3] =	stream.linear.gather [hbm4b:s31+s30], $0x800, $0x38;
	[tilespmem:$0x1FB00] =	vst v63  }
0x2e: {  	_ =	swait.ge [sflag:s14], $0x800  }
0x2f: {  	[sflag:s14] =	ssyncset.done $0x0  }
0x30: {  	[sflag:s14] =	ssyncadd.s32 $0xFFFFF800  }
0x31: {  	[tilespmem:s19], [sflag:$0x1] =	stream.indirect.gather [hbm4b:s4+s18], $0x80, s30, s18, $0xb8;
	[tilespmem:$0x1FB00] =	vst v63  }
0x32: {  	_ = 	snop  }
0x33: {  	[tilespmem:s20], [sflag:$0x2] =	stream.indirect.gather [hbm4b:s4+s18], $0x80, s18, s18, $0xb8;
	[tilespmem:$0x1FB00] =	vst v63  }
.LBB2_3:
0x34: {  	_ =	swait.ge [sflag:s21], $0x4000  }
0x35: {  	[sflag:s21] =	ssyncset.done $0x0  }
0x36: {  	s0 =	sshra.s32 s30, $0x2;
	[sflag:s21] =	ssyncadd.s32 $0xFFFFC000  }
0x37: {  	v6 =	vld [tilespmem:s0+$0x800];
	_ =	sdelay $0x7  }
0x38: {  	[tilespmem:v6+s15+$0x0] =	vst.idx.add.f32.msk $0xffff, v5  }
0x39: {  	v6 =	vld [tilespmem:s0+$0x810];
	_ =	sdelay $0x7  }
0x3a: {  	[tilespmem:v6+s15+$0x0] =	vst.idx.add.f32.msk $0xffff, v5  }
0x3b: {  	v6 =	vld [tilespmem:s0+$0x820];
	_ =	sdelay $0x7  }
0x3c: {  	[tilespmem:v6+s15+$0x0] =	vst.idx.add.f32.msk $0xffff, v5  }
0x3d: {  	v6 =	vld [tilespmem:s0+$0x830];
	_ =	sdelay $0x7  }
0x3e: {  	[tilespmem:v6+s15+$0x0] =	vst.idx.add.f32.msk $0xffff, v5  }
0x3f: {  	v6 =	vld [tilespmem:s0+$0x840];
	_ =	sdelay $0x7  }
0x40: {  	[tilespmem:v6+s15+$0x0] =	vst.idx.add.f32.msk $0xffff, v5  }
0x41: {  	v6 =	vld [tilespmem:s0+$0x850];
	_ =	sdelay $0x7  }
0x42: {  	[tilespmem:v6+s15+$0x0] =	vst.idx.add.f32.msk $0xffff, v5  }
0x43: {  	v6 =	vld [tilespmem:s0+$0x860];
	_ =	sdelay $0x7  }
0x44: {  	[tilespmem:v6+s15+$0x0] =	vst.idx.add.f32.msk $0xffff, v5  }
0x45: {  	v6 =	vld [tilespmem:s0+$0x870];
	_ =	sdelay $0x7  }
0x46: {  	s31 =	sadd.s32 $0x800, s0;
	[tilespmem:v6+s15+$0x0] =	vst.idx.add.f32.msk $0xffff, v5  }
0x47: {  	[spmem:s1] =	stream.indirect.scatter.add.f32 [tilespmem:s19], [sflag:$0x3], $0x80, s31, s18, $0xb8;
	[tilespmem:$0x1FB00] =	vst v63  }
0x48: {  	_ =	swait.ge [sflag:s14], $0x4000  }
0x49: {  	[sflag:s14] =	ssyncset.done $0x0  }
0x4a: {  	s31 =	sadd.s32 $0x100, s0;
	[sflag:s14] =	ssyncadd.s32 $0xFFFFC000  }
0x4b: {  	[tilespmem:s19], [sflag:$0x1] =	stream.indirect.gather [hbm4b:s4+s18], $0x80, s31, s18, $0xb8;
	[tilespmem:$0x1FB00] =	vst v63  }
0x4c: {  	_ =	swait.ge [sflag:s22], $0x4000  }
0x4d: {  	[sflag:s22] =	ssyncset.done $0x0  }
0x4e: {  	[sflag:s22] =	ssyncadd.s32 $0xFFFFC000  }
0x4f: {  	v6 =	vld [tilespmem:s0+$0x880];
	_ =	sdelay $0x7  }
0x50: {  	[tilespmem:v6+s15+$0x0] =	vst.idx.add.f32.msk $0xffff, v5  }
0x51: {  	v6 =	vld [tilespmem:s0+$0x890];
	_ =	sdelay $0x7  }
0x52: {  	[tilespmem:v6+s15+$0x0] =	vst.idx.add.f32.msk $0xffff, v5  }
0x53: {  	v6 =	vld [tilespmem:s0+$0x8A0];
	_ =	sdelay $0x7  }
0x54: {  	[tilespmem:v6+s15+$0x0] =	vst.idx.add.f32.msk $0xffff, v5  }
0x55: {  	v6 =	vld [tilespmem:s0+$0x8B0];
	_ =	sdelay $0x7  }
0x56: {  	[tilespmem:v6+s15+$0x0] =	vst.idx.add.f32.msk $0xffff, v5  }
0x57: {  	v6 =	vld [tilespmem:s0+$0x8C0];
	_ =	sdelay $0x7  }
0x58: {  	[tilespmem:v6+s15+$0x0] =	vst.idx.add.f32.msk $0xffff, v5  }
0x59: {  	v6 =	vld [tilespmem:s0+$0x8D0];
	_ =	sdelay $0x7  }
0x5a: {  	[tilespmem:v6+s15+$0x0] =	vst.idx.add.f32.msk $0xffff, v5  }
0x5b: {  	v6 =	vld [tilespmem:s0+$0x8E0];
	_ =	sdelay $0x7  }
0x5c: {  	[tilespmem:v6+s15+$0x0] =	vst.idx.add.f32.msk $0xffff, v5  }
0x5d: {  	v6 =	vld [tilespmem:s0+$0x8F0];
	_ =	sdelay $0x7  }
0x5e: {  	p1 =	sne.s32 s30, $0x1800;
	s31 =	sadd.s32 $0x880, s0;
	[tilespmem:v6+s15+$0x0] =	vst.idx.add.f32.msk $0xffff, v5  }
0x5f: {  	[spmem:s1] =	stream.indirect.scatter.add.f32 [tilespmem:s20], [sflag:$0x3], $0x80, s31, s18, $0xb8;
	[tilespmem:$0x1FB00] =	vst v63  }
.Ltmp0:
0x60: {  	_ = 	snop;
	(pc) =	sbr.rel @p1 .LBB2_3-.Ltmp0, $4  }
0x61: {  	_ =	swait.ge [sflag:s14], $0x4000  }
0x62: {  	[sflag:s14] =	ssyncset.done $0x0  }
0x63: {  	s30 =	sadd.s32 $0x400, s30;
	s0 =	sadd.s32 $0x180, s0;
	[sflag:s14] =	ssyncadd.s32 $0xFFFFC000  }
0x64: {  	[tilespmem:s20], [sflag:$0x2] =	stream.indirect.gather [hbm4b:s4+s18], $0x80, s0, s18, $0xb8;
	[tilespmem:$0x1FB00] =	vst v63  }
0x65: {  	_ =	swait.ge [sflag:s21], $0x4000  }
0x66: {  	[sflag:s21] =	ssyncset.done $0x0  }
0x67: {  	[sflag:s21] =	ssyncadd.s32 $0xFFFFC000  }
0x68: {  	v6 =	vld [tilespmem:$0xF00];
	_ =	sdelay $0x7  }
0x69: {  	[tilespmem:v6+s15+$0x0] =	vst.idx.add.f32.msk $0xffff, v5  }
0x6a: {  	v6 =	vld [tilespmem:$0xF10];
	_ =	sdelay $0x7  }
0x6b: {  	[tilespmem:v6+s15+$0x0] =	vst.idx.add.f32.msk $0xffff, v5  }
0x6c: {  	v6 =	vld [tilespmem:$0xF20];
	_ =	sdelay $0x7  }
0x6d: {  	[tilespmem:v6+s15+$0x0] =	vst.idx.add.f32.msk $0xffff, v5  }
0x6e: {  	v6 =	vld [tilespmem:$0xF30];
	_ =	sdelay $0x7  }
0x6f: {  	[tilespmem:v6+s15+$0x0] =	vst.idx.add.f32.msk $0xffff, v5  }
0x70: {  	v6 =	vld [tilespmem:$0xF40];
	_ =	sdelay $0x7  }
0x71: {  	[tilespmem:v6+s15+$0x0] =	vst.idx.add.f32.msk $0xffff, v5  }
0x72: {  	v6 =	vld [tilespmem:$0xF50];
	_ =	sdelay $0x7  }
0x73: {  	[tilespmem:v6+s15+$0x0] =	vst.idx.add.f32.msk $0xffff, v5  }
0x74: {  	v6 =	vld [tilespmem:$0xF60];
	_ =	sdelay $0x7  }
0x75: {  	[tilespmem:v6+s15+$0x0] =	vst.idx.add.f32.msk $0xffff, v5  }
0x76: {  	v6 =	vld [tilespmem:$0xF70];
	_ =	sdelay $0x7  }
0x77: {  	[tilespmem:v6+s15+$0x0] =	vst.idx.add.f32.msk $0xffff, v5  }
0x78: {  	[spmem:s1] =	stream.indirect.scatter.add.f32 [tilespmem:s19], [sflag:$0x3], $0x80, s23, s18, $0xb8;
	[tilespmem:$0x1FB00] =	vst v63  }
0x79: {  	_ =	swait.ge [sflag:s14], $0x4000  }
0x7a: {  	[sflag:s14] =	ssyncset.done $0x0  }
0x7b: {  	[sflag:s14] =	ssyncadd.s32 $0xFFFFC000  }
0x7c: {  	_ =	swait.ge [sflag:s22], $0x4000  }
0x7d: {  	[sflag:s22] =	ssyncset.done $0x0  }
0x7e: {  	[sflag:s22] =	ssyncadd.s32 $0xFFFFC000  }
0x7f: {  	v6 =	vld [tilespmem:$0xF80];
	_ =	sdelay $0x7  }
0x80: {  	[tilespmem:v6+s15+$0x0] =	vst.idx.add.f32.msk $0xffff, v5  }
0x81: {  	v6 =	vld [tilespmem:$0xF90];
	_ =	sdelay $0x7  }
0x82: {  	[tilespmem:v6+s15+$0x0] =	vst.idx.add.f32.msk $0xffff, v5  }
0x83: {  	v6 =	vld [tilespmem:$0xFA0];
	_ =	sdelay $0x7  }
0x84: {  	[tilespmem:v6+s15+$0x0] =	vst.idx.add.f32.msk $0xffff, v5  }
0x85: {  	v6 =	vld [tilespmem:$0xFB0];
	_ =	sdelay $0x7  }
0x86: {  	[tilespmem:v6+s15+$0x0] =	vst.idx.add.f32.msk $0xffff, v5  }
0x87: {  	v6 =	vld [tilespmem:$0xFC0];
	_ =	sdelay $0x7  }
0x88: {  	[tilespmem:v6+s15+$0x0] =	vst.idx.add.f32.msk $0xffff, v5  }
0x89: {  	v6 =	vld [tilespmem:$0xFD0];
	_ =	sdelay $0x7  }
0x8a: {  	[tilespmem:v6+s15+$0x0] =	vst.idx.add.f32.msk $0xffff, v5  }
0x8b: {  	v6 =	vld [tilespmem:$0xFE0];
	_ =	sdelay $0x7  }
0x8c: {  	[tilespmem:v6+s15+$0x0] =	vst.idx.add.f32.msk $0xffff, v5  }
0x8d: {  	v6 =	vld [tilespmem:$0xFF0];
	_ =	sdelay $0x5  }
0x8e: {  	s29 =	sadd.s32 $0x1, s29  }
0x8f: {  	p1 =	sne.s32 s29, $0x5  }
.Ltmp1:
0x90: {  	[tilespmem:v6+s15+$0x0] =	vst.idx.add.f32.msk $0xffff, v5;
	(pc) =	sbr.rel @p1 .LBB2_2-.Ltmp1, $4  }
0x91: {  	[spmem:s1] =	stream.indirect.scatter.add.f32 [tilespmem:s20], [sflag:$0x3], $0x80, s24, s18, $0xb8;
	[tilespmem:$0x1FB00] =	vst v63  }
0x92: {  	_ =	swait.ge [sflag:s14], $0x4000  }
0x93: {  	[sflag:s14] =	ssyncset.done $0x0  }
0x94: {  	[sflag:s14] =	ssyncadd.s32 $0xFFFFC000  }
0x95: {  	[spmem:s2] =	stream.indirect.scatter.add.f32 [tilespmem:s15], [sflag:$0x3], $0x80, s26, s25, $0xb8;
	[tilespmem:$0x1FB00] =	vst v63  }
0x96: {  	_ =	swait.ge [sflag:s14], $0x2800  }
0x97: {  	[sflag:s14] =	ssyncset.done $0x0  }
0x98: {  	[sflag:s14] =	ssyncadd.s32 $0xFFFFD800  }
0x99: {  	[bflag:$0x0] =	sbarrier.arrive $0xFFFF  }
0x9a: {  	[hbm:s10], [sflag:s8] =	dma.local [spmem:s13], $0x2800  }
0x9b: {  	s28 =	sadd.s32 $0x1, s28;
	_ =	swait.ge [sflag:s14], $0x2800  }
0x9c: {  	p1 =	sne.s32 s28, s12;
	[sflag:s14] =	ssyncset.done $0x0  }
.Ltmp2:
0x9d: {  	s0 =	simm.s32 @!p0 $0x3;
	[sflag:s14] =	ssyncadd.s32 $0xFFFFD800;
	(pc) =	sbr.rel @p1 .LBB2_1-.Ltmp2, $4  }
0x9e: {  	[hbm:s11], [sflag:s8] =	dma.local @!p0 [spmem:s16], $0x500  }
0x9f: {  	_ =	swait.ge @!p0 [sflag:s0], $0x500  }
0xa0: {  	[sflag:s0] =	ssyncset.done @!p0 $0x0  }
0xa1: {  	[sflag:s0] =	ssyncadd.s32 @!p0 $0xFFFFFB00  }
0xa2: {  	_ =	sfence.sel $0x180000  }
0xa3: {  	[bflag:$0x0] =	sbarrier.arrive $0xFFFF  }
0xa4: {  	_ =	strace $0x90000047  }
0xa5: {  	[bflag:$0x2] =	sbarrier.arrive $0xFFFF  }
0xa6: {  	s0 =	rddreg [dreg:$0x3]  }
0xa7: {  	s0 =	sadd.s32 @!p0 $0x100000, s0  }
0xa8: {  	[sflag:s0] =	ssyncadd.tile.s32 @!p0 $0x1;
	_ =	shalt  }
.Lfunc_end2:
_tile_overlayer_lowered:
.L_overlay_start_2:
0xa9: {  	(tag) =	ssettag $0x2  }
0xaa: {  	s0 =	rddreg [dreg:$0x0];
	s2 =	stileid.u32  }
0xab: {  	s1 =	rddreg [dreg:$0x1];
	p0 =	sne.s32 s2, $0x0  }
0xac: {  	s3 =	rddreg [dreg:$0x2];
	[bflag:$0x3] =	sbarrier.arrive $0xFFFF;
	s2 =	simm.s32 @!p0 $0x1C03  }
0xad: {  	[timem:s3], [sflag:s2] =	dma.local @!p0 [hbm:s0], s1  }
0xae: {  	s0 =	simm.s32 @!p0 $0x3  }
0xaf: {  	_ =	swait.ge @!p0 [sflag:s0], s1  }
0xb0: {  	s1 =	ssub.s32 @!p0 $0x0, s1;
	[sflag:s0] =	ssyncset.done @!p0 $0x0  }
0xb1: {  	[sflag:s0] =	ssyncadd.s32 @!p0 s1  }
0xb2: {  	[bflag:$0x3] =	sbarrier.arrive $0xFFFF  }
0xb3: {  	_ =	shalt  }

</sc_bundles>
